<compile_context>
chip_gen: v7x
topology: tpu7x:2x2x1
jax: 0.10.2.dev20260603
libtpu: 0.0.44.dev20260713+nightly
codegen_flags: <defaults>
</compile_context>

<pallas_src>
import jax
import jax.numpy as jnp
from jax import lax
from jax.experimental import pallas as pl
from jax.experimental.pallas import tpu as pltpu
from jax.experimental.pallas import tpu_sc as plsc

NC, NS = 2, 16
NW = NC * NS
B, L, D = 16384, 50, 64
BW = B // NW
CB = 8
NCHUNK = BW // CB
RPC = CB * L
RPAD = RPC + 16
OPAD = 56
GPIECES = [(0, 128), (128, 128), (256, 128), (384, 16)]
VPIECES = [(0, 128), (128, 128), (256, 128), (384, 128)]
GOFFS = (0, 16, 32, 40)
BITREV = (0, 8, 4, 12, 2, 10, 6, 14, 1, 9, 5, 13, 3, 11, 7, 15)


def _worker_id():
    return lax.axis_index("s") * NC + lax.axis_index("c")


def _hsum16(accs, masks, perms):
    cur = [accs[p] for p in BITREV]
    for (m, perm) in zip(masks, perms):
        nxt = []
        for i in range(len(cur) // 2):
            a, b = cur[2 * i], cur[2 * i + 1]
            x = jnp.where(m, b, a)
            y = jnp.where(m, a, b).at[perm].get(
                mode="promise_in_bounds", unique_indices=True)
            nxt.append(x + y)
        cur = nxt
    return cur[0]


def _body(c_hbm, ctx_hbm, v_hbm, u_hbm, out_hbm, *scratch):
    nv, ng = len(VPIECES), len(GPIECES)
    vidx = scratch[:nv]
    gidx = scratch[nv:nv + ng]
    vrows, urows, obuf, sem = scratch[nv + ng:]

    wid = _worker_id()
    base = wid * BW

    lanes = lax.iota(jnp.int32, 16)
    masks = [(lanes & k) != 0 for k in (8, 4, 2, 1)]
    perms = [lanes ^ k for k in (8, 4, 2, 1)]

    for (off, ln), ib in zip(VPIECES, vidx):
        pltpu.sync_copy(c_hbm.at[pl.ds(base + off, ln)], ib)
    vcps = [
        pltpu.async_copy(v_hbm.at[ib], vrows.at[pl.ds(off, ln)], sem)
        for (off, ln), ib in zip(VPIECES, vidx)
    ]
    for cp in vcps:
        cp.wait()

    def chunk_body(ch, carry):
        for (off, ln), ib in zip(GPIECES, gidx):
            src = pl.multiple_of(base * L + ch * RPC + off, 8)
            pltpu.sync_copy(ctx_hbm.at[pl.ds(src, ln)], ib)
        cps = [
            pltpu.async_copy(u_hbm.at[ib], urows.at[pl.ds(off, ln)], sem)
            for (off, ln), ib in zip(GPIECES, gidx)
        ]
        for cp in cps:
            cp.wait()

        def ci_body(ci, carry2):
            vvec = [vrows[ch * CB + ci, pl.ds(k * 16, 16)] for k in range(4)]
            rbase = ci * L
            for goff in GOFFS:
                accs = []
                for j in range(16):
                    row = rbase + goff + j
                    acc = vvec[0] * urows[row, pl.ds(0, 16)]
                    for k in range(1, 4):
                        acc = acc + vvec[k] * urows[row, pl.ds(k * 16, 16)]
                    accs.append(acc)
                obuf[ci, pl.ds(goff, 16)] = _hsum16(accs, masks, perms)
            return carry2

        lax.fori_loop(0, CB, ci_body, None)

        dst = pl.multiple_of(base + ch * CB, 8)
        pltpu.sync_copy(obuf, out_hbm.at[pl.ds(dst, CB), :])
        return carry

    lax.fori_loop(0, NCHUNK, chunk_body, None)


def kernel(center, context_negative, V, U):
    c_flat = center.reshape(B).astype(jnp.int32)
    ctx_flat = context_negative.reshape(B * L).astype(jnp.int32)
    mesh = plsc.VectorSubcoreMesh(
        core_axis_name="c", subcore_axis_name="s",
        num_cores=NC, num_subcores=NS)
    scratch = (
        [pltpu.VMEM((ln,), jnp.int32) for _, ln in VPIECES]
        + [pltpu.VMEM((ln,), jnp.int32) for _, ln in GPIECES]
        + [
            pltpu.VMEM((BW, D), jnp.float32),
            pltpu.VMEM((RPAD, D), jnp.float32),
            pltpu.VMEM((CB, OPAD), jnp.float32),
            pltpu.SemaphoreType.DMA,
        ]
    )
    out = pl.kernel(
        _body,
        out_type=jax.ShapeDtypeStruct((B, OPAD), jnp.float32),
        mesh=mesh,
        scratch_types=scratch,
        compiler_params=pltpu.CompilerParams(use_tc_tiling_on_sc=False),
    )(c_flat, ctx_flat, V, U)
    return out[:, :L].reshape(B, 1, L)

# --- scband reference (transcript-rebuilt; emitter-appended) ---
"""Pipeline reference for scband-word2vec-37623913513109 (READ-ONLY COPY).

The authoritative reference and input builder live on the scoring server;
editing this copy changes nothing except your own understanding.
"""

import jax, jax.numpy as jnp
import numpy as np

VOCAB = 1000000
EMBED = 64
B = 16384
L = 50

def setup_inputs(seed: int = 0) -> dict:
    key = jax.random.key(seed)
    k1, k2, k3, k4 = jax.random.split(key, 4)
    center = jax.random.randint(k1, (B, 1), 0, VOCAB, dtype=jnp.int64) if jax.config.jax_enable_x64 else jax.random.randint(k1, (B, 1), 0, VOCAB, dtype=jnp.int32)
    context_negative = jax.random.randint(k2, (B, L), 0, VOCAB, dtype=jnp.int32)
    # learned embedding tables (init like nn.Embedding: N(0,1))
    V = jax.random.normal(k3, (VOCAB, EMBED), dtype=jnp.float32)
    U = jax.random.normal(k4, (VOCAB, EMBED), dtype=jnp.float32)
    return {"center": center, "context_negative": context_negative, "V": V, "U": U}

def reference(center, context_negative, V, U):
    # v = embed_v(center): [B, 1, d] via gather
    v = jnp.take(V, center, axis=0)
    # u = embed_u(contexts_and_negatives): [B, L, d] via gather
    u = jnp.take(U, context_negative, axis=0)
    # pred = bmm(v, u.permute(0,2,1)): [B, 1, L]
    pred = jnp.einsum('bqd,bld->bql', v, u)
    return pred

if __name__ == "__main__":
    import jax
    _d = setup_inputs()
    print(jax.jit(kernel)(*tuple(_d.values())))

</pallas_src>

<mosaic_0001>
#map = affine_map<(d0, d1) -> (0)>
#map1 = affine_map<(d0, d1) -> (0, 0)>
module attributes {stable_mosaic.version = 14 : i64} {
  func.func @_body(%arg0: i32, %arg1: i32, %arg2: memref<16384xi32, #tpu.memory_space<hbm>>, %arg3: memref<819200xi32, #tpu.memory_space<hbm>>, %arg4: memref<1000000x64xf32, #tpu.memory_space<hbm>>, %arg5: memref<1000000x64xf32, #tpu.memory_space<hbm>>, %arg6: memref<16384x56xf32, #tpu.memory_space<hbm>>, %arg7: memref<128xi32, #tpu.memory_space<vmem>>, %arg8: memref<128xi32, #tpu.memory_space<vmem>>, %arg9: memref<128xi32, #tpu.memory_space<vmem>>, %arg10: memref<128xi32, #tpu.memory_space<vmem>>, %arg11: memref<128xi32, #tpu.memory_space<vmem>>, %arg12: memref<128xi32, #tpu.memory_space<vmem>>, %arg13: memref<128xi32, #tpu.memory_space<vmem>>, %arg14: memref<16xi32, #tpu.memory_space<vmem>>, %arg15: memref<512x64xf32, #tpu.memory_space<vmem>>, %arg16: memref<416x64xf32, #tpu.memory_space<vmem>>, %arg17: memref<8x56xf32, #tpu.memory_space<vmem>>, %arg18: memref<!tpu.dma_semaphore, #tpu.memory_space<semaphore_mem>>) attributes {dimension_semantics = [#tpu.dimension_semantics<core_parallel>, #tpu.dimension_semantics<subcore_parallel>], iteration_bounds = array<i64: 2, 16>, scalar_prefetch = 0 : i64, scratch_operands = 12 : i64, tpu.core_type = #tpu.core_type<sc_vector_subcore>, window_params = [{transform_indices = #map}, {transform_indices = #map}, {transform_indices = #map1}, {transform_indices = #map1}, {transform_indices = #map1}]} {
    %mul3A = arith.constant 2 : i32
    %mul3A_0 = arith.muli %arg1, %mul3A : i32
    %add3A = arith.addi %mul3A_0, %arg0 : i32
    %mul3A_1 = arith.constant 512 : i32
    %mul3A_2 = arith.muli %add3A, %mul3A_1 : i32
    %iota3A = tpu.iota {dimensions = array<i32: 0>} : vector<16xi32>
    %and3A = arith.constant 8 : i32
    %and3A_3 = vector.broadcast %and3A : i32 to vector<16xi32>
    %and3A_4 = arith.andi %iota3A, %and3A_3 : vector<16xi32>
    %ne3A = arith.constant 0 : i32
    %ne3A_5 = vector.broadcast %ne3A : i32 to vector<16xi32>
    %ne3A_6 = arith.cmpi ne, %and3A_4, %ne3A_5 : vector<16xi32>
    %and3A_7 = arith.constant 4 : i32
    %and3A_8 = vector.broadcast %and3A_7 : i32 to vector<16xi32>
    %and3A_9 = arith.andi %iota3A, %and3A_8 : vector<16xi32>
    %ne3A_10 = arith.constant 0 : i32
    %ne3A_11 = vector.broadcast %ne3A_10 : i32 to vector<16xi32>
    %ne3A_12 = arith.cmpi ne, %and3A_9, %ne3A_11 : vector<16xi32>
    %and3A_13 = arith.constant 2 : i32
    %and3A_14 = vector.broadcast %and3A_13 : i32 to vector<16xi32>
    %and3A_15 = arith.andi %iota3A, %and3A_14 : vector<16xi32>
    %ne3A_16 = arith.constant 0 : i32
    %ne3A_17 = vector.broadcast %ne3A_16 : i32 to vector<16xi32>
    %ne3A_18 = arith.cmpi ne, %and3A_15, %ne3A_17 : vector<16xi32>
    %and3A_19 = arith.constant 1 : i32
    %and3A_20 = vector.broadcast %and3A_19 : i32 to vector<16xi32>
    %and3A_21 = arith.andi %iota3A, %and3A_20 : vector<16xi32>
    %ne3A_22 = arith.constant 0 : i32
    %ne3A_23 = vector.broadcast %ne3A_22 : i32 to vector<16xi32>
    %ne3A_24 = arith.cmpi ne, %and3A_21, %ne3A_23 : vector<16xi32>
    %xor3A = arith.constant 8 : i32
    %xor3A_25 = vector.broadcast %xor3A : i32 to vector<16xi32>
    %xor3A_26 = arith.xori %iota3A, %xor3A_25 : vector<16xi32>
    %xor3A_27 = arith.constant 4 : i32
    %xor3A_28 = vector.broadcast %xor3A_27 : i32 to vector<16xi32>
    %xor3A_29 = arith.xori %iota3A, %xor3A_28 : vector<16xi32>
    %xor3A_30 = arith.constant 2 : i32
    %xor3A_31 = vector.broadcast %xor3A_30 : i32 to vector<16xi32>
    %xor3A_32 = arith.xori %iota3A, %xor3A_31 : vector<16xi32>
    %xor3A_33 = arith.constant 1 : i32
    %xor3A_34 = vector.broadcast %xor3A_33 : i32 to vector<16xi32>
    %xor3A_35 = arith.xori %iota3A, %xor3A_34 : vector<16xi32>
    %add3A_36 = arith.constant 0 : i32
    %add3A_37 = arith.addi %mul3A_2, %add3A_36 : i32
    "tpu.region"() ({
      %run_scoped3A = tpu.sem_alloc : memref<!tpu.dma_semaphore, #tpu.memory_space<semaphore_mem>>
      %dma_start3A_94 = tpu.memref_slice %arg2[%add3A_37] : memref<16384xi32, #tpu.memory_space<hbm>> -> memref<128xi32, #tpu.memory_space<hbm>>
      %dma_start3A_95 = tpu.memref_slice %arg2[%add3A_37] : memref<16384xi32, #tpu.memory_space<hbm>> -> memref<128xi32, #tpu.memory_space<hbm>>
      tpu.enqueue_dma source(%dma_start3A_95 : memref<128xi32, #tpu.memory_space<hbm>>) target(%arg7 : memref<128xi32, #tpu.memory_space<vmem>>) target_semaphore(%run_scoped3A : memref<!tpu.dma_semaphore, #tpu.memory_space<semaphore_mem>>)
      %dma_wait3A_96 = tpu.memref_slice %arg2[%add3A_37] : memref<16384xi32, #tpu.memory_space<hbm>> -> memref<128xi32, #tpu.memory_space<hbm>>
      %dma_wait3A_97 = tpu.memref_slice %arg2[%add3A_37] : memref<16384xi32, #tpu.memory_space<hbm>> -> memref<128xi32, #tpu.memory_space<hbm>>
      tpu.wait_dma2 semaphore(%run_scoped3A : memref<!tpu.dma_semaphore, #tpu.memory_space<semaphore_mem>>) src(%dma_wait3A_97 : memref<128xi32, #tpu.memory_space<hbm>>) dst(%arg7 : memref<128xi32, #tpu.memory_space<vmem>>)
      tpu.yield
    }) : () -> ()
    %add3A_38 = arith.constant 128 : i32
    %add3A_39 = arith.addi %mul3A_2, %add3A_38 : i32
    "tpu.region"() ({
      %run_scoped3A = tpu.sem_alloc : memref<!tpu.dma_semaphore, #tpu.memory_space<semaphore_mem>>
      %dma_start3A_94 = tpu.memref_slice %arg2[%add3A_39] : memref<16384xi32, #tpu.memory_space<hbm>> -> memref<128xi32, #tpu.memory_space<hbm>>
      %dma_start3A_95 = tpu.memref_slice %arg2[%add3A_39] : memref<16384xi32, #tpu.memory_space<hbm>> -> memref<128xi32, #tpu.memory_space<hbm>>
      tpu.enqueue_dma source(%dma_start3A_95 : memref<128xi32, #tpu.memory_space<hbm>>) target(%arg8 : memref<128xi32, #tpu.memory_space<vmem>>) target_semaphore(%run_scoped3A : memref<!tpu.dma_semaphore, #tpu.memory_space<semaphore_mem>>)
      %dma_wait3A_96 = tpu.memref_slice %arg2[%add3A_39] : memref<16384xi32, #tpu.memory_space<hbm>> -> memref<128xi32, #tpu.memory_space<hbm>>
      %dma_wait3A_97 = tpu.memref_slice %arg2[%add3A_39] : memref<16384xi32, #tpu.memory_space<hbm>> -> memref<128xi32, #tpu.memory_space<hbm>>
      tpu.wait_dma2 semaphore(%run_scoped3A : memref<!tpu.dma_semaphore, #tpu.memory_space<semaphore_mem>>) src(%dma_wait3A_97 : memref<128xi32, #tpu.memory_space<hbm>>) dst(%arg8 : memref<128xi32, #tpu.memory_space<vmem>>)
      tpu.yield
    }) : () -> ()
    %add3A_40 = arith.constant 256 : i32
    %add3A_41 = arith.addi %mul3A_2, %add3A_40 : i32
    "tpu.region"() ({
      %run_scoped3A = tpu.sem_alloc : memref<!tpu.dma_semaphore, #tpu.memory_space<semaphore_mem>>
      %dma_start3A_94 = tpu.memref_slice %arg2[%add3A_41] : memref<16384xi32, #tpu.memory_space<hbm>> -> memref<128xi32, #tpu.memory_space<hbm>>
      %dma_start3A_95 = tpu.memref_slice %arg2[%add3A_41] : memref<16384xi32, #tpu.memory_space<hbm>> -> memref<128xi32, #tpu.memory_space<hbm>>
      tpu.enqueue_dma source(%dma_start3A_95 : memref<128xi32, #tpu.memory_space<hbm>>) target(%arg9 : memref<128xi32, #tpu.memory_space<vmem>>) target_semaphore(%run_scoped3A : memref<!tpu.dma_semaphore, #tpu.memory_space<semaphore_mem>>)
      %dma_wait3A_96 = tpu.memref_slice %arg2[%add3A_41] : memref<16384xi32, #tpu.memory_space<hbm>> -> memref<128xi32, #tpu.memory_space<hbm>>
      %dma_wait3A_97 = tpu.memref_slice %arg2[%add3A_41] : memref<16384xi32, #tpu.memory_space<hbm>> -> memref<128xi32, #tpu.memory_space<hbm>>
      tpu.wait_dma2 semaphore(%run_scoped3A : memref<!tpu.dma_semaphore, #tpu.memory_space<semaphore_mem>>) src(%dma_wait3A_97 : memref<128xi32, #tpu.memory_space<hbm>>) dst(%arg9 : memref<128xi32, #tpu.memory_space<vmem>>)
      tpu.yield
    }) : () -> ()
    %add3A_42 = arith.constant 384 : i32
    %add3A_43 = arith.addi %mul3A_2, %add3A_42 : i32
    "tpu.region"() ({
      %run_scoped3A = tpu.sem_alloc : memref<!tpu.dma_semaphore, #tpu.memory_space<semaphore_mem>>
      %dma_start3A_94 = tpu.memref_slice %arg2[%add3A_43] : memref<16384xi32, #tpu.memory_space<hbm>> -> memref<128xi32, #tpu.memory_space<hbm>>
      %dma_start3A_95 = tpu.memref_slice %arg2[%add3A_43] : memref<16384xi32, #tpu.memory_space<hbm>> -> memref<128xi32, #tpu.memory_space<hbm>>
      tpu.enqueue_dma source(%dma_start3A_95 : memref<128xi32, #tpu.memory_space<hbm>>) target(%arg10 : memref<128xi32, #tpu.memory_space<vmem>>) target_semaphore(%run_scoped3A : memref<!tpu.dma_semaphore, #tpu.memory_space<semaphore_mem>>)
      %dma_wait3A_96 = tpu.memref_slice %arg2[%add3A_43] : memref<16384xi32, #tpu.memory_space<hbm>> -> memref<128xi32, #tpu.memory_space<hbm>>
      %dma_wait3A_97 = tpu.memref_slice %arg2[%add3A_43] : memref<16384xi32, #tpu.memory_space<hbm>> -> memref<128xi32, #tpu.memory_space<hbm>>
      tpu.wait_dma2 semaphore(%run_scoped3A : memref<!tpu.dma_semaphore, #tpu.memory_space<semaphore_mem>>) src(%dma_wait3A_97 : memref<128xi32, #tpu.memory_space<hbm>>) dst(%arg10 : memref<128xi32, #tpu.memory_space<vmem>>)
      tpu.yield
    }) : () -> ()
    %dma_start3A = arith.constant 0 : i32
    %dma_start3A_44 = arith.constant 0 : i32
    %dma_start3A_45 = tpu.memref_slice %arg15[%dma_start3A, %dma_start3A_44] : memref<512x64xf32, #tpu.memory_space<vmem>> -> memref<128x64xf32, #tpu.memory_space<vmem>>
    %dma_start3A_46 = arith.constant 0 : i32
    %dma_start3A_47 = arith.constant 0 : i32
    %dma_start3A_48 = tpu.memref_slice %arg4[%dma_start3A_46, %dma_start3A_47] : memref<1000000x64xf32, #tpu.memory_space<hbm>> -> memref<1000000x64xf32, #tpu.memory_space<hbm>>
    tpu.enqueue_indirect_dma source(%dma_start3A_48 : memref<1000000x64xf32, #tpu.memory_space<hbm>>) target(%dma_start3A_45 : memref<128x64xf32, #tpu.memory_space<vmem>>) offsets(%arg7 : memref<128xi32, #tpu.memory_space<vmem>>) semaphore(%arg18 : memref<!tpu.dma_semaphore, #tpu.memory_space<semaphore_mem>>)
    %dma_start3A_49 = arith.constant 128 : i32
    %dma_start3A_50 = arith.constant 0 : i32
    %dma_start3A_51 = tpu.memref_slice %arg15[%dma_start3A_49, %dma_start3A_50] : memref<512x64xf32, #tpu.memory_space<vmem>> -> memref<128x64xf32, #tpu.memory_space<vmem>>
    %dma_start3A_52 = arith.constant 0 : i32
    %dma_start3A_53 = arith.constant 0 : i32
    %dma_start3A_54 = tpu.memref_slice %arg4[%dma_start3A_52, %dma_start3A_53] : memref<1000000x64xf32, #tpu.memory_space<hbm>> -> memref<1000000x64xf32, #tpu.memory_space<hbm>>
    tpu.enqueue_indirect_dma source(%dma_start3A_54 : memref<1000000x64xf32, #tpu.memory_space<hbm>>) target(%dma_start3A_51 : memref<128x64xf32, #tpu.memory_space<vmem>>) offsets(%arg8 : memref<128xi32, #tpu.memory_space<vmem>>) semaphore(%arg18 : memref<!tpu.dma_semaphore, #tpu.memory_space<semaphore_mem>>)
    %dma_start3A_55 = arith.constant 256 : i32
    %dma_start3A_56 = arith.constant 0 : i32
    %dma_start3A_57 = tpu.memref_slice %arg15[%dma_start3A_55, %dma_start3A_56] : memref<512x64xf32, #tpu.memory_space<vmem>> -> memref<128x64xf32, #tpu.memory_space<vmem>>
    %dma_start3A_58 = arith.constant 0 : i32
    %dma_start3A_59 = arith.constant 0 : i32
    %dma_start3A_60 = tpu.memref_slice %arg4[%dma_start3A_58, %dma_start3A_59] : memref<1000000x64xf32, #tpu.memory_space<hbm>> -> memref<1000000x64xf32, #tpu.memory_space<hbm>>
    tpu.enqueue_indirect_dma source(%dma_start3A_60 : memref<1000000x64xf32, #tpu.memory_space<hbm>>) target(%dma_start3A_57 : memref<128x64xf32, #tpu.memory_space<vmem>>) offsets(%arg9 : memref<128xi32, #tpu.memory_space<vmem>>) semaphore(%arg18 : memref<!tpu.dma_semaphore, #tpu.memory_space<semaphore_mem>>)
    %dma_start3A_61 = arith.constant 384 : i32
    %dma_start3A_62 = arith.constant 0 : i32
    %dma_start3A_63 = tpu.memref_slice %arg15[%dma_start3A_61, %dma_start3A_62] : memref<512x64xf32, #tpu.memory_space<vmem>> -> memref<128x64xf32, #tpu.memory_space<vmem>>
    %dma_start3A_64 = arith.constant 0 : i32
    %dma_start3A_65 = arith.constant 0 : i32
    %dma_start3A_66 = tpu.memref_slice %arg4[%dma_start3A_64, %dma_start3A_65] : memref<1000000x64xf32, #tpu.memory_space<hbm>> -> memref<1000000x64xf32, #tpu.memory_space<hbm>>
    tpu.enqueue_indirect_dma source(%dma_start3A_66 : memref<1000000x64xf32, #tpu.memory_space<hbm>>) target(%dma_start3A_63 : memref<128x64xf32, #tpu.memory_space<vmem>>) offsets(%arg10 : memref<128xi32, #tpu.memory_space<vmem>>) semaphore(%arg18 : memref<!tpu.dma_semaphore, #tpu.memory_space<semaphore_mem>>)
    %dma_wait3A = arith.constant 0 : i32
    %dma_wait3A_67 = arith.constant 0 : i32
    %dma_wait3A_68 = tpu.memref_slice %arg15[%dma_wait3A, %dma_wait3A_67] : memref<512x64xf32, #tpu.memory_space<vmem>> -> memref<128x64xf32, #tpu.memory_space<vmem>>
    %dma_wait3A_69 = arith.constant 0 : i32
    %dma_wait3A_70 = arith.constant 0 : i32
    %dma_wait3A_71 = tpu.memref_slice %arg4[%dma_wait3A_69, %dma_wait3A_70] : memref<1000000x64xf32, #tpu.memory_space<hbm>> -> memref<1000000x64xf32, #tpu.memory_space<hbm>>
    tpu.wait_indirect_dma semaphore(%arg18 : memref<!tpu.dma_semaphore, #tpu.memory_space<semaphore_mem>>) src(%dma_wait3A_71 : memref<1000000x64xf32, #tpu.memory_space<hbm>>) dst(%dma_wait3A_68 : memref<128x64xf32, #tpu.memory_space<vmem>>)
    %dma_wait3A_72 = arith.constant 128 : i32
    %dma_wait3A_73 = arith.constant 0 : i32
    %dma_wait3A_74 = tpu.memref_slice %arg15[%dma_wait3A_72, %dma_wait3A_73] : memref<512x64xf32, #tpu.memory_space<vmem>> -> memref<128x64xf32, #tpu.memory_space<vmem>>
    %dma_wait3A_75 = arith.constant 0 : i32
    %dma_wait3A_76 = arith.constant 0 : i32
    %dma_wait3A_77 = tpu.memref_slice %arg4[%dma_wait3A_75, %dma_wait3A_76] : memref<1000000x64xf32, #tpu.memory_space<hbm>> -> memref<1000000x64xf32, #tpu.memory_space<hbm>>
    tpu.wait_indirect_dma semaphore(%arg18 : memref<!tpu.dma_semaphore, #tpu.memory_space<semaphore_mem>>) src(%dma_wait3A_77 : memref<1000000x64xf32, #tpu.memory_space<hbm>>) dst(%dma_wait3A_74 : memref<128x64xf32, #tpu.memory_space<vmem>>)
    %dma_wait3A_78 = arith.constant 256 : i32
    %dma_wait3A_79 = arith.constant 0 : i32
    %dma_wait3A_80 = tpu.memref_slice %arg15[%dma_wait3A_78, %dma_wait3A_79] : memref<512x64xf32, #tpu.memory_space<vmem>> -> memref<128x64xf32, #tpu.memory_space<vmem>>
    %dma_wait3A_81 = arith.constant 0 : i32
    %dma_wait3A_82 = arith.constant 0 : i32
    %dma_wait3A_83 = tpu.memref_slice %arg4[%dma_wait3A_81, %dma_wait3A_82] : memref<1000000x64xf32, #tpu.memory_space<hbm>> -> memref<1000000x64xf32, #tpu.memory_space<hbm>>
    tpu.wait_indirect_dma semaphore(%arg18 : memref<!tpu.dma_semaphore, #tpu.memory_space<semaphore_mem>>) src(%dma_wait3A_83 : memref<1000000x64xf32, #tpu.memory_space<hbm>>) dst(%dma_wait3A_80 : memref<128x64xf32, #tpu.memory_space<vmem>>)
    %dma_wait3A_84 = arith.constant 384 : i32
    %dma_wait3A_85 = arith.constant 0 : i32
    %dma_wait3A_86 = tpu.memref_slice %arg15[%dma_wait3A_84, %dma_wait3A_85] : memref<512x64xf32, #tpu.memory_space<vmem>> -> memref<128x64xf32, #tpu.memory_space<vmem>>
    %dma_wait3A_87 = arith.constant 0 : i32
    %dma_wait3A_88 = arith.constant 0 : i32
    %dma_wait3A_89 = tpu.memref_slice %arg4[%dma_wait3A_87, %dma_wait3A_88] : memref<1000000x64xf32, #tpu.memory_space<hbm>> -> memref<1000000x64xf32, #tpu.memory_space<hbm>>
    tpu.wait_indirect_dma semaphore(%arg18 : memref<!tpu.dma_semaphore, #tpu.memory_space<semaphore_mem>>) src(%dma_wait3A_89 : memref<1000000x64xf32, #tpu.memory_space<hbm>>) dst(%dma_wait3A_86 : memref<128x64xf32, #tpu.memory_space<vmem>>)
    %scan3A = arith.constant 0 : i32
    %scan3A_90 = arith.constant 64 : i32
    %scan3A_91 = arith.addi %scan3A, %scan3A_90 : i32
    %scan3A_92 = arith.constant 1 : i32
    scf.for %scan3A_94 = %scan3A to %scan3A_91 step %scan3A_92  : i32 {
      %mul3A_95 = arith.constant 50 : i32
      %mul3A_96 = arith.muli %mul3A_2, %mul3A_95 : i32
      %mul3A_97 = arith.constant 400 : i32
      %mul3A_98 = arith.muli %scan3A_94, %mul3A_97 : i32
      %add3A_99 = arith.addi %mul3A_96, %mul3A_98 : i32
      %add3A_100 = arith.constant 0 : i32
      %add3A_101 = arith.addi %add3A_99, %add3A_100 : i32
      %multiple_of3A = tpu.assume_multiple %add3A_101, 8 : i32
      "tpu.region"() ({
        %run_scoped3A = tpu.sem_alloc : memref<!tpu.dma_semaphore, #tpu.memory_space<semaphore_mem>>
        %dma_start3A_183 = tpu.memref_slice %arg3[%multiple_of3A] : memref<819200xi32, #tpu.memory_space<hbm>> -> memref<128xi32, #tpu.memory_space<hbm>>
        %dma_start3A_184 = tpu.memref_slice %arg3[%multiple_of3A] : memref<819200xi32, #tpu.memory_space<hbm>> -> memref<128xi32, #tpu.memory_space<hbm>>
        tpu.enqueue_dma source(%dma_start3A_184 : memref<128xi32, #tpu.memory_space<hbm>>) target(%arg11 : memref<128xi32, #tpu.memory_space<vmem>>) target_semaphore(%run_scoped3A : memref<!tpu.dma_semaphore, #tpu.memory_space<semaphore_mem>>)
        %dma_wait3A_185 = tpu.memref_slice %arg3[%multiple_of3A] : memref<819200xi32, #tpu.memory_space<hbm>> -> memref<128xi32, #tpu.memory_space<hbm>>
        %dma_wait3A_186 = tpu.memref_slice %arg3[%multiple_of3A] : memref<819200xi32, #tpu.memory_space<hbm>> -> memref<128xi32, #tpu.memory_space<hbm>>
        tpu.wait_dma2 semaphore(%run_scoped3A : memref<!tpu.dma_semaphore, #tpu.memory_space<semaphore_mem>>) src(%dma_wait3A_186 : memref<128xi32, #tpu.memory_space<hbm>>) dst(%arg11 : memref<128xi32, #tpu.memory_space<vmem>>)
        tpu.yield
      }) : () -> ()
      %mul3A_102 = arith.constant 50 : i32
      %mul3A_103 = arith.muli %mul3A_2, %mul3A_102 : i32
      %mul3A_104 = arith.constant 400 : i32
      %mul3A_105 = arith.muli %scan3A_94, %mul3A_104 : i32
      %add3A_106 = arith.addi %mul3A_103, %mul3A_105 : i32
      %add3A_107 = arith.constant 128 : i32
      %add3A_108 = arith.addi %add3A_106, %add3A_107 : i32
      %multiple_of3A_109 = tpu.assume_multiple %add3A_108, 8 : i32
      "tpu.region"() ({
        %run_scoped3A = tpu.sem_alloc : memref<!tpu.dma_semaphore, #tpu.memory_space<semaphore_mem>>
        %dma_start3A_183 = tpu.memref_slice %arg3[%multiple_of3A_109] : memref<819200xi32, #tpu.memory_space<hbm>> -> memref<128xi32, #tpu.memory_space<hbm>>
        %dma_start3A_184 = tpu.memref_slice %arg3[%multiple_of3A_109] : memref<819200xi32, #tpu.memory_space<hbm>> -> memref<128xi32, #tpu.memory_space<hbm>>
        tpu.enqueue_dma source(%dma_start3A_184 : memref<128xi32, #tpu.memory_space<hbm>>) target(%arg12 : memref<128xi32, #tpu.memory_space<vmem>>) target_semaphore(%run_scoped3A : memref<!tpu.dma_semaphore, #tpu.memory_space<semaphore_mem>>)
        %dma_wait3A_185 = tpu.memref_slice %arg3[%multiple_of3A_109] : memref<819200xi32, #tpu.memory_space<hbm>> -> memref<128xi32, #tpu.memory_space<hbm>>
        %dma_wait3A_186 = tpu.memref_slice %arg3[%multiple_of3A_109] : memref<819200xi32, #tpu.memory_space<hbm>> -> memref<128xi32, #tpu.memory_space<hbm>>
        tpu.wait_dma2 semaphore(%run_scoped3A : memref<!tpu.dma_semaphore, #tpu.memory_space<semaphore_mem>>) src(%dma_wait3A_186 : memref<128xi32, #tpu.memory_space<hbm>>) dst(%arg12 : memref<128xi32, #tpu.memory_space<vmem>>)
        tpu.yield
      }) : () -> ()
      %mul3A_110 = arith.constant 50 : i32
      %mul3A_111 = arith.muli %mul3A_2, %mul3A_110 : i32
      %mul3A_112 = arith.constant 400 : i32
      %mul3A_113 = arith.muli %scan3A_94, %mul3A_112 : i32
      %add3A_114 = arith.addi %mul3A_111, %mul3A_113 : i32
      %add3A_115 = arith.constant 256 : i32
      %add3A_116 = arith.addi %add3A_114, %add3A_115 : i32
      %multiple_of3A_117 = tpu.assume_multiple %add3A_116, 8 : i32
      "tpu.region"() ({
        %run_scoped3A = tpu.sem_alloc : memref<!tpu.dma_semaphore, #tpu.memory_space<semaphore_mem>>
        %dma_start3A_183 = tpu.memref_slice %arg3[%multiple_of3A_117] : memref<819200xi32, #tpu.memory_space<hbm>> -> memref<128xi32, #tpu.memory_space<hbm>>
        %dma_start3A_184 = tpu.memref_slice %arg3[%multiple_of3A_117] : memref<819200xi32, #tpu.memory_space<hbm>> -> memref<128xi32, #tpu.memory_space<hbm>>
        tpu.enqueue_dma source(%dma_start3A_184 : memref<128xi32, #tpu.memory_space<hbm>>) target(%arg13 : memref<128xi32, #tpu.memory_space<vmem>>) target_semaphore(%run_scoped3A : memref<!tpu.dma_semaphore, #tpu.memory_space<semaphore_mem>>)
        %dma_wait3A_185 = tpu.memref_slice %arg3[%multiple_of3A_117] : memref<819200xi32, #tpu.memory_space<hbm>> -> memref<128xi32, #tpu.memory_space<hbm>>
        %dma_wait3A_186 = tpu.memref_slice %arg3[%multiple_of3A_117] : memref<819200xi32, #tpu.memory_space<hbm>> -> memref<128xi32, #tpu.memory_space<hbm>>
        tpu.wait_dma2 semaphore(%run_scoped3A : memref<!tpu.dma_semaphore, #tpu.memory_space<semaphore_mem>>) src(%dma_wait3A_186 : memref<128xi32, #tpu.memory_space<hbm>>) dst(%arg13 : memref<128xi32, #tpu.memory_space<vmem>>)
        tpu.yield
      }) : () -> ()
      %mul3A_118 = arith.constant 50 : i32
      %mul3A_119 = arith.muli %mul3A_2, %mul3A_118 : i32
      %mul3A_120 = arith.constant 400 : i32
      %mul3A_121 = arith.muli %scan3A_94, %mul3A_120 : i32
      %add3A_122 = arith.addi %mul3A_119, %mul3A_121 : i32
      %add3A_123 = arith.constant 384 : i32
      %add3A_124 = arith.addi %add3A_122, %add3A_123 : i32
      %multiple_of3A_125 = tpu.assume_multiple %add3A_124, 8 : i32
      "tpu.region"() ({
        %run_scoped3A = tpu.sem_alloc : memref<!tpu.dma_semaphore, #tpu.memory_space<semaphore_mem>>
        %dma_start3A_183 = tpu.memref_slice %arg3[%multiple_of3A_125] : memref<819200xi32, #tpu.memory_space<hbm>> -> memref<16xi32, #tpu.memory_space<hbm>>
        %dma_start3A_184 = tpu.memref_slice %arg3[%multiple_of3A_125] : memref<819200xi32, #tpu.memory_space<hbm>> -> memref<16xi32, #tpu.memory_space<hbm>>
        tpu.enqueue_dma source(%dma_start3A_184 : memref<16xi32, #tpu.memory_space<hbm>>) target(%arg14 : memref<16xi32, #tpu.memory_space<vmem>>) target_semaphore(%run_scoped3A : memref<!tpu.dma_semaphore, #tpu.memory_space<semaphore_mem>>)
        %dma_wait3A_185 = tpu.memref_slice %arg3[%multiple_of3A_125] : memref<819200xi32, #tpu.memory_space<hbm>> -> memref<16xi32, #tpu.memory_space<hbm>>
        %dma_wait3A_186 = tpu.memref_slice %arg3[%multiple_of3A_125] : memref<819200xi32, #tpu.memory_space<hbm>> -> memref<16xi32, #tpu.memory_space<hbm>>
        tpu.wait_dma2 semaphore(%run_scoped3A : memref<!tpu.dma_semaphore, #tpu.memory_space<semaphore_mem>>) src(%dma_wait3A_186 : memref<16xi32, #tpu.memory_space<hbm>>) dst(%arg14 : memref<16xi32, #tpu.memory_space<vmem>>)
        tpu.yield
      }) : () -> ()
      %dma_start3A_126 = arith.constant 0 : i32
      %dma_start3A_127 = arith.constant 0 : i32
      %dma_start3A_128 = tpu.memref_slice %arg16[%dma_start3A_126, %dma_start3A_127] : memref<416x64xf32, #tpu.memory_space<vmem>> -> memref<128x64xf32, #tpu.memory_space<vmem>>
      %dma_start3A_129 = arith.constant 0 : i32
      %dma_start3A_130 = arith.constant 0 : i32
      %dma_start3A_131 = tpu.memref_slice %arg5[%dma_start3A_129, %dma_start3A_130] : memref<1000000x64xf32, #tpu.memory_space<hbm>> -> memref<1000000x64xf32, #tpu.memory_space<hbm>>
      tpu.enqueue_indirect_dma source(%dma_start3A_131 : memref<1000000x64xf32, #tpu.memory_space<hbm>>) target(%dma_start3A_128 : memref<128x64xf32, #tpu.memory_space<vmem>>) offsets(%arg11 : memref<128xi32, #tpu.memory_space<vmem>>) semaphore(%arg18 : memref<!tpu.dma_semaphore, #tpu.memory_space<semaphore_mem>>)
      %dma_start3A_132 = arith.constant 128 : i32
      %dma_start3A_133 = arith.constant 0 : i32
      %dma_start3A_134 = tpu.memref_slice %arg16[%dma_start3A_132, %dma_start3A_133] : memref<416x64xf32, #tpu.memory_space<vmem>> -> memref<128x64xf32, #tpu.memory_space<vmem>>
      %dma_start3A_135 = arith.constant 0 : i32
      %dma_start3A_136 = arith.constant 0 : i32
      %dma_start3A_137 = tpu.memref_slice %arg5[%dma_start3A_135, %dma_start3A_136] : memref<1000000x64xf32, #tpu.memory_space<hbm>> -> memref<1000000x64xf32, #tpu.memory_space<hbm>>
      tpu.enqueue_indirect_dma source(%dma_start3A_137 : memref<1000000x64xf32, #tpu.memory_space<hbm>>) target(%dma_start3A_134 : memref<128x64xf32, #tpu.memory_space<vmem>>) offsets(%arg12 : memref<128xi32, #tpu.memory_space<vmem>>) semaphore(%arg18 : memref<!tpu.dma_semaphore, #tpu.memory_space<semaphore_mem>>)
      %dma_start3A_138 = arith.constant 256 : i32
      %dma_start3A_139 = arith.constant 0 : i32
      %dma_start3A_140 = tpu.memref_slice %arg16[%dma_start3A_138, %dma_start3A_139] : memref<416x64xf32, #tpu.memory_space<vmem>> -> memref<128x64xf32, #tpu.memory_space<vmem>>
      %dma_start3A_141 = arith.constant 0 : i32
      %dma_start3A_142 = arith.constant 0 : i32
      %dma_start3A_143 = tpu.memref_slice %arg5[%dma_start3A_141, %dma_start3A_142] : memref<1000000x64xf32, #tpu.memory_space<hbm>> -> memref<1000000x64xf32, #tpu.memory_space<hbm>>
      tpu.enqueue_indirect_dma source(%dma_start3A_143 : memref<1000000x64xf32, #tpu.memory_space<hbm>>) target(%dma_start3A_140 : memref<128x64xf32, #tpu.memory_space<vmem>>) offsets(%arg13 : memref<128xi32, #tpu.memory_space<vmem>>) semaphore(%arg18 : memref<!tpu.dma_semaphore, #tpu.memory_space<semaphore_mem>>)
      %dma_start3A_144 = arith.constant 384 : i32
      %dma_start3A_145 = arith.constant 0 : i32
      %dma_start3A_146 = tpu.memref_slice %arg16[%dma_start3A_144, %dma_start3A_145] : memref<416x64xf32, #tpu.memory_space<vmem>> -> memref<16x64xf32, #tpu.memory_space<vmem>>
      %dma_start3A_147 = arith.constant 0 : i32
      %dma_start3A_148 = arith.constant 0 : i32
      %dma_start3A_149 = tpu.memref_slice %arg5[%dma_start3A_147, %dma_start3A_148] : memref<1000000x64xf32, #tpu.memory_space<hbm>> -> memref<1000000x64xf32, #tpu.memory_space<hbm>>
      tpu.enqueue_indirect_dma source(%dma_start3A_149 : memref<1000000x64xf32, #tpu.memory_space<hbm>>) target(%dma_start3A_146 : memref<16x64xf32, #tpu.memory_space<vmem>>) offsets(%arg14 : memref<16xi32, #tpu.memory_space<vmem>>) semaphore(%arg18 : memref<!tpu.dma_semaphore, #tpu.memory_space<semaphore_mem>>)
      %dma_wait3A_150 = arith.constant 0 : i32
      %dma_wait3A_151 = arith.constant 0 : i32
      %dma_wait3A_152 = tpu.memref_slice %arg16[%dma_wait3A_150, %dma_wait3A_151] : memref<416x64xf32, #tpu.memory_space<vmem>> -> memref<128x64xf32, #tpu.memory_space<vmem>>
      %dma_wait3A_153 = arith.constant 0 : i32
      %dma_wait3A_154 = arith.constant 0 : i32
      %dma_wait3A_155 = tpu.memref_slice %arg5[%dma_wait3A_153, %dma_wait3A_154] : memref<1000000x64xf32, #tpu.memory_space<hbm>> -> memref<1000000x64xf32, #tpu.memory_space<hbm>>
      tpu.wait_indirect_dma semaphore(%arg18 : memref<!tpu.dma_semaphore, #tpu.memory_space<semaphore_mem>>) src(%dma_wait3A_155 : memref<1000000x64xf32, #tpu.memory_space<hbm>>) dst(%dma_wait3A_152 : memref<128x64xf32, #tpu.memory_space<vmem>>)
      %dma_wait3A_156 = arith.constant 128 : i32
      %dma_wait3A_157 = arith.constant 0 : i32
      %dma_wait3A_158 = tpu.memref_slice %arg16[%dma_wait3A_156, %dma_wait3A_157] : memref<416x64xf32, #tpu.memory_space<vmem>> -> memref<128x64xf32, #tpu.memory_space<vmem>>
      %dma_wait3A_159 = arith.constant 0 : i32
      %dma_wait3A_160 = arith.constant 0 : i32
      %dma_wait3A_161 = tpu.memref_slice %arg5[%dma_wait3A_159, %dma_wait3A_160] : memref<1000000x64xf32, #tpu.memory_space<hbm>> -> memref<1000000x64xf32, #tpu.memory_space<hbm>>
      tpu.wait_indirect_dma semaphore(%arg18 : memref<!tpu.dma_semaphore, #tpu.memory_space<semaphore_mem>>) src(%dma_wait3A_161 : memref<1000000x64xf32, #tpu.memory_space<hbm>>) dst(%dma_wait3A_158 : memref<128x64xf32, #tpu.memory_space<vmem>>)
      %dma_wait3A_162 = arith.constant 256 : i32
      %dma_wait3A_163 = arith.constant 0 : i32
      %dma_wait3A_164 = tpu.memref_slice %arg16[%dma_wait3A_162, %dma_wait3A_163] : memref<416x64xf32, #tpu.memory_space<vmem>> -> memref<128x64xf32, #tpu.memory_space<vmem>>
      %dma_wait3A_165 = arith.constant 0 : i32
      %dma_wait3A_166 = arith.constant 0 : i32
      %dma_wait3A_167 = tpu.memref_slice %arg5[%dma_wait3A_165, %dma_wait3A_166] : memref<1000000x64xf32, #tpu.memory_space<hbm>> -> memref<1000000x64xf32, #tpu.memory_space<hbm>>
      tpu.wait_indirect_dma semaphore(%arg18 : memref<!tpu.dma_semaphore, #tpu.memory_space<semaphore_mem>>) src(%dma_wait3A_167 : memref<1000000x64xf32, #tpu.memory_space<hbm>>) dst(%dma_wait3A_164 : memref<128x64xf32, #tpu.memory_space<vmem>>)
      %dma_wait3A_168 = arith.constant 384 : i32
      %dma_wait3A_169 = arith.constant 0 : i32
      %dma_wait3A_170 = tpu.memref_slice %arg16[%dma_wait3A_168, %dma_wait3A_169] : memref<416x64xf32, #tpu.memory_space<vmem>> -> memref<16x64xf32, #tpu.memory_space<vmem>>
      %dma_wait3A_171 = arith.constant 0 : i32
      %dma_wait3A_172 = arith.constant 0 : i32
      %dma_wait3A_173 = tpu.memref_slice %arg5[%dma_wait3A_171, %dma_wait3A_172] : memref<1000000x64xf32, #tpu.memory_space<hbm>> -> memref<1000000x64xf32, #tpu.memory_space<hbm>>
      tpu.wait_indirect_dma semaphore(%arg18 : memref<!tpu.dma_semaphore, #tpu.memory_space<semaphore_mem>>) src(%dma_wait3A_173 : memref<1000000x64xf32, #tpu.memory_space<hbm>>) dst(%dma_wait3A_170 : memref<16x64xf32, #tpu.memory_space<vmem>>)
      %scan3A_174 = arith.constant 0 : i32
      %scan3A_175 = arith.constant 8 : i32
      %scan3A_176 = arith.addi %scan3A_174, %scan3A_175 : i32
      %scan3A_177 = arith.constant 1 : i32
      scf.for %scan3A_183 = %scan3A_174 to %scan3A_176 step %scan3A_177  : i32 {
        %mul3A_184 = arith.constant 8 : i32
        %mul3A_185 = arith.muli %scan3A_94, %mul3A_184 : i32
        %add3A_186 = arith.addi %mul3A_185, %scan3A_183 : i32
        %get3A = arith.index_cast %add3A_186 : i32 to index
        %get3A_187 = arith.constant 0 : index
        %get3A_188 = tpu.vector_load %arg15[%get3A, %get3A_187] {strides = array<i32>} : memref<512x64xf32, #tpu.memory_space<vmem>>, vector<1x16xf32>,
        %get3A_189 = vector.shape_cast %get3A_188 : vector<1x16xf32> to vector<16xf32>
        %mul3A_190 = arith.constant 8 : i32
        %mul3A_191 = arith.muli %scan3A_94, %mul3A_190 : i32
        %add3A_192 = arith.addi %mul3A_191, %scan3A_183 : i32
        %get3A_193 = arith.index_cast %add3A_192 : i32 to index
        %get3A_194 = arith.constant 16 : index
        %get3A_195 = tpu.vector_load %arg15[%get3A_193, %get3A_194] {strides = array<i32>} : memref<512x64xf32, #tpu.memory_space<vmem>>, vector<1x16xf32>,
        %get3A_196 = vector.shape_cast %get3A_195 : vector<1x16xf32> to vector<16xf32>
        %mul3A_197 = arith.constant 8 : i32
        %mul3A_198 = arith.muli %scan3A_94, %mul3A_197 : i32
        %add3A_199 = arith.addi %mul3A_198, %scan3A_183 : i32
        %get3A_200 = arith.index_cast %add3A_199 : i32 to index
        %get3A_201 = arith.constant 32 : index
        %get3A_202 = tpu.vector_load %arg15[%get3A_200, %get3A_201] {strides = array<i32>} : memref<512x64xf32, #tpu.memory_space<vmem>>, vector<1x16xf32>,
        %get3A_203 = vector.shape_cast %get3A_202 : vector<1x16xf32> to vector<16xf32>
        %mul3A_204 = arith.constant 8 : i32
        %mul3A_205 = arith.muli %scan3A_94, %mul3A_204 : i32
        %add3A_206 = arith.addi %mul3A_205, %scan3A_183 : i32
        %get3A_207 = arith.index_cast %add3A_206 : i32 to index
        %get3A_208 = arith.constant 48 : index
        %get3A_209 = tpu.vector_load %arg15[%get3A_207, %get3A_208] {strides = array<i32>} : memref<512x64xf32, #tpu.memory_space<vmem>>, vector<1x16xf32>,
        %get3A_210 = vector.shape_cast %get3A_209 : vector<1x16xf32> to vector<16xf32>
        %mul3A_211 = arith.constant 50 : i32
        %mul3A_212 = arith.muli %scan3A_183, %mul3A_211 : i32
        %add3A_213 = arith.constant 0 : i32
        %add3A_214 = arith.addi %mul3A_212, %add3A_213 : i32
        %add3A_215 = arith.constant 0 : i32
        %add3A_216 = arith.addi %add3A_214, %add3A_215 : i32
        %get3A_217 = arith.index_cast %add3A_216 : i32 to index
        %get3A_218 = arith.constant 0 : index
        %get3A_219 = tpu.vector_load %arg16[%get3A_217, %get3A_218] {strides = array<i32>} : memref<416x64xf32, #tpu.memory_space<vmem>>, vector<1x16xf32>,
        %get3A_220 = vector.shape_cast %get3A_219 : vector<1x16xf32> to vector<16xf32>
        %mul3A_221 = arith.mulf %get3A_189, %get3A_220 : vector<16xf32>
        %get3A_222 = arith.index_cast %add3A_216 : i32 to index
        %get3A_223 = arith.constant 16 : index
        %get3A_224 = tpu.vector_load %arg16[%get3A_222, %get3A_223] {strides = array<i32>} : memref<416x64xf32, #tpu.memory_space<vmem>>, vector<1x16xf32>,
        %get3A_225 = vector.shape_cast %get3A_224 : vector<1x16xf32> to vector<16xf32>
        %mul3A_226 = arith.mulf %get3A_196, %get3A_225 : vector<16xf32>
        %add3A_227 = arith.addf %mul3A_221, %mul3A_226 : vector<16xf32>
        %get3A_228 = arith.index_cast %add3A_216 : i32 to index
        %get3A_229 = arith.constant 32 : index
        %get3A_230 = tpu.vector_load %arg16[%get3A_228, %get3A_229] {strides = array<i32>} : memref<416x64xf32, #tpu.memory_space<vmem>>, vector<1x16xf32>,
        %get3A_231 = vector.shape_cast %get3A_230 : vector<1x16xf32> to vector<16xf32>
        %mul3A_232 = arith.mulf %get3A_203, %get3A_231 : vector<16xf32>
        %add3A_233 = arith.addf %add3A_227, %mul3A_232 : vector<16xf32>
        %get3A_234 = arith.index_cast %add3A_216 : i32 to index
        %get3A_235 = arith.constant 48 : index
        %get3A_236 = tpu.vector_load %arg16[%get3A_234, %get3A_235] {strides = array<i32>} : memref<416x64xf32, #tpu.memory_space<vmem>>, vector<1x16xf32>,
        %get3A_237 = vector.shape_cast %get3A_236 : vector<1x16xf32> to vector<16xf32>
        %mul3A_238 = arith.mulf %get3A_210, %get3A_237 : vector<16xf32>
        %add3A_239 = arith.addf %add3A_233, %mul3A_238 : vector<16xf32>
        %add3A_240 = arith.constant 0 : i32
        %add3A_241 = arith.addi %mul3A_212, %add3A_240 : i32
        %add3A_242 = arith.constant 1 : i32
        %add3A_243 = arith.addi %add3A_241, %add3A_242 : i32
        %get3A_244 = arith.index_cast %add3A_243 : i32 to index
        %get3A_245 = arith.constant 0 : index
        %get3A_246 = tpu.vector_load %arg16[%get3A_244, %get3A_245] {strides = array<i32>} : memref<416x64xf32, #tpu.memory_space<vmem>>, vector<1x16xf32>,
        %get3A_247 = vector.shape_cast %get3A_246 : vector<1x16xf32> to vector<16xf32>
        %mul3A_248 = arith.mulf %get3A_189, %get3A_247 : vector<16xf32>
        %get3A_249 = arith.index_cast %add3A_243 : i32 to index
        %get3A_250 = arith.constant 16 : index
        %get3A_251 = tpu.vector_load %arg16[%get3A_249, %get3A_250] {strides = array<i32>} : memref<416x64xf32, #tpu.memory_space<vmem>>, vector<1x16xf32>,
        %get3A_252 = vector.shape_cast %get3A_251 : vector<1x16xf32> to vector<16xf32>
        %mul3A_253 = arith.mulf %get3A_196, %get3A_252 : vector<16xf32>
        %add3A_254 = arith.addf %mul3A_248, %mul3A_253 : vector<16xf32>
        %get3A_255 = arith.index_cast %add3A_243 : i32 to index
        %get3A_256 = arith.constant 32 : index
        %get3A_257 = tpu.vector_load %arg16[%get3A_255, %get3A_256] {strides = array<i32>} : memref<416x64xf32, #tpu.memory_space<vmem>>, vector<1x16xf32>,
        %get3A_258 = vector.shape_cast %get3A_257 : vector<1x16xf32> to vector<16xf32>
        %mul3A_259 = arith.mulf %get3A_203, %get3A_258 : vector<16xf32>
        %add3A_260 = arith.addf %add3A_254, %mul3A_259 : vector<16xf32>
        %get3A_261 = arith.index_cast %add3A_243 : i32 to index
        %get3A_262 = arith.constant 48 : index
        %get3A_263 = tpu.vector_load %arg16[%get3A_261, %get3A_262] {strides = array<i32>} : memref<416x64xf32, #tpu.memory_space<vmem>>, vector<1x16xf32>,
        %get3A_264 = vector.shape_cast %get3A_263 : vector<1x16xf32> to vector<16xf32>
        %mul3A_265 = arith.mulf %get3A_210, %get3A_264 : vector<16xf32>
        %add3A_266 = arith.addf %add3A_260, %mul3A_265 : vector<16xf32>
        %add3A_267 = arith.constant 0 : i32
        %add3A_268 = arith.addi %mul3A_212, %add3A_267 : i32
        %add3A_269 = arith.constant 2 : i32
        %add3A_270 = arith.addi %add3A_268, %add3A_269 : i32
        %get3A_271 = arith.index_cast %add3A_270 : i32 to index
        %get3A_272 = arith.constant 0 : index
        %get3A_273 = tpu.vector_load %arg16[%get3A_271, %get3A_272] {strides = array<i32>} : memref<416x64xf32, #tpu.memory_space<vmem>>, vector<1x16xf32>,
        %get3A_274 = vector.shape_cast %get3A_273 : vector<1x16xf32> to vector<16xf32>
        %mul3A_275 = arith.mulf %get3A_189, %get3A_274 : vector<16xf32>
        %get3A_276 = arith.index_cast %add3A_270 : i32 to index
        %get3A_277 = arith.constant 16 : index
        %get3A_278 = tpu.vector_load %arg16[%get3A_276, %get3A_277] {strides = array<i32>} : memref<416x64xf32, #tpu.memory_space<vmem>>, vector<1x16xf32>,
        %get3A_279 = vector.shape_cast %get3A_278 : vector<1x16xf32> to vector<16xf32>
        %mul3A_280 = arith.mulf %get3A_196, %get3A_279 : vector<16xf32>
        %add3A_281 = arith.addf %mul3A_275, %mul3A_280 : vector<16xf32>
        %get3A_282 = arith.index_cast %add3A_270 : i32 to index
        %get3A_283 = arith.constant 32 : index
        %get3A_284 = tpu.vector_load %arg16[%get3A_282, %get3A_283] {strides = array<i32>} : memref<416x64xf32, #tpu.memory_space<vmem>>, vector<1x16xf32>,
        %get3A_285 = vector.shape_cast %get3A_284 : vector<1x16xf32> to vector<16xf32>
        %mul3A_286 = arith.mulf %get3A_203, %get3A_285 : vector<16xf32>
        %add3A_287 = arith.addf %add3A_281, %mul3A_286 : vector<16xf32>
        %get3A_288 = arith.index_cast %add3A_270 : i32 to index
        %get3A_289 = arith.constant 48 : index
        %get3A_290 = tpu.vector_load %arg16[%get3A_288, %get3A_289] {strides = array<i32>} : memref<416x64xf32, #tpu.memory_space<vmem>>, vector<1x16xf32>,
        %get3A_291 = vector.shape_cast %get3A_290 : vector<1x16xf32> to vector<16xf32>
        %mul3A_292 = arith.mulf %get3A_210, %get3A_291 : vector<16xf32>
        %add3A_293 = arith.addf %add3A_287, %mul3A_292 : vector<16xf32>
        %add3A_294 = arith.constant 0 : i32
        %add3A_295 = arith.addi %mul3A_212, %add3A_294 : i32
        %add3A_296 = arith.constant 3 : i32
        %add3A_297 = arith.addi %add3A_295, %add3A_296 : i32
        %get3A_298 = arith.index_cast %add3A_297 : i32 to index
        %get3A_299 = arith.constant 0 : index
        %get3A_300 = tpu.vector_load %arg16[%get3A_298, %get3A_299] {strides = array<i32>} : memref<416x64xf32, #tpu.memory_space<vmem>>, vector<1x16xf32>,
        %get3A_301 = vector.shape_cast %get3A_300 : vector<1x16xf32> to vector<16xf32>
        %mul3A_302 = arith.mulf %get3A_189, %get3A_301 : vector<16xf32>
        %get3A_303 = arith.index_cast %add3A_297 : i32 to index
        %get3A_304 = arith.constant 16 : index
        %get3A_305 = tpu.vector_load %arg16[%get3A_303, %get3A_304] {strides = array<i32>} : memref<416x64xf32, #tpu.memory_space<vmem>>, vector<1x16xf32>,
        %get3A_306 = vector.shape_cast %get3A_305 : vector<1x16xf32> to vector<16xf32>
        %mul3A_307 = arith.mulf %get3A_196, %get3A_306 : vector<16xf32>
        %add3A_308 = arith.addf %mul3A_302, %mul3A_307 : vector<16xf32>
        %get3A_309 = arith.index_cast %add3A_297 : i32 to index
        %get3A_310 = arith.constant 32 : index
        %get3A_311 = tpu.vector_load %arg16[%get3A_309, %get3A_310] {strides = array<i32>} : memref<416x64xf32, #tpu.memory_space<vmem>>, vector<1x16xf32>,
        %get3A_312 = vector.shape_cast %get3A_311 : vector<1x16xf32> to vector<16xf32>
        %mul3A_313 = arith.mulf %get3A_203, %get3A_312 : vector<16xf32>
        %add3A_314 = arith.addf %add3A_308, %mul3A_313 : vector<16xf32>
        %get3A_315 = arith.index_cast %add3A_297 : i32 to index
        %get3A_316 = arith.constant 48 : index
        %get3A_317 = tpu.vector_load %arg16[%get3A_315, %get3A_316] {strides = array<i32>} : memref<416x64xf32, #tpu.memory_space<vmem>>, vector<1x16xf32>,
        %get3A_318 = vector.shape_cast %get3A_317 : vector<1x16xf32> to vector<16xf32>
        %mul3A_319 = arith.mulf %get3A_210, %get3A_318 : vector<16xf32>
        %add3A_320 = arith.addf %add3A_314, %mul3A_319 : vector<16xf32>
        %add3A_321 = arith.constant 0 : i32
        %add3A_322 = arith.addi %mul3A_212, %add3A_321 : i32
        %add3A_323 = arith.constant 4 : i32
        %add3A_324 = arith.addi %add3A_322, %add3A_323 : i32
        %get3A_325 = arith.index_cast %add3A_324 : i32 to index
        %get3A_326 = arith.constant 0 : index
        %get3A_327 = tpu.vector_load %arg16[%get3A_325, %get3A_326] {strides = array<i32>} : memref<416x64xf32, #tpu.memory_space<vmem>>, vector<1x16xf32>,
        %get3A_328 = vector.shape_cast %get3A_327 : vector<1x16xf32> to vector<16xf32>
        %mul3A_329 = arith.mulf %get3A_189, %get3A_328 : vector<16xf32>
        %get3A_330 = arith.index_cast %add3A_324 : i32 to index
        %get3A_331 = arith.constant 16 : index
        %get3A_332 = tpu.vector_load %arg16[%get3A_330, %get3A_331] {strides = array<i32>} : memref<416x64xf32, #tpu.memory_space<vmem>>, vector<1x16xf32>,
        %get3A_333 = vector.shape_cast %get3A_332 : vector<1x16xf32> to vector<16xf32>
        %mul3A_334 = arith.mulf %get3A_196, %get3A_333 : vector<16xf32>
        %add3A_335 = arith.addf %mul3A_329, %mul3A_334 : vector<16xf32>
        %get3A_336 = arith.index_cast %add3A_324 : i32 to index
        %get3A_337 = arith.constant 32 : index
        %get3A_338 = tpu.vector_load %arg16[%get3A_336, %get3A_337] {strides = array<i32>} : memref<416x64xf32, #tpu.memory_space<vmem>>, vector<1x16xf32>,
        %get3A_339 = vector.shape_cast %get3A_338 : vector<1x16xf32> to vector<16xf32>
        %mul3A_340 = arith.mulf %get3A_203, %get3A_339 : vector<16xf32>
        %add3A_341 = arith.addf %add3A_335, %mul3A_340 : vector<16xf32>
        %get3A_342 = arith.index_cast %add3A_324 : i32 to index
        %get3A_343 = arith.constant 48 : index
        %get3A_344 = tpu.vector_load %arg16[%get3A_342, %get3A_343] {strides = array<i32>} : memref<416x64xf32, #tpu.memory_space<vmem>>, vector<1x16xf32>,
        %get3A_345 = vector.shape_cast %get3A_344 : vector<1x16xf32> to vector<16xf32>
        %mul3A_346 = arith.mulf %get3A_210, %get3A_345 : vector<16xf32>
        %add3A_347 = arith.addf %add3A_341, %mul3A_346 : vector<16xf32>
        %add3A_348 = arith.constant 0 : i32
        %add3A_349 = arith.addi %mul3A_212, %add3A_348 : i32
        %add3A_350 = arith.constant 5 : i32
        %add3A_351 = arith.addi %add3A_349, %add3A_350 : i32
        %get3A_352 = arith.index_cast %add3A_351 : i32 to index
        %get3A_353 = arith.constant 0 : index
        %get3A_354 = tpu.vector_load %arg16[%get3A_352, %get3A_353] {strides = array<i32>} : memref<416x64xf32, #tpu.memory_space<vmem>>, vector<1x16xf32>,
        %get3A_355 = vector.shape_cast %get3A_354 : vector<1x16xf32> to vector<16xf32>
        %mul3A_356 = arith.mulf %get3A_189, %get3A_355 : vector<16xf32>
        %get3A_357 = arith.index_cast %add3A_351 : i32 to index
        %get3A_358 = arith.constant 16 : index
        %get3A_359 = tpu.vector_load %arg16[%get3A_357, %get3A_358] {strides = array<i32>} : memref<416x64xf32, #tpu.memory_space<vmem>>, vector<1x16xf32>,
        %get3A_360 = vector.shape_cast %get3A_359 : vector<1x16xf32> to vector<16xf32>
        %mul3A_361 = arith.mulf %get3A_196, %get3A_360 : vector<16xf32>
        %add3A_362 = arith.addf %mul3A_356, %mul3A_361 : vector<16xf32>
        %get3A_363 = arith.index_cast %add3A_351 : i32 to index
        %get3A_364 = arith.constant 32 : index
        %get3A_365 = tpu.vector_load %arg16[%get3A_363, %get3A_364] {strides = array<i32>} : memref<416x64xf32, #tpu.memory_space<vmem>>, vector<1x16xf32>,
        %get3A_366 = vector.shape_cast %get3A_365 : vector<1x16xf32> to vector<16xf32>
        %mul3A_367 = arith.mulf %get3A_203, %get3A_366 : vector<16xf32>
        %add3A_368 = arith.addf %add3A_362, %mul3A_367 : vector<16xf32>
        %get3A_369 = arith.index_cast %add3A_351 : i32 to index
        %get3A_370 = arith.constant 48 : index
        %get3A_371 = tpu.vector_load %arg16[%get3A_369, %get3A_370] {strides = array<i32>} : memref<416x64xf32, #tpu.memory_space<vmem>>, vector<1x16xf32>,
        %get3A_372 = vector.shape_cast %get3A_371 : vector<1x16xf32> to vector<16xf32>
        %mul3A_373 = arith.mulf %get3A_210, %get3A_372 : vector<16xf32>
        %add3A_374 = arith.addf %add3A_368, %mul3A_373 : vector<16xf32>
        %add3A_375 = arith.constant 0 : i32
        %add3A_376 = arith.addi %mul3A_212, %add3A_375 : i32
        %add3A_377 = arith.constant 6 : i32
        %add3A_378 = arith.addi %add3A_376, %add3A_377 : i32
        %get3A_379 = arith.index_cast %add3A_378 : i32 to index
        %get3A_380 = arith.constant 0 : index
        %get3A_381 = tpu.vector_load %arg16[%get3A_379, %get3A_380] {strides = array<i32>} : memref<416x64xf32, #tpu.memory_space<vmem>>, vector<1x16xf32>,
        %get3A_382 = vector.shape_cast %get3A_381 : vector<1x16xf32> to vector<16xf32>
        %mul3A_383 = arith.mulf %get3A_189, %get3A_382 : vector<16xf32>
        %get3A_384 = arith.index_cast %add3A_378 : i32 to index
        %get3A_385 = arith.constant 16 : index
        %get3A_386 = tpu.vector_load %arg16[%get3A_384, %get3A_385] {strides = array<i32>} : memref<416x64xf32, #tpu.memory_space<vmem>>, vector<1x16xf32>,
        %get3A_387 = vector.shape_cast %get3A_386 : vector<1x16xf32> to vector<16xf32>
        %mul3A_388 = arith.mulf %get3A_196, %get3A_387 : vector<16xf32>
        %add3A_389 = arith.addf %mul3A_383, %mul3A_388 : vector<16xf32>
        %get3A_390 = arith.index_cast %add3A_378 : i32 to index
        %get3A_391 = arith.constant 32 : index
        %get3A_392 = tpu.vector_load %arg16[%get3A_390, %get3A_391] {strides = array<i32>} : memref<416x64xf32, #tpu.memory_space<vmem>>, vector<1x16xf32>,
        %get3A_393 = vector.shape_cast %get3A_392 : vector<1x16xf32> to vector<16xf32>
        %mul3A_394 = arith.mulf %get3A_203, %get3A_393 : vector<16xf32>
        %add3A_395 = arith.addf %add3A_389, %mul3A_394 : vector<16xf32>
        %get3A_396 = arith.index_cast %add3A_378 : i32 to index
        %get3A_397 = arith.constant 48 : index
        %get3A_398 = tpu.vector_load %arg16[%get3A_396, %get3A_397] {strides = array<i32>} : memref<416x64xf32, #tpu.memory_space<vmem>>, vector<1x16xf32>,
        %get3A_399 = vector.shape_cast %get3A_398 : vector<1x16xf32> to vector<16xf32>
        %mul3A_400 = arith.mulf %get3A_210, %get3A_399 : vector<16xf32>
        %add3A_401 = arith.addf %add3A_395, %mul3A_400 : vector<16xf32>
        %add3A_402 = arith.constant 0 : i32
        %add3A_403 = arith.addi %mul3A_212, %add3A_402 : i32
        %add3A_404 = arith.constant 7 : i32
        %add3A_405 = arith.addi %add3A_403, %add3A_404 : i32
        %get3A_406 = arith.index_cast %add3A_405 : i32 to index
        %get3A_407 = arith.constant 0 : index
        %get3A_408 = tpu.vector_load %arg16[%get3A_406, %get3A_407] {strides = array<i32>} : memref<416x64xf32, #tpu.memory_space<vmem>>, vector<1x16xf32>,
        %get3A_409 = vector.shape_cast %get3A_408 : vector<1x16xf32> to vector<16xf32>
        %mul3A_410 = arith.mulf %get3A_189, %get3A_409 : vector<16xf32>
        %get3A_411 = arith.index_cast %add3A_405 : i32 to index
        %get3A_412 = arith.constant 16 : index
        %get3A_413 = tpu.vector_load %arg16[%get3A_411, %get3A_412] {strides = array<i32>} : memref<416x64xf32, #tpu.memory_space<vmem>>, vector<1x16xf32>,
        %get3A_414 = vector.shape_cast %get3A_413 : vector<1x16xf32> to vector<16xf32>
        %mul3A_415 = arith.mulf %get3A_196, %get3A_414 : vector<16xf32>
        %add3A_416 = arith.addf %mul3A_410, %mul3A_415 : vector<16xf32>
        %get3A_417 = arith.index_cast %add3A_405 : i32 to index
        %get3A_418 = arith.constant 32 : index
        %get3A_419 = tpu.vector_load %arg16[%get3A_417, %get3A_418] {strides = array<i32>} : memref<416x64xf32, #tpu.memory_space<vmem>>, vector<1x16xf32>,
        %get3A_420 = vector.shape_cast %get3A_419 : vector<1x16xf32> to vector<16xf32>
        %mul3A_421 = arith.mulf %get3A_203, %get3A_420 : vector<16xf32>
        %add3A_422 = arith.addf %add3A_416, %mul3A_421 : vector<16xf32>
        %get3A_423 = arith.index_cast %add3A_405 : i32 to index
        %get3A_424 = arith.constant 48 : index
        %get3A_425 = tpu.vector_load %arg16[%get3A_423, %get3A_424] {strides = array<i32>} : memref<416x64xf32, #tpu.memory_space<vmem>>, vector<1x16xf32>,
        %get3A_426 = vector.shape_cast %get3A_425 : vector<1x16xf32> to vector<16xf32>
        %mul3A_427 = arith.mulf %get3A_210, %get3A_426 : vector<16xf32>
        %add3A_428 = arith.addf %add3A_422, %mul3A_427 : vector<16xf32>
        %add3A_429 = arith.constant 0 : i32
        %add3A_430 = arith.addi %mul3A_212, %add3A_429 : i32
        %add3A_431 = arith.constant 8 : i32
        %add3A_432 = arith.addi %add3A_430, %add3A_431 : i32
        %get3A_433 = arith.index_cast %add3A_432 : i32 to index
        %get3A_434 = arith.constant 0 : index
        %get3A_435 = tpu.vector_load %arg16[%get3A_433, %get3A_434] {strides = array<i32>} : memref<416x64xf32, #tpu.memory_space<vmem>>, vector<1x16xf32>,
        %get3A_436 = vector.shape_cast %get3A_435 : vector<1x16xf32> to vector<16xf32>
        %mul3A_437 = arith.mulf %get3A_189, %get3A_436 : vector<16xf32>
        %get3A_438 = arith.index_cast %add3A_432 : i32 to index
        %get3A_439 = arith.constant 16 : index
        %get3A_440 = tpu.vector_load %arg16[%get3A_438, %get3A_439] {strides = array<i32>} : memref<416x64xf32, #tpu.memory_space<vmem>>, vector<1x16xf32>,
        %get3A_441 = vector.shape_cast %get3A_440 : vector<1x16xf32> to vector<16xf32>
        %mul3A_442 = arith.mulf %get3A_196, %get3A_441 : vector<16xf32>
        %add3A_443 = arith.addf %mul3A_437, %mul3A_442 : vector<16xf32>
        %get3A_444 = arith.index_cast %add3A_432 : i32 to index
        %get3A_445 = arith.constant 32 : index
        %get3A_446 = tpu.vector_load %arg16[%get3A_444, %get3A_445] {strides = array<i32>} : memref<416x64xf32, #tpu.memory_space<vmem>>, vector<1x16xf32>,
        %get3A_447 = vector.shape_cast %get3A_446 : vector<1x16xf32> to vector<16xf32>
        %mul3A_448 = arith.mulf %get3A_203, %get3A_447 : vector<16xf32>
        %add3A_449 = arith.addf %add3A_443, %mul3A_448 : vector<16xf32>
        %get3A_450 = arith.index_cast %add3A_432 : i32 to index
        %get3A_451 = arith.constant 48 : index
        %get3A_452 = tpu.vector_load %arg16[%get3A_450, %get3A_451] {strides = array<i32>} : memref<416x64xf32, #tpu.memory_space<vmem>>, vector<1x16xf32>,
        %get3A_453 = vector.shape_cast %get3A_452 : vector<1x16xf32> to vector<16xf32>
        %mul3A_454 = arith.mulf %get3A_210, %get3A_453 : vector<16xf32>
        %add3A_455 = arith.addf %add3A_449, %mul3A_454 : vector<16xf32>
        %add3A_456 = arith.constant 0 : i32
        %add3A_457 = arith.addi %mul3A_212, %add3A_456 : i32
        %add3A_458 = arith.constant 9 : i32
        %add3A_459 = arith.addi %add3A_457, %add3A_458 : i32
        %get3A_460 = arith.index_cast %add3A_459 : i32 to index
        %get3A_461 = arith.constant 0 : index
        %get3A_462 = tpu.vector_load %arg16[%get3A_460, %get3A_461] {strides = array<i32>} : memref<416x64xf32, #tpu.memory_space<vmem>>, vector<1x16xf32>,
        %get3A_463 = vector.shape_cast %get3A_462 : vector<1x16xf32> to vector<16xf32>
        %mul3A_464 = arith.mulf %get3A_189, %get3A_463 : vector<16xf32>
        %get3A_465 = arith.index_cast %add3A_459 : i32 to index
        %get3A_466 = arith.constant 16 : index
        %get3A_467 = tpu.vector_load %arg16[%get3A_465, %get3A_466] {strides = array<i32>} : memref<416x64xf32, #tpu.memory_space<vmem>>, vector<1x16xf32>,
        %get3A_468 = vector.shape_cast %get3A_467 : vector<1x16xf32> to vector<16xf32>
        %mul3A_469 = arith.mulf %get3A_196, %get3A_468 : vector<16xf32>
        %add3A_470 = arith.addf %mul3A_464, %mul3A_469 : vector<16xf32>
        %get3A_471 = arith.index_cast %add3A_459 : i32 to index
        %get3A_472 = arith.constant 32 : index
        %get3A_473 = tpu.vector_load %arg16[%get3A_471, %get3A_472] {strides = array<i32>} : memref<416x64xf32, #tpu.memory_space<vmem>>, vector<1x16xf32>,
        %get3A_474 = vector.shape_cast %get3A_473 : vector<1x16xf32> to vector<16xf32>
        %mul3A_475 = arith.mulf %get3A_203, %get3A_474 : vector<16xf32>
        %add3A_476 = arith.addf %add3A_470, %mul3A_475 : vector<16xf32>
        %get3A_477 = arith.index_cast %add3A_459 : i32 to index
        %get3A_478 = arith.constant 48 : index
        %get3A_479 = tpu.vector_load %arg16[%get3A_477, %get3A_478] {strides = array<i32>} : memref<416x64xf32, #tpu.memory_space<vmem>>, vector<1x16xf32>,
        %get3A_480 = vector.shape_cast %get3A_479 : vector<1x16xf32> to vector<16xf32>
        %mul3A_481 = arith.mulf %get3A_210, %get3A_480 : vector<16xf32>
        %add3A_482 = arith.addf %add3A_476, %mul3A_481 : vector<16xf32>
        %add3A_483 = arith.constant 0 : i32
        %add3A_484 = arith.addi %mul3A_212, %add3A_483 : i32
        %add3A_485 = arith.constant 10 : i32
        %add3A_486 = arith.addi %add3A_484, %add3A_485 : i32
        %get3A_487 = arith.index_cast %add3A_486 : i32 to index
        %get3A_488 = arith.constant 0 : index
        %get3A_489 = tpu.vector_load %arg16[%get3A_487, %get3A_488] {strides = array<i32>} : memref<416x64xf32, #tpu.memory_space<vmem>>, vector<1x16xf32>,
        %get3A_490 = vector.shape_cast %get3A_489 : vector<1x16xf32> to vector<16xf32>
        %mul3A_491 = arith.mulf %get3A_189, %get3A_490 : vector<16xf32>
        %get3A_492 = arith.index_cast %add3A_486 : i32 to index
        %get3A_493 = arith.constant 16 : index
        %get3A_494 = tpu.vector_load %arg16[%get3A_492, %get3A_493] {strides = array<i32>} : memref<416x64xf32, #tpu.memory_space<vmem>>, vector<1x16xf32>,
        %get3A_495 = vector.shape_cast %get3A_494 : vector<1x16xf32> to vector<16xf32>
        %mul3A_496 = arith.mulf %get3A_196, %get3A_495 : vector<16xf32>
        %add3A_497 = arith.addf %mul3A_491, %mul3A_496 : vector<16xf32>
        %get3A_498 = arith.index_cast %add3A_486 : i32 to index
        %get3A_499 = arith.constant 32 : index
        %get3A_500 = tpu.vector_load %arg16[%get3A_498, %get3A_499] {strides = array<i32>} : memref<416x64xf32, #tpu.memory_space<vmem>>, vector<1x16xf32>,
        %get3A_501 = vector.shape_cast %get3A_500 : vector<1x16xf32> to vector<16xf32>
        %mul3A_502 = arith.mulf %get3A_203, %get3A_501 : vector<16xf32>
        %add3A_503 = arith.addf %add3A_497, %mul3A_502 : vector<16xf32>
        %get3A_504 = arith.index_cast %add3A_486 : i32 to index
        %get3A_505 = arith.constant 48 : index
        %get3A_506 = tpu.vector_load %arg16[%get3A_504, %get3A_505] {strides = array<i32>} : memref<416x64xf32, #tpu.memory_space<vmem>>, vector<1x16xf32>,
        %get3A_507 = vector.shape_cast %get3A_506 : vector<1x16xf32> to vector<16xf32>
        %mul3A_508 = arith.mulf %get3A_210, %get3A_507 : vector<16xf32>
        %add3A_509 = arith.addf %add3A_503, %mul3A_508 : vector<16xf32>
        %add3A_510 = arith.constant 0 : i32
        %add3A_511 = arith.addi %mul3A_212, %add3A_510 : i32
        %add3A_512 = arith.constant 11 : i32
        %add3A_513 = arith.addi %add3A_511, %add3A_512 : i32
        %get3A_514 = arith.index_cast %add3A_513 : i32 to index
        %get3A_515 = arith.constant 0 : index
        %get3A_516 = tpu.vector_load %arg16[%get3A_514, %get3A_515] {strides = array<i32>} : memref<416x64xf32, #tpu.memory_space<vmem>>, vector<1x16xf32>,
        %get3A_517 = vector.shape_cast %get3A_516 : vector<1x16xf32> to vector<16xf32>
        %mul3A_518 = arith.mulf %get3A_189, %get3A_517 : vector<16xf32>
        %get3A_519 = arith.index_cast %add3A_513 : i32 to index
        %get3A_520 = arith.constant 16 : index
        %get3A_521 = tpu.vector_load %arg16[%get3A_519, %get3A_520] {strides = array<i32>} : memref<416x64xf32, #tpu.memory_space<vmem>>, vector<1x16xf32>,
        %get3A_522 = vector.shape_cast %get3A_521 : vector<1x16xf32> to vector<16xf32>
        %mul3A_523 = arith.mulf %get3A_196, %get3A_522 : vector<16xf32>
        %add3A_524 = arith.addf %mul3A_518, %mul3A_523 : vector<16xf32>
        %get3A_525 = arith.index_cast %add3A_513 : i32 to index
        %get3A_526 = arith.constant 32 : index
        %get3A_527 = tpu.vector_load %arg16[%get3A_525, %get3A_526] {strides = array<i32>} : memref<416x64xf32, #tpu.memory_space<vmem>>, vector<1x16xf32>,
        %get3A_528 = vector.shape_cast %get3A_527 : vector<1x16xf32> to vector<16xf32>
        %mul3A_529 = arith.mulf %get3A_203, %get3A_528 : vector<16xf32>
        %add3A_530 = arith.addf %add3A_524, %mul3A_529 : vector<16xf32>
        %get3A_531 = arith.index_cast %add3A_513 : i32 to index
        %get3A_532 = arith.constant 48 : index
        %get3A_533 = tpu.vector_load %arg16[%get3A_531, %get3A_532] {strides = array<i32>} : memref<416x64xf32, #tpu.memory_space<vmem>>, vector<1x16xf32>,
        %get3A_534 = vector.shape_cast %get3A_533 : vector<1x16xf32> to vector<16xf32>
        %mul3A_535 = arith.mulf %get3A_210, %get3A_534 : vector<16xf32>
        %add3A_536 = arith.addf %add3A_530, %mul3A_535 : vector<16xf32>
        %add3A_537 = arith.constant 0 : i32
        %add3A_538 = arith.addi %mul3A_212, %add3A_537 : i32
        %add3A_539 = arith.constant 12 : i32
        %add3A_540 = arith.addi %add3A_538, %add3A_539 : i32
        %get3A_541 = arith.index_cast %add3A_540 : i32 to index
        %get3A_542 = arith.constant 0 : index
        %get3A_543 = tpu.vector_load %arg16[%get3A_541, %get3A_542] {strides = array<i32>} : memref<416x64xf32, #tpu.memory_space<vmem>>, vector<1x16xf32>,
        %get3A_544 = vector.shape_cast %get3A_543 : vector<1x16xf32> to vector<16xf32>
        %mul3A_545 = arith.mulf %get3A_189, %get3A_544 : vector<16xf32>
        %get3A_546 = arith.index_cast %add3A_540 : i32 to index
        %get3A_547 = arith.constant 16 : index
        %get3A_548 = tpu.vector_load %arg16[%get3A_546, %get3A_547] {strides = array<i32>} : memref<416x64xf32, #tpu.memory_space<vmem>>, vector<1x16xf32>,
        %get3A_549 = vector.shape_cast %get3A_548 : vector<1x16xf32> to vector<16xf32>
        %mul3A_550 = arith.mulf %get3A_196, %get3A_549 : vector<16xf32>
        %add3A_551 = arith.addf %mul3A_545, %mul3A_550 : vector<16xf32>
        %get3A_552 = arith.index_cast %add3A_540 : i32 to index
        %get3A_553 = arith.constant 32 : index
        %get3A_554 = tpu.vector_load %arg16[%get3A_552, %get3A_553] {strides = array<i32>} : memref<416x64xf32, #tpu.memory_space<vmem>>, vector<1x16xf32>,
        %get3A_555 = vector.shape_cast %get3A_554 : vector<1x16xf32> to vector<16xf32>
        %mul3A_556 = arith.mulf %get3A_203, %get3A_555 : vector<16xf32>
        %add3A_557 = arith.addf %add3A_551, %mul3A_556 : vector<16xf32>
        %get3A_558 = arith.index_cast %add3A_540 : i32 to index
        %get3A_559 = arith.constant 48 : index
        %get3A_560 = tpu.vector_load %arg16[%get3A_558, %get3A_559] {strides = array<i32>} : memref<416x64xf32, #tpu.memory_space<vmem>>, vector<1x16xf32>,
        %get3A_561 = vector.shape_cast %get3A_560 : vector<1x16xf32> to vector<16xf32>
        %mul3A_562 = arith.mulf %get3A_210, %get3A_561 : vector<16xf32>
        %add3A_563 = arith.addf %add3A_557, %mul3A_562 : vector<16xf32>
        %add3A_564 = arith.constant 0 : i32
        %add3A_565 = arith.addi %mul3A_212, %add3A_564 : i32
        %add3A_566 = arith.constant 13 : i32
        %add3A_567 = arith.addi %add3A_565, %add3A_566 : i32
        %get3A_568 = arith.index_cast %add3A_567 : i32 to index
        %get3A_569 = arith.constant 0 : index
        %get3A_570 = tpu.vector_load %arg16[%get3A_568, %get3A_569] {strides = array<i32>} : memref<416x64xf32, #tpu.memory_space<vmem>>, vector<1x16xf32>,
        %get3A_571 = vector.shape_cast %get3A_570 : vector<1x16xf32> to vector<16xf32>
        %mul3A_572 = arith.mulf %get3A_189, %get3A_571 : vector<16xf32>
        %get3A_573 = arith.index_cast %add3A_567 : i32 to index
        %get3A_574 = arith.constant 16 : index
        %get3A_575 = tpu.vector_load %arg16[%get3A_573, %get3A_574] {strides = array<i32>} : memref<416x64xf32, #tpu.memory_space<vmem>>, vector<1x16xf32>,
        %get3A_576 = vector.shape_cast %get3A_575 : vector<1x16xf32> to vector<16xf32>
        %mul3A_577 = arith.mulf %get3A_196, %get3A_576 : vector<16xf32>
        %add3A_578 = arith.addf %mul3A_572, %mul3A_577 : vector<16xf32>
        %get3A_579 = arith.index_cast %add3A_567 : i32 to index
        %get3A_580 = arith.constant 32 : index
        %get3A_581 = tpu.vector_load %arg16[%get3A_579, %get3A_580] {strides = array<i32>} : memref<416x64xf32, #tpu.memory_space<vmem>>, vector<1x16xf32>,
        %get3A_582 = vector.shape_cast %get3A_581 : vector<1x16xf32> to vector<16xf32>
        %mul3A_583 = arith.mulf %get3A_203, %get3A_582 : vector<16xf32>
        %add3A_584 = arith.addf %add3A_578, %mul3A_583 : vector<16xf32>
        %get3A_585 = arith.index_cast %add3A_567 : i32 to index
        %get3A_586 = arith.constant 48 : index
        %get3A_587 = tpu.vector_load %arg16[%get3A_585, %get3A_586] {strides = array<i32>} : memref<416x64xf32, #tpu.memory_space<vmem>>, vector<1x16xf32>,
        %get3A_588 = vector.shape_cast %get3A_587 : vector<1x16xf32> to vector<16xf32>
        %mul3A_589 = arith.mulf %get3A_210, %get3A_588 : vector<16xf32>
        %add3A_590 = arith.addf %add3A_584, %mul3A_589 : vector<16xf32>
        %add3A_591 = arith.constant 0 : i32
        %add3A_592 = arith.addi %mul3A_212, %add3A_591 : i32
        %add3A_593 = arith.constant 14 : i32
        %add3A_594 = arith.addi %add3A_592, %add3A_593 : i32
        %get3A_595 = arith.index_cast %add3A_594 : i32 to index
        %get3A_596 = arith.constant 0 : index
        %get3A_597 = tpu.vector_load %arg16[%get3A_595, %get3A_596] {strides = array<i32>} : memref<416x64xf32, #tpu.memory_space<vmem>>, vector<1x16xf32>,
        %get3A_598 = vector.shape_cast %get3A_597 : vector<1x16xf32> to vector<16xf32>
        %mul3A_599 = arith.mulf %get3A_189, %get3A_598 : vector<16xf32>
        %get3A_600 = arith.index_cast %add3A_594 : i32 to index
        %get3A_601 = arith.constant 16 : index
        %get3A_602 = tpu.vector_load %arg16[%get3A_600, %get3A_601] {strides = array<i32>} : memref<416x64xf32, #tpu.memory_space<vmem>>, vector<1x16xf32>,
        %get3A_603 = vector.shape_cast %get3A_602 : vector<1x16xf32> to vector<16xf32>
        %mul3A_604 = arith.mulf %get3A_196, %get3A_603 : vector<16xf32>
        %add3A_605 = arith.addf %mul3A_599, %mul3A_604 : vector<16xf32>
        %get3A_606 = arith.index_cast %add3A_594 : i32 to index
        %get3A_607 = arith.constant 32 : index
        %get3A_608 = tpu.vector_load %arg16[%get3A_606, %get3A_607] {strides = array<i32>} : memref<416x64xf32, #tpu.memory_space<vmem>>, vector<1x16xf32>,
        %get3A_609 = vector.shape_cast %get3A_608 : vector<1x16xf32> to vector<16xf32>
        %mul3A_610 = arith.mulf %get3A_203, %get3A_609 : vector<16xf32>
        %add3A_611 = arith.addf %add3A_605, %mul3A_610 : vector<16xf32>
        %get3A_612 = arith.index_cast %add3A_594 : i32 to index
        %get3A_613 = arith.constant 48 : index
        %get3A_614 = tpu.vector_load %arg16[%get3A_612, %get3A_613] {strides = array<i32>} : memref<416x64xf32, #tpu.memory_space<vmem>>, vector<1x16xf32>,
        %get3A_615 = vector.shape_cast %get3A_614 : vector<1x16xf32> to vector<16xf32>
        %mul3A_616 = arith.mulf %get3A_210, %get3A_615 : vector<16xf32>
        %add3A_617 = arith.addf %add3A_611, %mul3A_616 : vector<16xf32>
        %add3A_618 = arith.constant 0 : i32
        %add3A_619 = arith.addi %mul3A_212, %add3A_618 : i32
        %add3A_620 = arith.constant 15 : i32
        %add3A_621 = arith.addi %add3A_619, %add3A_620 : i32
        %get3A_622 = arith.index_cast %add3A_621 : i32 to index
        %get3A_623 = arith.constant 0 : index
        %get3A_624 = tpu.vector_load %arg16[%get3A_622, %get3A_623] {strides = array<i32>} : memref<416x64xf32, #tpu.memory_space<vmem>>, vector<1x16xf32>,
        %get3A_625 = vector.shape_cast %get3A_624 : vector<1x16xf32> to vector<16xf32>
        %mul3A_626 = arith.mulf %get3A_189, %get3A_625 : vector<16xf32>
        %get3A_627 = arith.index_cast %add3A_621 : i32 to index
        %get3A_628 = arith.constant 16 : index
        %get3A_629 = tpu.vector_load %arg16[%get3A_627, %get3A_628] {strides = array<i32>} : memref<416x64xf32, #tpu.memory_space<vmem>>, vector<1x16xf32>,
        %get3A_630 = vector.shape_cast %get3A_629 : vector<1x16xf32> to vector<16xf32>
        %mul3A_631 = arith.mulf %get3A_196, %get3A_630 : vector<16xf32>
        %add3A_632 = arith.addf %mul3A_626, %mul3A_631 : vector<16xf32>
        %get3A_633 = arith.index_cast %add3A_621 : i32 to index
        %get3A_634 = arith.constant 32 : index
        %get3A_635 = tpu.vector_load %arg16[%get3A_633, %get3A_634] {strides = array<i32>} : memref<416x64xf32, #tpu.memory_space<vmem>>, vector<1x16xf32>,
        %get3A_636 = vector.shape_cast %get3A_635 : vector<1x16xf32> to vector<16xf32>
        %mul3A_637 = arith.mulf %get3A_203, %get3A_636 : vector<16xf32>
        %add3A_638 = arith.addf %add3A_632, %mul3A_637 : vector<16xf32>
        %get3A_639 = arith.index_cast %add3A_621 : i32 to index
        %get3A_640 = arith.constant 48 : index
        %get3A_641 = tpu.vector_load %arg16[%get3A_639, %get3A_640] {strides = array<i32>} : memref<416x64xf32, #tpu.memory_space<vmem>>, vector<1x16xf32>,
        %get3A_642 = vector.shape_cast %get3A_641 : vector<1x16xf32> to vector<16xf32>
        %mul3A_643 = arith.mulf %get3A_210, %get3A_642 : vector<16xf32>
        %add3A_644 = arith.addf %add3A_638, %mul3A_643 : vector<16xf32>
        %select_n3A = arith.select %ne3A_6, %add3A_455, %add3A_239 : vector<16xi1>, vector<16xf32>
        %select_n3A_645 = arith.select %ne3A_6, %add3A_239, %add3A_455 : vector<16xi1>, vector<16xf32>
        %lt3A = arith.constant 0 : i32
        %lt3A_646 = vector.broadcast %lt3A : i32 to vector<16xi32>
        %lt3A_647 = arith.cmpi slt, %xor3A_26, %lt3A_646 : vector<16xi32>
        %add3A_648 = arith.constant 16 : i32
        %add3A_649 = vector.broadcast %add3A_648 : i32 to vector<16xi32>
        %add3A_650 = arith.addi %xor3A_26, %add3A_649 : vector<16xi32>
        %select_n3A_651 = arith.select %lt3A_647, %add3A_650, %xor3A_26 : vector<16xi1>, vector<16xi32>
        %broadcast_in_dim3A = vector.shape_cast %select_n3A_651 : vector<16xi32> to vector<16x1xi32>
        %gather3A = vector.shape_cast %broadcast_in_dim3A : vector<16x1xi32> to vector<16xi32>
        %gather3A_652 = tpu.dynamic_gather %select_n3A_645[%gather3A] in [0] : vector<16xf32>, vector<16xi32> -> vector<16xf32>
        %add3A_653 = arith.addf %select_n3A, %gather3A_652 : vector<16xf32>
        %select_n3A_654 = arith.select %ne3A_6, %add3A_563, %add3A_347 : vector<16xi1>, vector<16xf32>
        %select_n3A_655 = arith.select %ne3A_6, %add3A_347, %add3A_563 : vector<16xi1>, vector<16xf32>
        %lt3A_656 = arith.constant 0 : i32
        %lt3A_657 = vector.broadcast %lt3A_656 : i32 to vector<16xi32>
        %lt3A_658 = arith.cmpi slt, %xor3A_26, %lt3A_657 : vector<16xi32>
        %add3A_659 = arith.constant 16 : i32
        %add3A_660 = vector.broadcast %add3A_659 : i32 to vector<16xi32>
        %add3A_661 = arith.addi %xor3A_26, %add3A_660 : vector<16xi32>
        %select_n3A_662 = arith.select %lt3A_658, %add3A_661, %xor3A_26 : vector<16xi1>, vector<16xi32>
        %broadcast_in_dim3A_663 = vector.shape_cast %select_n3A_662 : vector<16xi32> to vector<16x1xi32>
        %gather3A_664 = vector.shape_cast %broadcast_in_dim3A_663 : vector<16x1xi32> to vector<16xi32>
        %gather3A_665 = tpu.dynamic_gather %select_n3A_655[%gather3A_664] in [0] : vector<16xf32>, vector<16xi32> -> vector<16xf32>
        %add3A_666 = arith.addf %select_n3A_654, %gather3A_665 : vector<16xf32>
        %select_n3A_667 = arith.select %ne3A_6, %add3A_509, %add3A_293 : vector<16xi1>, vector<16xf32>
        %select_n3A_668 = arith.select %ne3A_6, %add3A_293, %add3A_509 : vector<16xi1>, vector<16xf32>
        %lt3A_669 = arith.constant 0 : i32
        %lt3A_670 = vector.broadcast %lt3A_669 : i32 to vector<16xi32>
        %lt3A_671 = arith.cmpi slt, %xor3A_26, %lt3A_670 : vector<16xi32>
        %add3A_672 = arith.constant 16 : i32
        %add3A_673 = vector.broadcast %add3A_672 : i32 to vector<16xi32>
        %add3A_674 = arith.addi %xor3A_26, %add3A_673 : vector<16xi32>
        %select_n3A_675 = arith.select %lt3A_671, %add3A_674, %xor3A_26 : vector<16xi1>, vector<16xi32>
        %broadcast_in_dim3A_676 = vector.shape_cast %select_n3A_675 : vector<16xi32> to vector<16x1xi32>
        %gather3A_677 = vector.shape_cast %broadcast_in_dim3A_676 : vector<16x1xi32> to vector<16xi32>
        %gather3A_678 = tpu.dynamic_gather %select_n3A_668[%gather3A_677] in [0] : vector<16xf32>, vector<16xi32> -> vector<16xf32>
        %add3A_679 = arith.addf %select_n3A_667, %gather3A_678 : vector<16xf32>
        %select_n3A_680 = arith.select %ne3A_6, %add3A_617, %add3A_401 : vector<16xi1>, vector<16xf32>
        %select_n3A_681 = arith.select %ne3A_6, %add3A_401, %add3A_617 : vector<16xi1>, vector<16xf32>
        %lt3A_682 = arith.constant 0 : i32
        %lt3A_683 = vector.broadcast %lt3A_682 : i32 to vector<16xi32>
        %lt3A_684 = arith.cmpi slt, %xor3A_26, %lt3A_683 : vector<16xi32>
        %add3A_685 = arith.constant 16 : i32
        %add3A_686 = vector.broadcast %add3A_685 : i32 to vector<16xi32>
        %add3A_687 = arith.addi %xor3A_26, %add3A_686 : vector<16xi32>
        %select_n3A_688 = arith.select %lt3A_684, %add3A_687, %xor3A_26 : vector<16xi1>, vector<16xi32>
        %broadcast_in_dim3A_689 = vector.shape_cast %select_n3A_688 : vector<16xi32> to vector<16x1xi32>
        %gather3A_690 = vector.shape_cast %broadcast_in_dim3A_689 : vector<16x1xi32> to vector<16xi32>
        %gather3A_691 = tpu.dynamic_gather %select_n3A_681[%gather3A_690] in [0] : vector<16xf32>, vector<16xi32> -> vector<16xf32>
        %add3A_692 = arith.addf %select_n3A_680, %gather3A_691 : vector<16xf32>
        %select_n3A_693 = arith.select %ne3A_6, %add3A_482, %add3A_266 : vector<16xi1>, vector<16xf32>
        %select_n3A_694 = arith.select %ne3A_6, %add3A_266, %add3A_482 : vector<16xi1>, vector<16xf32>
        %lt3A_695 = arith.constant 0 : i32
        %lt3A_696 = vector.broadcast %lt3A_695 : i32 to vector<16xi32>
        %lt3A_697 = arith.cmpi slt, %xor3A_26, %lt3A_696 : vector<16xi32>
        %add3A_698 = arith.constant 16 : i32
        %add3A_699 = vector.broadcast %add3A_698 : i32 to vector<16xi32>
        %add3A_700 = arith.addi %xor3A_26, %add3A_699 : vector<16xi32>
        %select_n3A_701 = arith.select %lt3A_697, %add3A_700, %xor3A_26 : vector<16xi1>, vector<16xi32>
        %broadcast_in_dim3A_702 = vector.shape_cast %select_n3A_701 : vector<16xi32> to vector<16x1xi32>
        %gather3A_703 = vector.shape_cast %broadcast_in_dim3A_702 : vector<16x1xi32> to vector<16xi32>
        %gather3A_704 = tpu.dynamic_gather %select_n3A_694[%gather3A_703] in [0] : vector<16xf32>, vector<16xi32> -> vector<16xf32>
        %add3A_705 = arith.addf %select_n3A_693, %gather3A_704 : vector<16xf32>
        %select_n3A_706 = arith.select %ne3A_6, %add3A_590, %add3A_374 : vector<16xi1>, vector<16xf32>
        %select_n3A_707 = arith.select %ne3A_6, %add3A_374, %add3A_590 : vector<16xi1>, vector<16xf32>
        %lt3A_708 = arith.constant 0 : i32
        %lt3A_709 = vector.broadcast %lt3A_708 : i32 to vector<16xi32>
        %lt3A_710 = arith.cmpi slt, %xor3A_26, %lt3A_709 : vector<16xi32>
        %add3A_711 = arith.constant 16 : i32
        %add3A_712 = vector.broadcast %add3A_711 : i32 to vector<16xi32>
        %add3A_713 = arith.addi %xor3A_26, %add3A_712 : vector<16xi32>
        %select_n3A_714 = arith.select %lt3A_710, %add3A_713, %xor3A_26 : vector<16xi1>, vector<16xi32>
        %broadcast_in_dim3A_715 = vector.shape_cast %select_n3A_714 : vector<16xi32> to vector<16x1xi32>
        %gather3A_716 = vector.shape_cast %broadcast_in_dim3A_715 : vector<16x1xi32> to vector<16xi32>
        %gather3A_717 = tpu.dynamic_gather %select_n3A_707[%gather3A_716] in [0] : vector<16xf32>, vector<16xi32> -> vector<16xf32>
        %add3A_718 = arith.addf %select_n3A_706, %gather3A_717 : vector<16xf32>
        %select_n3A_719 = arith.select %ne3A_6, %add3A_536, %add3A_320 : vector<16xi1>, vector<16xf32>
        %select_n3A_720 = arith.select %ne3A_6, %add3A_320, %add3A_536 : vector<16xi1>, vector<16xf32>
        %lt3A_721 = arith.constant 0 : i32
        %lt3A_722 = vector.broadcast %lt3A_721 : i32 to vector<16xi32>
        %lt3A_723 = arith.cmpi slt, %xor3A_26, %lt3A_722 : vector<16xi32>
        %add3A_724 = arith.constant 16 : i32
        %add3A_725 = vector.broadcast %add3A_724 : i32 to vector<16xi32>
        %add3A_726 = arith.addi %xor3A_26, %add3A_725 : vector<16xi32>
        %select_n3A_727 = arith.select %lt3A_723, %add3A_726, %xor3A_26 : vector<16xi1>, vector<16xi32>
        %broadcast_in_dim3A_728 = vector.shape_cast %select_n3A_727 : vector<16xi32> to vector<16x1xi32>
        %gather3A_729 = vector.shape_cast %broadcast_in_dim3A_728 : vector<16x1xi32> to vector<16xi32>
        %gather3A_730 = tpu.dynamic_gather %select_n3A_720[%gather3A_729] in [0] : vector<16xf32>, vector<16xi32> -> vector<16xf32>
        %add3A_731 = arith.addf %select_n3A_719, %gather3A_730 : vector<16xf32>
        %select_n3A_732 = arith.select %ne3A_6, %add3A_644, %add3A_428 : vector<16xi1>, vector<16xf32>
        %select_n3A_733 = arith.select %ne3A_6, %add3A_428, %add3A_644 : vector<16xi1>, vector<16xf32>
        %lt3A_734 = arith.constant 0 : i32
        %lt3A_735 = vector.broadcast %lt3A_734 : i32 to vector<16xi32>
        %lt3A_736 = arith.cmpi slt, %xor3A_26, %lt3A_735 : vector<16xi32>
        %add3A_737 = arith.constant 16 : i32
        %add3A_738 = vector.broadcast %add3A_737 : i32 to vector<16xi32>
        %add3A_739 = arith.addi %xor3A_26, %add3A_738 : vector<16xi32>
        %select_n3A_740 = arith.select %lt3A_736, %add3A_739, %xor3A_26 : vector<16xi1>, vector<16xi32>
        %broadcast_in_dim3A_741 = vector.shape_cast %select_n3A_740 : vector<16xi32> to vector<16x1xi32>
        %gather3A_742 = vector.shape_cast %broadcast_in_dim3A_741 : vector<16x1xi32> to vector<16xi32>
        %gather3A_743 = tpu.dynamic_gather %select_n3A_733[%gather3A_742] in [0] : vector<16xf32>, vector<16xi32> -> vector<16xf32>
        %add3A_744 = arith.addf %select_n3A_732, %gather3A_743 : vector<16xf32>
        %select_n3A_745 = arith.select %ne3A_12, %add3A_666, %add3A_653 : vector<16xi1>, vector<16xf32>
        %select_n3A_746 = arith.select %ne3A_12, %add3A_653, %add3A_666 : vector<16xi1>, vector<16xf32>
        %lt3A_747 = arith.constant 0 : i32
        %lt3A_748 = vector.broadcast %lt3A_747 : i32 to vector<16xi32>
        %lt3A_749 = arith.cmpi slt, %xor3A_29, %lt3A_748 : vector<16xi32>
        %add3A_750 = arith.constant 16 : i32
        %add3A_751 = vector.broadcast %add3A_750 : i32 to vector<16xi32>
        %add3A_752 = arith.addi %xor3A_29, %add3A_751 : vector<16xi32>
        %select_n3A_753 = arith.select %lt3A_749, %add3A_752, %xor3A_29 : vector<16xi1>, vector<16xi32>
        %broadcast_in_dim3A_754 = vector.shape_cast %select_n3A_753 : vector<16xi32> to vector<16x1xi32>
        %gather3A_755 = vector.shape_cast %broadcast_in_dim3A_754 : vector<16x1xi32> to vector<16xi32>
        %gather3A_756 = tpu.dynamic_gather %select_n3A_746[%gather3A_755] in [0] : vector<16xf32>, vector<16xi32> -> vector<16xf32>
        %add3A_757 = arith.addf %select_n3A_745, %gather3A_756 : vector<16xf32>
        %select_n3A_758 = arith.select %ne3A_12, %add3A_692, %add3A_679 : vector<16xi1>, vector<16xf32>
        %select_n3A_759 = arith.select %ne3A_12, %add3A_679, %add3A_692 : vector<16xi1>, vector<16xf32>
        %lt3A_760 = arith.constant 0 : i32
        %lt3A_761 = vector.broadcast %lt3A_760 : i32 to vector<16xi32>
        %lt3A_762 = arith.cmpi slt, %xor3A_29, %lt3A_761 : vector<16xi32>
        %add3A_763 = arith.constant 16 : i32
        %add3A_764 = vector.broadcast %add3A_763 : i32 to vector<16xi32>
        %add3A_765 = arith.addi %xor3A_29, %add3A_764 : vector<16xi32>
        %select_n3A_766 = arith.select %lt3A_762, %add3A_765, %xor3A_29 : vector<16xi1>, vector<16xi32>
        %broadcast_in_dim3A_767 = vector.shape_cast %select_n3A_766 : vector<16xi32> to vector<16x1xi32>
        %gather3A_768 = vector.shape_cast %broadcast_in_dim3A_767 : vector<16x1xi32> to vector<16xi32>
        %gather3A_769 = tpu.dynamic_gather %select_n3A_759[%gather3A_768] in [0] : vector<16xf32>, vector<16xi32> -> vector<16xf32>
        %add3A_770 = arith.addf %select_n3A_758, %gather3A_769 : vector<16xf32>
        %select_n3A_771 = arith.select %ne3A_12, %add3A_718, %add3A_705 : vector<16xi1>, vector<16xf32>
        %select_n3A_772 = arith.select %ne3A_12, %add3A_705, %add3A_718 : vector<16xi1>, vector<16xf32>
        %lt3A_773 = arith.constant 0 : i32
        %lt3A_774 = vector.broadcast %lt3A_773 : i32 to vector<16xi32>
        %lt3A_775 = arith.cmpi slt, %xor3A_29, %lt3A_774 : vector<16xi32>
        %add3A_776 = arith.constant 16 : i32
        %add3A_777 = vector.broadcast %add3A_776 : i32 to vector<16xi32>
        %add3A_778 = arith.addi %xor3A_29, %add3A_777 : vector<16xi32>
        %select_n3A_779 = arith.select %lt3A_775, %add3A_778, %xor3A_29 : vector<16xi1>, vector<16xi32>
        %broadcast_in_dim3A_780 = vector.shape_cast %select_n3A_779 : vector<16xi32> to vector<16x1xi32>
        %gather3A_781 = vector.shape_cast %broadcast_in_dim3A_780 : vector<16x1xi32> to vector<16xi32>
        %gather3A_782 = tpu.dynamic_gather %select_n3A_772[%gather3A_781] in [0] : vector<16xf32>, vector<16xi32> -> vector<16xf32>
        %add3A_783 = arith.addf %select_n3A_771, %gather3A_782 : vector<16xf32>
        %select_n3A_784 = arith.select %ne3A_12, %add3A_744, %add3A_731 : vector<16xi1>, vector<16xf32>
        %select_n3A_785 = arith.select %ne3A_12, %add3A_731, %add3A_744 : vector<16xi1>, vector<16xf32>
        %lt3A_786 = arith.constant 0 : i32
        %lt3A_787 = vector.broadcast %lt3A_786 : i32 to vector<16xi32>
        %lt3A_788 = arith.cmpi slt, %xor3A_29, %lt3A_787 : vector<16xi32>
        %add3A_789 = arith.constant 16 : i32
        %add3A_790 = vector.broadcast %add3A_789 : i32 to vector<16xi32>
        %add3A_791 = arith.addi %xor3A_29, %add3A_790 : vector<16xi32>
        %select_n3A_792 = arith.select %lt3A_788, %add3A_791, %xor3A_29 : vector<16xi1>, vector<16xi32>
        %broadcast_in_dim3A_793 = vector.shape_cast %select_n3A_792 : vector<16xi32> to vector<16x1xi32>
        %gather3A_794 = vector.shape_cast %broadcast_in_dim3A_793 : vector<16x1xi32> to vector<16xi32>
        %gather3A_795 = tpu.dynamic_gather %select_n3A_785[%gather3A_794] in [0] : vector<16xf32>, vector<16xi32> -> vector<16xf32>
        %add3A_796 = arith.addf %select_n3A_784, %gather3A_795 : vector<16xf32>
        %select_n3A_797 = arith.select %ne3A_18, %add3A_770, %add3A_757 : vector<16xi1>, vector<16xf32>
        %select_n3A_798 = arith.select %ne3A_18, %add3A_757, %add3A_770 : vector<16xi1>, vector<16xf32>
        %lt3A_799 = arith.constant 0 : i32
        %lt3A_800 = vector.broadcast %lt3A_799 : i32 to vector<16xi32>
        %lt3A_801 = arith.cmpi slt, %xor3A_32, %lt3A_800 : vector<16xi32>
        %add3A_802 = arith.constant 16 : i32
        %add3A_803 = vector.broadcast %add3A_802 : i32 to vector<16xi32>
        %add3A_804 = arith.addi %xor3A_32, %add3A_803 : vector<16xi32>
        %select_n3A_805 = arith.select %lt3A_801, %add3A_804, %xor3A_32 : vector<16xi1>, vector<16xi32>
        %broadcast_in_dim3A_806 = vector.shape_cast %select_n3A_805 : vector<16xi32> to vector<16x1xi32>
        %gather3A_807 = vector.shape_cast %broadcast_in_dim3A_806 : vector<16x1xi32> to vector<16xi32>
        %gather3A_808 = tpu.dynamic_gather %select_n3A_798[%gather3A_807] in [0] : vector<16xf32>, vector<16xi32> -> vector<16xf32>
        %add3A_809 = arith.addf %select_n3A_797, %gather3A_808 : vector<16xf32>
        %select_n3A_810 = arith.select %ne3A_18, %add3A_796, %add3A_783 : vector<16xi1>, vector<16xf32>
        %select_n3A_811 = arith.select %ne3A_18, %add3A_783, %add3A_796 : vector<16xi1>, vector<16xf32>
        %lt3A_812 = arith.constant 0 : i32
        %lt3A_813 = vector.broadcast %lt3A_812 : i32 to vector<16xi32>
        %lt3A_814 = arith.cmpi slt, %xor3A_32, %lt3A_813 : vector<16xi32>
        %add3A_815 = arith.constant 16 : i32
        %add3A_816 = vector.broadcast %add3A_815 : i32 to vector<16xi32>
        %add3A_817 = arith.addi %xor3A_32, %add3A_816 : vector<16xi32>
        %select_n3A_818 = arith.select %lt3A_814, %add3A_817, %xor3A_32 : vector<16xi1>, vector<16xi32>
        %broadcast_in_dim3A_819 = vector.shape_cast %select_n3A_818 : vector<16xi32> to vector<16x1xi32>
        %gather3A_820 = vector.shape_cast %broadcast_in_dim3A_819 : vector<16x1xi32> to vector<16xi32>
        %gather3A_821 = tpu.dynamic_gather %select_n3A_811[%gather3A_820] in [0] : vector<16xf32>, vector<16xi32> -> vector<16xf32>
        %add3A_822 = arith.addf %select_n3A_810, %gather3A_821 : vector<16xf32>
        %select_n3A_823 = arith.select %ne3A_24, %add3A_822, %add3A_809 : vector<16xi1>, vector<16xf32>
        %select_n3A_824 = arith.select %ne3A_24, %add3A_809, %add3A_822 : vector<16xi1>, vector<16xf32>
        %lt3A_825 = arith.constant 0 : i32
        %lt3A_826 = vector.broadcast %lt3A_825 : i32 to vector<16xi32>
        %lt3A_827 = arith.cmpi slt, %xor3A_35, %lt3A_826 : vector<16xi32>
        %add3A_828 = arith.constant 16 : i32
        %add3A_829 = vector.broadcast %add3A_828 : i32 to vector<16xi32>
        %add3A_830 = arith.addi %xor3A_35, %add3A_829 : vector<16xi32>
        %select_n3A_831 = arith.select %lt3A_827, %add3A_830, %xor3A_35 : vector<16xi1>, vector<16xi32>
        %broadcast_in_dim3A_832 = vector.shape_cast %select_n3A_831 : vector<16xi32> to vector<16x1xi32>
        %gather3A_833 = vector.shape_cast %broadcast_in_dim3A_832 : vector<16x1xi32> to vector<16xi32>
        %gather3A_834 = tpu.dynamic_gather %select_n3A_824[%gather3A_833] in [0] : vector<16xf32>, vector<16xi32> -> vector<16xf32>
        %add3A_835 = arith.addf %select_n3A_823, %gather3A_834 : vector<16xf32>
        %swap3A = arith.index_cast %scan3A_183 : i32 to index
        %swap3A_836 = arith.constant 0 : index
        %swap3A_837 = tpu.vector_load %arg17[%swap3A, %swap3A_836] {strides = array<i32>} : memref<8x56xf32, #tpu.memory_space<vmem>>, vector<1x16xf32>,
        %swap3A_838 = vector.shape_cast %swap3A_837 : vector<1x16xf32> to vector<16xf32>
        %swap3A_839 = vector.shape_cast %add3A_835 : vector<16xf32> to vector<1x16xf32>
        tpu.vector_store %arg17[%swap3A, %swap3A_836], %swap3A_839 {strides = array<i32>} : memref<8x56xf32, #tpu.memory_space<vmem>>, vector<1x16xf32>,
        %add3A_840 = arith.constant 16 : i32
        %add3A_841 = arith.addi %mul3A_212, %add3A_840 : i32
        %add3A_842 = arith.constant 0 : i32
        %add3A_843 = arith.addi %add3A_841, %add3A_842 : i32
        %get3A_844 = arith.index_cast %add3A_843 : i32 to index
        %get3A_845 = arith.constant 0 : index
        %get3A_846 = tpu.vector_load %arg16[%get3A_844, %get3A_845] {strides = array<i32>} : memref<416x64xf32, #tpu.memory_space<vmem>>, vector<1x16xf32>,
        %get3A_847 = vector.shape_cast %get3A_846 : vector<1x16xf32> to vector<16xf32>
        %mul3A_848 = arith.mulf %get3A_189, %get3A_847 : vector<16xf32>
        %get3A_849 = arith.index_cast %add3A_843 : i32 to index
        %get3A_850 = arith.constant 16 : index
        %get3A_851 = tpu.vector_load %arg16[%get3A_849, %get3A_850] {strides = array<i32>} : memref<416x64xf32, #tpu.memory_space<vmem>>, vector<1x16xf32>,
        %get3A_852 = vector.shape_cast %get3A_851 : vector<1x16xf32> to vector<16xf32>
        %mul3A_853 = arith.mulf %get3A_196, %get3A_852 : vector<16xf32>
        %add3A_854 = arith.addf %mul3A_848, %mul3A_853 : vector<16xf32>
        %get3A_855 = arith.index_cast %add3A_843 : i32 to index
        %get3A_856 = arith.constant 32 : index
        %get3A_857 = tpu.vector_load %arg16[%get3A_855, %get3A_856] {strides = array<i32>} : memref<416x64xf32, #tpu.memory_space<vmem>>, vector<1x16xf32>,
        %get3A_858 = vector.shape_cast %get3A_857 : vector<1x16xf32> to vector<16xf32>
        %mul3A_859 = arith.mulf %get3A_203, %get3A_858 : vector<16xf32>
        %add3A_860 = arith.addf %add3A_854, %mul3A_859 : vector<16xf32>
        %get3A_861 = arith.index_cast %add3A_843 : i32 to index
        %get3A_862 = arith.constant 48 : index
        %get3A_863 = tpu.vector_load %arg16[%get3A_861, %get3A_862] {strides = array<i32>} : memref<416x64xf32, #tpu.memory_space<vmem>>, vector<1x16xf32>,
        %get3A_864 = vector.shape_cast %get3A_863 : vector<1x16xf32> to vector<16xf32>
        %mul3A_865 = arith.mulf %get3A_210, %get3A_864 : vector<16xf32>
        %add3A_866 = arith.addf %add3A_860, %mul3A_865 : vector<16xf32>
        %add3A_867 = arith.constant 16 : i32
        %add3A_868 = arith.addi %mul3A_212, %add3A_867 : i32
        %add3A_869 = arith.constant 1 : i32
        %add3A_870 = arith.addi %add3A_868, %add3A_869 : i32
        %get3A_871 = arith.index_cast %add3A_870 : i32 to index
        %get3A_872 = arith.constant 0 : index
        %get3A_873 = tpu.vector_load %arg16[%get3A_871, %get3A_872] {strides = array<i32>} : memref<416x64xf32, #tpu.memory_space<vmem>>, vector<1x16xf32>,
        %get3A_874 = vector.shape_cast %get3A_873 : vector<1x16xf32> to vector<16xf32>
        %mul3A_875 = arith.mulf %get3A_189, %get3A_874 : vector<16xf32>
        %get3A_876 = arith.index_cast %add3A_870 : i32 to index
        %get3A_877 = arith.constant 16 : index
        %get3A_878 = tpu.vector_load %arg16[%get3A_876, %get3A_877] {strides = array<i32>} : memref<416x64xf32, #tpu.memory_space<vmem>>, vector<1x16xf32>,
        %get3A_879 = vector.shape_cast %get3A_878 : vector<1x16xf32> to vector<16xf32>
        %mul3A_880 = arith.mulf %get3A_196, %get3A_879 : vector<16xf32>
        %add3A_881 = arith.addf %mul3A_875, %mul3A_880 : vector<16xf32>
        %get3A_882 = arith.index_cast %add3A_870 : i32 to index
        %get3A_883 = arith.constant 32 : index
        %get3A_884 = tpu.vector_load %arg16[%get3A_882, %get3A_883] {strides = array<i32>} : memref<416x64xf32, #tpu.memory_space<vmem>>, vector<1x16xf32>,
        %get3A_885 = vector.shape_cast %get3A_884 : vector<1x16xf32> to vector<16xf32>
        %mul3A_886 = arith.mulf %get3A_203, %get3A_885 : vector<16xf32>
        %add3A_887 = arith.addf %add3A_881, %mul3A_886 : vector<16xf32>
        %get3A_888 = arith.index_cast %add3A_870 : i32 to index
        %get3A_889 = arith.constant 48 : index
        %get3A_890 = tpu.vector_load %arg16[%get3A_888, %get3A_889] {strides = array<i32>} : memref<416x64xf32, #tpu.memory_space<vmem>>, vector<1x16xf32>,
        %get3A_891 = vector.shape_cast %get3A_890 : vector<1x16xf32> to vector<16xf32>
        %mul3A_892 = arith.mulf %get3A_210, %get3A_891 : vector<16xf32>
        %add3A_893 = arith.addf %add3A_887, %mul3A_892 : vector<16xf32>
        %add3A_894 = arith.constant 16 : i32
        %add3A_895 = arith.addi %mul3A_212, %add3A_894 : i32
        %add3A_896 = arith.constant 2 : i32
        %add3A_897 = arith.addi %add3A_895, %add3A_896 : i32
        %get3A_898 = arith.index_cast %add3A_897 : i32 to index
        %get3A_899 = arith.constant 0 : index
        %get3A_900 = tpu.vector_load %arg16[%get3A_898, %get3A_899] {strides = array<i32>} : memref<416x64xf32, #tpu.memory_space<vmem>>, vector<1x16xf32>,
        %get3A_901 = vector.shape_cast %get3A_900 : vector<1x16xf32> to vector<16xf32>
        %mul3A_902 = arith.mulf %get3A_189, %get3A_901 : vector<16xf32>
        %get3A_903 = arith.index_cast %add3A_897 : i32 to index
        %get3A_904 = arith.constant 16 : index
        %get3A_905 = tpu.vector_load %arg16[%get3A_903, %get3A_904] {strides = array<i32>} : memref<416x64xf32, #tpu.memory_space<vmem>>, vector<1x16xf32>,
        %get3A_906 = vector.shape_cast %get3A_905 : vector<1x16xf32> to vector<16xf32>
        %mul3A_907 = arith.mulf %get3A_196, %get3A_906 : vector<16xf32>
        %add3A_908 = arith.addf %mul3A_902, %mul3A_907 : vector<16xf32>
        %get3A_909 = arith.index_cast %add3A_897 : i32 to index
        %get3A_910 = arith.constant 32 : index
        %get3A_911 = tpu.vector_load %arg16[%get3A_909, %get3A_910] {strides = array<i32>} : memref<416x64xf32, #tpu.memory_space<vmem>>, vector<1x16xf32>,
        %get3A_912 = vector.shape_cast %get3A_911 : vector<1x16xf32> to vector<16xf32>
        %mul3A_913 = arith.mulf %get3A_203, %get3A_912 : vector<16xf32>
        %add3A_914 = arith.addf %add3A_908, %mul3A_913 : vector<16xf32>
        %get3A_915 = arith.index_cast %add3A_897 : i32 to index
        %get3A_916 = arith.constant 48 : index
        %get3A_917 = tpu.vector_load %arg16[%get3A_915, %get3A_916] {strides = array<i32>} : memref<416x64xf32, #tpu.memory_space<vmem>>, vector<1x16xf32>,
        %get3A_918 = vector.shape_cast %get3A_917 : vector<1x16xf32> to vector<16xf32>
        %mul3A_919 = arith.mulf %get3A_210, %get3A_918 : vector<16xf32>
        %add3A_920 = arith.addf %add3A_914, %mul3A_919 : vector<16xf32>
        %add3A_921 = arith.constant 16 : i32
        %add3A_922 = arith.addi %mul3A_212, %add3A_921 : i32
        %add3A_923 = arith.constant 3 : i32
        %add3A_924 = arith.addi %add3A_922, %add3A_923 : i32
        %get3A_925 = arith.index_cast %add3A_924 : i32 to index
        %get3A_926 = arith.constant 0 : index
        %get3A_927 = tpu.vector_load %arg16[%get3A_925, %get3A_926] {strides = array<i32>} : memref<416x64xf32, #tpu.memory_space<vmem>>, vector<1x16xf32>,
        %get3A_928 = vector.shape_cast %get3A_927 : vector<1x16xf32> to vector<16xf32>
        %mul3A_929 = arith.mulf %get3A_189, %get3A_928 : vector<16xf32>
        %get3A_930 = arith.index_cast %add3A_924 : i32 to index
        %get3A_931 = arith.constant 16 : index
        %get3A_932 = tpu.vector_load %arg16[%get3A_930, %get3A_931] {strides = array<i32>} : memref<416x64xf32, #tpu.memory_space<vmem>>, vector<1x16xf32>,
        %get3A_933 = vector.shape_cast %get3A_932 : vector<1x16xf32> to vector<16xf32>
        %mul3A_934 = arith.mulf %get3A_196, %get3A_933 : vector<16xf32>
        %add3A_935 = arith.addf %mul3A_929, %mul3A_934 : vector<16xf32>
        %get3A_936 = arith.index_cast %add3A_924 : i32 to index
        %get3A_937 = arith.constant 32 : index
        %get3A_938 = tpu.vector_load %arg16[%get3A_936, %get3A_937] {strides = array<i32>} : memref<416x64xf32, #tpu.memory_space<vmem>>, vector<1x16xf32>,
        %get3A_939 = vector.shape_cast %get3A_938 : vector<1x16xf32> to vector<16xf32>
        %mul3A_940 = arith.mulf %get3A_203, %get3A_939 : vector<16xf32>
        %add3A_941 = arith.addf %add3A_935, %mul3A_940 : vector<16xf32>
        %get3A_942 = arith.index_cast %add3A_924 : i32 to index
        %get3A_943 = arith.constant 48 : index
        %get3A_944 = tpu.vector_load %arg16[%get3A_942, %get3A_943] {strides = array<i32>} : memref<416x64xf32, #tpu.memory_space<vmem>>, vector<1x16xf32>,
        %get3A_945 = vector.shape_cast %get3A_944 : vector<1x16xf32> to vector<16xf32>
        %mul3A_946 = arith.mulf %get3A_210, %get3A_945 : vector<16xf32>
        %add3A_947 = arith.addf %add3A_941, %mul3A_946 : vector<16xf32>
        %add3A_948 = arith.constant 16 : i32
        %add3A_949 = arith.addi %mul3A_212, %add3A_948 : i32
        %add3A_950 = arith.constant 4 : i32
        %add3A_951 = arith.addi %add3A_949, %add3A_950 : i32
        %get3A_952 = arith.index_cast %add3A_951 : i32 to index
        %get3A_953 = arith.constant 0 : index
        %get3A_954 = tpu.vector_load %arg16[%get3A_952, %get3A_953] {strides = array<i32>} : memref<416x64xf32, #tpu.memory_space<vmem>>, vector<1x16xf32>,
        %get3A_955 = vector.shape_cast %get3A_954 : vector<1x16xf32> to vector<16xf32>
        %mul3A_956 = arith.mulf %get3A_189, %get3A_955 : vector<16xf32>
        %get3A_957 = arith.index_cast %add3A_951 : i32 to index
        %get3A_958 = arith.constant 16 : index
        %get3A_959 = tpu.vector_load %arg16[%get3A_957, %get3A_958] {strides = array<i32>} : memref<416x64xf32, #tpu.memory_space<vmem>>, vector<1x16xf32>,
        %get3A_960 = vector.shape_cast %get3A_959 : vector<1x16xf32> to vector<16xf32>
        %mul3A_961 = arith.mulf %get3A_196, %get3A_960 : vector<16xf32>
        %add3A_962 = arith.addf %mul3A_956, %mul3A_961 : vector<16xf32>
        %get3A_963 = arith.index_cast %add3A_951 : i32 to index
        %get3A_964 = arith.constant 32 : index
        %get3A_965 = tpu.vector_load %arg16[%get3A_963, %get3A_964] {strides = array<i32>} : memref<416x64xf32, #tpu.memory_space<vmem>>, vector<1x16xf32>,
        %get3A_966 = vector.shape_cast %get3A_965 : vector<1x16xf32> to vector<16xf32>
        %mul3A_967 = arith.mulf %get3A_203, %get3A_966 : vector<16xf32>
        %add3A_968 = arith.addf %add3A_962, %mul3A_967 : vector<16xf32>
        %get3A_969 = arith.index_cast %add3A_951 : i32 to index
        %get3A_970 = arith.constant 48 : index
        %get3A_971 = tpu.vector_load %arg16[%get3A_969, %get3A_970] {strides = array<i32>} : memref<416x64xf32, #tpu.memory_space<vmem>>, vector<1x16xf32>,
        %get3A_972 = vector.shape_cast %get3A_971 : vector<1x16xf32> to vector<16xf32>
        %mul3A_973 = arith.mulf %get3A_210, %get3A_972 : vector<16xf32>
        %add3A_974 = arith.addf %add3A_968, %mul3A_973 : vector<16xf32>
        %add3A_975 = arith.constant 16 : i32
        %add3A_976 = arith.addi %mul3A_212, %add3A_975 : i32
        %add3A_977 = arith.constant 5 : i32
        %add3A_978 = arith.addi %add3A_976, %add3A_977 : i32
        %get3A_979 = arith.index_cast %add3A_978 : i32 to index
        %get3A_980 = arith.constant 0 : index
        %get3A_981 = tpu.vector_load %arg16[%get3A_979, %get3A_980] {strides = array<i32>} : memref<416x64xf32, #tpu.memory_space<vmem>>, vector<1x16xf32>,
        %get3A_982 = vector.shape_cast %get3A_981 : vector<1x16xf32> to vector<16xf32>
        %mul3A_983 = arith.mulf %get3A_189, %get3A_982 : vector<16xf32>
        %get3A_984 = arith.index_cast %add3A_978 : i32 to index
        %get3A_985 = arith.constant 16 : index
        %get3A_986 = tpu.vector_load %arg16[%get3A_984, %get3A_985] {strides = array<i32>} : memref<416x64xf32, #tpu.memory_space<vmem>>, vector<1x16xf32>,
        %get3A_987 = vector.shape_cast %get3A_986 : vector<1x16xf32> to vector<16xf32>
        %mul3A_988 = arith.mulf %get3A_196, %get3A_987 : vector<16xf32>
        %add3A_989 = arith.addf %mul3A_983, %mul3A_988 : vector<16xf32>
        %get3A_990 = arith.index_cast %add3A_978 : i32 to index
        %get3A_991 = arith.constant 32 : index
        %get3A_992 = tpu.vector_load %arg16[%get3A_990, %get3A_991] {strides = array<i32>} : memref<416x64xf32, #tpu.memory_space<vmem>>, vector<1x16xf32>,
        %get3A_993 = vector.shape_cast %get3A_992 : vector<1x16xf32> to vector<16xf32>
        %mul3A_994 = arith.mulf %get3A_203, %get3A_993 : vector<16xf32>
        %add3A_995 = arith.addf %add3A_989, %mul3A_994 : vector<16xf32>
        %get3A_996 = arith.index_cast %add3A_978 : i32 to index
        %get3A_997 = arith.constant 48 : index
        %get3A_998 = tpu.vector_load %arg16[%get3A_996, %get3A_997] {strides = array<i32>} : memref<416x64xf32, #tpu.memory_space<vmem>>, vector<1x16xf32>,
        %get3A_999 = vector.shape_cast %get3A_998 : vector<1x16xf32> to vector<16xf32>
        %mul3A_1000 = arith.mulf %get3A_210, %get3A_999 : vector<16xf32>
        %add3A_1001 = arith.addf %add3A_995, %mul3A_1000 : vector<16xf32>
        %add3A_1002 = arith.constant 16 : i32
        %add3A_1003 = arith.addi %mul3A_212, %add3A_1002 : i32
        %add3A_1004 = arith.constant 6 : i32
        %add3A_1005 = arith.addi %add3A_1003, %add3A_1004 : i32
        %get3A_1006 = arith.index_cast %add3A_1005 : i32 to index
        %get3A_1007 = arith.constant 0 : index
        %get3A_1008 = tpu.vector_load %arg16[%get3A_1006, %get3A_1007] {strides = array<i32>} : memref<416x64xf32, #tpu.memory_space<vmem>>, vector<1x16xf32>,
        %get3A_1009 = vector.shape_cast %get3A_1008 : vector<1x16xf32> to vector<16xf32>
        %mul3A_1010 = arith.mulf %get3A_189, %get3A_1009 : vector<16xf32>
        %get3A_1011 = arith.index_cast %add3A_1005 : i32 to index
        %get3A_1012 = arith.constant 16 : index
        %get3A_1013 = tpu.vector_load %arg16[%get3A_1011, %get3A_1012] {strides = array<i32>} : memref<416x64xf32, #tpu.memory_space<vmem>>, vector<1x16xf32>,
        %get3A_1014 = vector.shape_cast %get3A_1013 : vector<1x16xf32> to vector<16xf32>
        %mul3A_1015 = arith.mulf %get3A_196, %get3A_1014 : vector<16xf32>
        %add3A_1016 = arith.addf %mul3A_1010, %mul3A_1015 : vector<16xf32>
        %get3A_1017 = arith.index_cast %add3A_1005 : i32 to index
        %get3A_1018 = arith.constant 32 : index
        %get3A_1019 = tpu.vector_load %arg16[%get3A_1017, %get3A_1018] {strides = array<i32>} : memref<416x64xf32, #tpu.memory_space<vmem>>, vector<1x16xf32>,
        %get3A_1020 = vector.shape_cast %get3A_1019 : vector<1x16xf32> to vector<16xf32>
        %mul3A_1021 = arith.mulf %get3A_203, %get3A_1020 : vector<16xf32>
        %add3A_1022 = arith.addf %add3A_1016, %mul3A_1021 : vector<16xf32>
        %get3A_1023 = arith.index_cast %add3A_1005 : i32 to index
        %get3A_1024 = arith.constant 48 : index
        %get3A_1025 = tpu.vector_load %arg16[%get3A_1023, %get3A_1024] {strides = array<i32>} : memref<416x64xf32, #tpu.memory_space<vmem>>, vector<1x16xf32>,
        %get3A_1026 = vector.shape_cast %get3A_1025 : vector<1x16xf32> to vector<16xf32>
        %mul3A_1027 = arith.mulf %get3A_210, %get3A_1026 : vector<16xf32>
        %add3A_1028 = arith.addf %add3A_1022, %mul3A_1027 : vector<16xf32>
        %add3A_1029 = arith.constant 16 : i32
        %add3A_1030 = arith.addi %mul3A_212, %add3A_1029 : i32
        %add3A_1031 = arith.constant 7 : i32
        %add3A_1032 = arith.addi %add3A_1030, %add3A_1031 : i32
        %get3A_1033 = arith.index_cast %add3A_1032 : i32 to index
        %get3A_1034 = arith.constant 0 : index
        %get3A_1035 = tpu.vector_load %arg16[%get3A_1033, %get3A_1034] {strides = array<i32>} : memref<416x64xf32, #tpu.memory_space<vmem>>, vector<1x16xf32>,
        %get3A_1036 = vector.shape_cast %get3A_1035 : vector<1x16xf32> to vector<16xf32>
        %mul3A_1037 = arith.mulf %get3A_189, %get3A_1036 : vector<16xf32>
        %get3A_1038 = arith.index_cast %add3A_1032 : i32 to index
        %get3A_1039 = arith.constant 16 : index
        %get3A_1040 = tpu.vector_load %arg16[%get3A_1038, %get3A_1039] {strides = array<i32>} : memref<416x64xf32, #tpu.memory_space<vmem>>, vector<1x16xf32>,
        %get3A_1041 = vector.shape_cast %get3A_1040 : vector<1x16xf32> to vector<16xf32>
        %mul3A_1042 = arith.mulf %get3A_196, %get3A_1041 : vector<16xf32>
        %add3A_1043 = arith.addf %mul3A_1037, %mul3A_1042 : vector<16xf32>
        %get3A_1044 = arith.index_cast %add3A_1032 : i32 to index
        %get3A_1045 = arith.constant 32 : index
        %get3A_1046 = tpu.vector_load %arg16[%get3A_1044, %get3A_1045] {strides = array<i32>} : memref<416x64xf32, #tpu.memory_space<vmem>>, vector<1x16xf32>,
        %get3A_1047 = vector.shape_cast %get3A_1046 : vector<1x16xf32> to vector<16xf32>
        %mul3A_1048 = arith.mulf %get3A_203, %get3A_1047 : vector<16xf32>
        %add3A_1049 = arith.addf %add3A_1043, %mul3A_1048 : vector<16xf32>
        %get3A_1050 = arith.index_cast %add3A_1032 : i32 to index
        %get3A_1051 = arith.constant 48 : index
        %get3A_1052 = tpu.vector_load %arg16[%get3A_1050, %get3A_1051] {strides = array<i32>} : memref<416x64xf32, #tpu.memory_space<vmem>>, vector<1x16xf32>,
        %get3A_1053 = vector.shape_cast %get3A_1052 : vector<1x16xf32> to vector<16xf32>
        %mul3A_1054 = arith.mulf %get3A_210, %get3A_1053 : vector<16xf32>
        %add3A_1055 = arith.addf %add3A_1049, %mul3A_1054 : vector<16xf32>
        %add3A_1056 = arith.constant 16 : i32
        %add3A_1057 = arith.addi %mul3A_212, %add3A_1056 : i32
        %add3A_1058 = arith.constant 8 : i32
        %add3A_1059 = arith.addi %add3A_1057, %add3A_1058 : i32
        %get3A_1060 = arith.index_cast %add3A_1059 : i32 to index
        %get3A_1061 = arith.constant 0 : index
        %get3A_1062 = tpu.vector_load %arg16[%get3A_1060, %get3A_1061] {strides = array<i32>} : memref<416x64xf32, #tpu.memory_space<vmem>>, vector<1x16xf32>,
        %get3A_1063 = vector.shape_cast %get3A_1062 : vector<1x16xf32> to vector<16xf32>
        %mul3A_1064 = arith.mulf %get3A_189, %get3A_1063 : vector<16xf32>
        %get3A_1065 = arith.index_cast %add3A_1059 : i32 to index
        %get3A_1066 = arith.constant 16 : index
        %get3A_1067 = tpu.vector_load %arg16[%get3A_1065, %get3A_1066] {strides = array<i32>} : memref<416x64xf32, #tpu.memory_space<vmem>>, vector<1x16xf32>,
        %get3A_1068 = vector.shape_cast %get3A_1067 : vector<1x16xf32> to vector<16xf32>
        %mul3A_1069 = arith.mulf %get3A_196, %get3A_1068 : vector<16xf32>
        %add3A_1070 = arith.addf %mul3A_1064, %mul3A_1069 : vector<16xf32>
        %get3A_1071 = arith.index_cast %add3A_1059 : i32 to index
        %get3A_1072 = arith.constant 32 : index
        %get3A_1073 = tpu.vector_load %arg16[%get3A_1071, %get3A_1072] {strides = array<i32>} : memref<416x64xf32, #tpu.memory_space<vmem>>, vector<1x16xf32>,
        %get3A_1074 = vector.shape_cast %get3A_1073 : vector<1x16xf32> to vector<16xf32>
        %mul3A_1075 = arith.mulf %get3A_203, %get3A_1074 : vector<16xf32>
        %add3A_1076 = arith.addf %add3A_1070, %mul3A_1075 : vector<16xf32>
        %get3A_1077 = arith.index_cast %add3A_1059 : i32 to index
        %get3A_1078 = arith.constant 48 : index
        %get3A_1079 = tpu.vector_load %arg16[%get3A_1077, %get3A_1078] {strides = array<i32>} : memref<416x64xf32, #tpu.memory_space<vmem>>, vector<1x16xf32>,
        %get3A_1080 = vector.shape_cast %get3A_1079 : vector<1x16xf32> to vector<16xf32>
        %mul3A_1081 = arith.mulf %get3A_210, %get3A_1080 : vector<16xf32>
        %add3A_1082 = arith.addf %add3A_1076, %mul3A_1081 : vector<16xf32>
        %add3A_1083 = arith.constant 16 : i32
        %add3A_1084 = arith.addi %mul3A_212, %add3A_1083 : i32
        %add3A_1085 = arith.constant 9 : i32
        %add3A_1086 = arith.addi %add3A_1084, %add3A_1085 : i32
        %get3A_1087 = arith.index_cast %add3A_1086 : i32 to index
        %get3A_1088 = arith.constant 0 : index
        %get3A_1089 = tpu.vector_load %arg16[%get3A_1087, %get3A_1088] {strides = array<i32>} : memref<416x64xf32, #tpu.memory_space<vmem>>, vector<1x16xf32>,
        %get3A_1090 = vector.shape_cast %get3A_1089 : vector<1x16xf32> to vector<16xf32>
        %mul3A_1091 = arith.mulf %get3A_189, %get3A_1090 : vector<16xf32>
        %get3A_1092 = arith.index_cast %add3A_1086 : i32 to index
        %get3A_1093 = arith.constant 16 : index
        %get3A_1094 = tpu.vector_load %arg16[%get3A_1092, %get3A_1093] {strides = array<i32>} : memref<416x64xf32, #tpu.memory_space<vmem>>, vector<1x16xf32>,
        %get3A_1095 = vector.shape_cast %get3A_1094 : vector<1x16xf32> to vector<16xf32>
        %mul3A_1096 = arith.mulf %get3A_196, %get3A_1095 : vector<16xf32>
        %add3A_1097 = arith.addf %mul3A_1091, %mul3A_1096 : vector<16xf32>
        %get3A_1098 = arith.index_cast %add3A_1086 : i32 to index
        %get3A_1099 = arith.constant 32 : index
        %get3A_1100 = tpu.vector_load %arg16[%get3A_1098, %get3A_1099] {strides = array<i32>} : memref<416x64xf32, #tpu.memory_space<vmem>>, vector<1x16xf32>,
        %get3A_1101 = vector.shape_cast %get3A_1100 : vector<1x16xf32> to vector<16xf32>
        %mul3A_1102 = arith.mulf %get3A_203, %get3A_1101 : vector<16xf32>
        %add3A_1103 = arith.addf %add3A_1097, %mul3A_1102 : vector<16xf32>
        %get3A_1104 = arith.index_cast %add3A_1086 : i32 to index
        %get3A_1105 = arith.constant 48 : index
        %get3A_1106 = tpu.vector_load %arg16[%get3A_1104, %get3A_1105] {strides = array<i32>} : memref<416x64xf32, #tpu.memory_space<vmem>>, vector<1x16xf32>,
        %get3A_1107 = vector.shape_cast %get3A_1106 : vector<1x16xf32> to vector<16xf32>
        %mul3A_1108 = arith.mulf %get3A_210, %get3A_1107 : vector<16xf32>
        %add3A_1109 = arith.addf %add3A_1103, %mul3A_1108 : vector<16xf32>
        %add3A_1110 = arith.constant 16 : i32
        %add3A_1111 = arith.addi %mul3A_212, %add3A_1110 : i32
        %add3A_1112 = arith.constant 10 : i32
        %add3A_1113 = arith.addi %add3A_1111, %add3A_1112 : i32
        %get3A_1114 = arith.index_cast %add3A_1113 : i32 to index
        %get3A_1115 = arith.constant 0 : index
        %get3A_1116 = tpu.vector_load %arg16[%get3A_1114, %get3A_1115] {strides = array<i32>} : memref<416x64xf32, #tpu.memory_space<vmem>>, vector<1x16xf32>,
        %get3A_1117 = vector.shape_cast %get3A_1116 : vector<1x16xf32> to vector<16xf32>
        %mul3A_1118 = arith.mulf %get3A_189, %get3A_1117 : vector<16xf32>
        %get3A_1119 = arith.index_cast %add3A_1113 : i32 to index
        %get3A_1120 = arith.constant 16 : index
        %get3A_1121 = tpu.vector_load %arg16[%get3A_1119, %get3A_1120] {strides = array<i32>} : memref<416x64xf32, #tpu.memory_space<vmem>>, vector<1x16xf32>,
        %get3A_1122 = vector.shape_cast %get3A_1121 : vector<1x16xf32> to vector<16xf32>
        %mul3A_1123 = arith.mulf %get3A_196, %get3A_1122 : vector<16xf32>
        %add3A_1124 = arith.addf %mul3A_1118, %mul3A_1123 : vector<16xf32>
        %get3A_1125 = arith.index_cast %add3A_1113 : i32 to index
        %get3A_1126 = arith.constant 32 : index
        %get3A_1127 = tpu.vector_load %arg16[%get3A_1125, %get3A_1126] {strides = array<i32>} : memref<416x64xf32, #tpu.memory_space<vmem>>, vector<1x16xf32>,
        %get3A_1128 = vector.shape_cast %get3A_1127 : vector<1x16xf32> to vector<16xf32>
        %mul3A_1129 = arith.mulf %get3A_203, %get3A_1128 : vector<16xf32>
        %add3A_1130 = arith.addf %add3A_1124, %mul3A_1129 : vector<16xf32>
        %get3A_1131 = arith.index_cast %add3A_1113 : i32 to index
        %get3A_1132 = arith.constant 48 : index
        %get3A_1133 = tpu.vector_load %arg16[%get3A_1131, %get3A_1132] {strides = array<i32>} : memref<416x64xf32, #tpu.memory_space<vmem>>, vector<1x16xf32>,
        %get3A_1134 = vector.shape_cast %get3A_1133 : vector<1x16xf32> to vector<16xf32>
        %mul3A_1135 = arith.mulf %get3A_210, %get3A_1134 : vector<16xf32>
        %add3A_1136 = arith.addf %add3A_1130, %mul3A_1135 : vector<16xf32>
        %add3A_1137 = arith.constant 16 : i32
        %add3A_1138 = arith.addi %mul3A_212, %add3A_1137 : i32
        %add3A_1139 = arith.constant 11 : i32
        %add3A_1140 = arith.addi %add3A_1138, %add3A_1139 : i32
        %get3A_1141 = arith.index_cast %add3A_1140 : i32 to index
        %get3A_1142 = arith.constant 0 : index
        %get3A_1143 = tpu.vector_load %arg16[%get3A_1141, %get3A_1142] {strides = array<i32>} : memref<416x64xf32, #tpu.memory_space<vmem>>, vector<1x16xf32>,
        %get3A_1144 = vector.shape_cast %get3A_1143 : vector<1x16xf32> to vector<16xf32>
        %mul3A_1145 = arith.mulf %get3A_189, %get3A_1144 : vector<16xf32>
        %get3A_1146 = arith.index_cast %add3A_1140 : i32 to index
        %get3A_1147 = arith.constant 16 : index
        %get3A_1148 = tpu.vector_load %arg16[%get3A_1146, %get3A_1147] {strides = array<i32>} : memref<416x64xf32, #tpu.memory_space<vmem>>, vector<1x16xf32>,
        %get3A_1149 = vector.shape_cast %get3A_1148 : vector<1x16xf32> to vector<16xf32>
        %mul3A_1150 = arith.mulf %get3A_196, %get3A_1149 : vector<16xf32>
        %add3A_1151 = arith.addf %mul3A_1145, %mul3A_1150 : vector<16xf32>
        %get3A_1152 = arith.index_cast %add3A_1140 : i32 to index
        %get3A_1153 = arith.constant 32 : index
        %get3A_1154 = tpu.vector_load %arg16[%get3A_1152, %get3A_1153] {strides = array<i32>} : memref<416x64xf32, #tpu.memory_space<vmem>>, vector<1x16xf32>,
        %get3A_1155 = vector.shape_cast %get3A_1154 : vector<1x16xf32> to vector<16xf32>
        %mul3A_1156 = arith.mulf %get3A_203, %get3A_1155 : vector<16xf32>
        %add3A_1157 = arith.addf %add3A_1151, %mul3A_1156 : vector<16xf32>
        %get3A_1158 = arith.index_cast %add3A_1140 : i32 to index
        %get3A_1159 = arith.constant 48 : index
        %get3A_1160 = tpu.vector_load %arg16[%get3A_1158, %get3A_1159] {strides = array<i32>} : memref<416x64xf32, #tpu.memory_space<vmem>>, vector<1x16xf32>,
        %get3A_1161 = vector.shape_cast %get3A_1160 : vector<1x16xf32> to vector<16xf32>
        %mul3A_1162 = arith.mulf %get3A_210, %get3A_1161 : vector<16xf32>
        %add3A_1163 = arith.addf %add3A_1157, %mul3A_1162 : vector<16xf32>
        %add3A_1164 = arith.constant 16 : i32
        %add3A_1165 = arith.addi %mul3A_212, %add3A_1164 : i32
        %add3A_1166 = arith.constant 12 : i32
        %add3A_1167 = arith.addi %add3A_1165, %add3A_1166 : i32
        %get3A_1168 = arith.index_cast %add3A_1167 : i32 to index
        %get3A_1169 = arith.constant 0 : index
        %get3A_1170 = tpu.vector_load %arg16[%get3A_1168, %get3A_1169] {strides = array<i32>} : memref<416x64xf32, #tpu.memory_space<vmem>>, vector<1x16xf32>,
        %get3A_1171 = vector.shape_cast %get3A_1170 : vector<1x16xf32> to vector<16xf32>
        %mul3A_1172 = arith.mulf %get3A_189, %get3A_1171 : vector<16xf32>
        %get3A_1173 = arith.index_cast %add3A_1167 : i32 to index
        %get3A_1174 = arith.constant 16 : index
        %get3A_1175 = tpu.vector_load %arg16[%get3A_1173, %get3A_1174] {strides = array<i32>} : memref<416x64xf32, #tpu.memory_space<vmem>>, vector<1x16xf32>,
        %get3A_1176 = vector.shape_cast %get3A_1175 : vector<1x16xf32> to vector<16xf32>
        %mul3A_1177 = arith.mulf %get3A_196, %get3A_1176 : vector<16xf32>
        %add3A_1178 = arith.addf %mul3A_1172, %mul3A_1177 : vector<16xf32>
        %get3A_1179 = arith.index_cast %add3A_1167 : i32 to index
        %get3A_1180 = arith.constant 32 : index
        %get3A_1181 = tpu.vector_load %arg16[%get3A_1179, %get3A_1180] {strides = array<i32>} : memref<416x64xf32, #tpu.memory_space<vmem>>, vector<1x16xf32>,
        %get3A_1182 = vector.shape_cast %get3A_1181 : vector<1x16xf32> to vector<16xf32>
        %mul3A_1183 = arith.mulf %get3A_203, %get3A_1182 : vector<16xf32>
        %add3A_1184 = arith.addf %add3A_1178, %mul3A_1183 : vector<16xf32>
        %get3A_1185 = arith.index_cast %add3A_1167 : i32 to index
        %get3A_1186 = arith.constant 48 : index
        %get3A_1187 = tpu.vector_load %arg16[%get3A_1185, %get3A_1186] {strides = array<i32>} : memref<416x64xf32, #tpu.memory_space<vmem>>, vector<1x16xf32>,
        %get3A_1188 = vector.shape_cast %get3A_1187 : vector<1x16xf32> to vector<16xf32>
        %mul3A_1189 = arith.mulf %get3A_210, %get3A_1188 : vector<16xf32>
        %add3A_1190 = arith.addf %add3A_1184, %mul3A_1189 : vector<16xf32>
        %add3A_1191 = arith.constant 16 : i32
        %add3A_1192 = arith.addi %mul3A_212, %add3A_1191 : i32
        %add3A_1193 = arith.constant 13 : i32
        %add3A_1194 = arith.addi %add3A_1192, %add3A_1193 : i32
        %get3A_1195 = arith.index_cast %add3A_1194 : i32 to index
        %get3A_1196 = arith.constant 0 : index
        %get3A_1197 = tpu.vector_load %arg16[%get3A_1195, %get3A_1196] {strides = array<i32>} : memref<416x64xf32, #tpu.memory_space<vmem>>, vector<1x16xf32>,
        %get3A_1198 = vector.shape_cast %get3A_1197 : vector<1x16xf32> to vector<16xf32>
        %mul3A_1199 = arith.mulf %get3A_189, %get3A_1198 : vector<16xf32>
        %get3A_1200 = arith.index_cast %add3A_1194 : i32 to index
        %get3A_1201 = arith.constant 16 : index
        %get3A_1202 = tpu.vector_load %arg16[%get3A_1200, %get3A_1201] {strides = array<i32>} : memref<416x64xf32, #tpu.memory_space<vmem>>, vector<1x16xf32>,
        %get3A_1203 = vector.shape_cast %get3A_1202 : vector<1x16xf32> to vector<16xf32>
        %mul3A_1204 = arith.mulf %get3A_196, %get3A_1203 : vector<16xf32>
        %add3A_1205 = arith.addf %mul3A_1199, %mul3A_1204 : vector<16xf32>
        %get3A_1206 = arith.index_cast %add3A_1194 : i32 to index
        %get3A_1207 = arith.constant 32 : index
        %get3A_1208 = tpu.vector_load %arg16[%get3A_1206, %get3A_1207] {strides = array<i32>} : memref<416x64xf32, #tpu.memory_space<vmem>>, vector<1x16xf32>,
        %get3A_1209 = vector.shape_cast %get3A_1208 : vector<1x16xf32> to vector<16xf32>
        %mul3A_1210 = arith.mulf %get3A_203, %get3A_1209 : vector<16xf32>
        %add3A_1211 = arith.addf %add3A_1205, %mul3A_1210 : vector<16xf32>
        %get3A_1212 = arith.index_cast %add3A_1194 : i32 to index
        %get3A_1213 = arith.constant 48 : index
        %get3A_1214 = tpu.vector_load %arg16[%get3A_1212, %get3A_1213] {strides = array<i32>} : memref<416x64xf32, #tpu.memory_space<vmem>>, vector<1x16xf32>,
        %get3A_1215 = vector.shape_cast %get3A_1214 : vector<1x16xf32> to vector<16xf32>
        %mul3A_1216 = arith.mulf %get3A_210, %get3A_1215 : vector<16xf32>
        %add3A_1217 = arith.addf %add3A_1211, %mul3A_1216 : vector<16xf32>
        %add3A_1218 = arith.constant 16 : i32
        %add3A_1219 = arith.addi %mul3A_212, %add3A_1218 : i32
        %add3A_1220 = arith.constant 14 : i32
        %add3A_1221 = arith.addi %add3A_1219, %add3A_1220 : i32
        %get3A_1222 = arith.index_cast %add3A_1221 : i32 to index
        %get3A_1223 = arith.constant 0 : index
        %get3A_1224 = tpu.vector_load %arg16[%get3A_1222, %get3A_1223] {strides = array<i32>} : memref<416x64xf32, #tpu.memory_space<vmem>>, vector<1x16xf32>,
        %get3A_1225 = vector.shape_cast %get3A_1224 : vector<1x16xf32> to vector<16xf32>
        %mul3A_1226 = arith.mulf %get3A_189, %get3A_1225 : vector<16xf32>
        %get3A_1227 = arith.index_cast %add3A_1221 : i32 to index
        %get3A_1228 = arith.constant 16 : index
        %get3A_1229 = tpu.vector_load %arg16[%get3A_1227, %get3A_1228] {strides = array<i32>} : memref<416x64xf32, #tpu.memory_space<vmem>>, vector<1x16xf32>,
        %get3A_1230 = vector.shape_cast %get3A_1229 : vector<1x16xf32> to vector<16xf32>
        %mul3A_1231 = arith.mulf %get3A_196, %get3A_1230 : vector<16xf32>
        %add3A_1232 = arith.addf %mul3A_1226, %mul3A_1231 : vector<16xf32>
        %get3A_1233 = arith.index_cast %add3A_1221 : i32 to index
        %get3A_1234 = arith.constant 32 : index
        %get3A_1235 = tpu.vector_load %arg16[%get3A_1233, %get3A_1234] {strides = array<i32>} : memref<416x64xf32, #tpu.memory_space<vmem>>, vector<1x16xf32>,
        %get3A_1236 = vector.shape_cast %get3A_1235 : vector<1x16xf32> to vector<16xf32>
        %mul3A_1237 = arith.mulf %get3A_203, %get3A_1236 : vector<16xf32>
        %add3A_1238 = arith.addf %add3A_1232, %mul3A_1237 : vector<16xf32>
        %get3A_1239 = arith.index_cast %add3A_1221 : i32 to index
        %get3A_1240 = arith.constant 48 : index
        %get3A_1241 = tpu.vector_load %arg16[%get3A_1239, %get3A_1240] {strides = array<i32>} : memref<416x64xf32, #tpu.memory_space<vmem>>, vector<1x16xf32>,
        %get3A_1242 = vector.shape_cast %get3A_1241 : vector<1x16xf32> to vector<16xf32>
        %mul3A_1243 = arith.mulf %get3A_210, %get3A_1242 : vector<16xf32>
        %add3A_1244 = arith.addf %add3A_1238, %mul3A_1243 : vector<16xf32>
        %add3A_1245 = arith.constant 16 : i32
        %add3A_1246 = arith.addi %mul3A_212, %add3A_1245 : i32
        %add3A_1247 = arith.constant 15 : i32
        %add3A_1248 = arith.addi %add3A_1246, %add3A_1247 : i32
        %get3A_1249 = arith.index_cast %add3A_1248 : i32 to index
        %get3A_1250 = arith.constant 0 : index
        %get3A_1251 = tpu.vector_load %arg16[%get3A_1249, %get3A_1250] {strides = array<i32>} : memref<416x64xf32, #tpu.memory_space<vmem>>, vector<1x16xf32>,
        %get3A_1252 = vector.shape_cast %get3A_1251 : vector<1x16xf32> to vector<16xf32>
        %mul3A_1253 = arith.mulf %get3A_189, %get3A_1252 : vector<16xf32>
        %get3A_1254 = arith.index_cast %add3A_1248 : i32 to index
        %get3A_1255 = arith.constant 16 : index
        %get3A_1256 = tpu.vector_load %arg16[%get3A_1254, %get3A_1255] {strides = array<i32>} : memref<416x64xf32, #tpu.memory_space<vmem>>, vector<1x16xf32>,
        %get3A_1257 = vector.shape_cast %get3A_1256 : vector<1x16xf32> to vector<16xf32>
        %mul3A_1258 = arith.mulf %get3A_196, %get3A_1257 : vector<16xf32>
        %add3A_1259 = arith.addf %mul3A_1253, %mul3A_1258 : vector<16xf32>
        %get3A_1260 = arith.index_cast %add3A_1248 : i32 to index
        %get3A_1261 = arith.constant 32 : index
        %get3A_1262 = tpu.vector_load %arg16[%get3A_1260, %get3A_1261] {strides = array<i32>} : memref<416x64xf32, #tpu.memory_space<vmem>>, vector<1x16xf32>,
        %get3A_1263 = vector.shape_cast %get3A_1262 : vector<1x16xf32> to vector<16xf32>
        %mul3A_1264 = arith.mulf %get3A_203, %get3A_1263 : vector<16xf32>
        %add3A_1265 = arith.addf %add3A_1259, %mul3A_1264 : vector<16xf32>
        %get3A_1266 = arith.index_cast %add3A_1248 : i32 to index
        %get3A_1267 = arith.constant 48 : index
        %get3A_1268 = tpu.vector_load %arg16[%get3A_1266, %get3A_1267] {strides = array<i32>} : memref<416x64xf32, #tpu.memory_space<vmem>>, vector<1x16xf32>,
        %get3A_1269 = vector.shape_cast %get3A_1268 : vector<1x16xf32> to vector<16xf32>
        %mul3A_1270 = arith.mulf %get3A_210, %get3A_1269 : vector<16xf32>
        %add3A_1271 = arith.addf %add3A_1265, %mul3A_1270 : vector<16xf32>
        %select_n3A_1272 = arith.select %ne3A_6, %add3A_1082, %add3A_866 : vector<16xi1>, vector<16xf32>
        %select_n3A_1273 = arith.select %ne3A_6, %add3A_866, %add3A_1082 : vector<16xi1>, vector<16xf32>
        %lt3A_1274 = arith.constant 0 : i32
        %lt3A_1275 = vector.broadcast %lt3A_1274 : i32 to vector<16xi32>
        %lt3A_1276 = arith.cmpi slt, %xor3A_26, %lt3A_1275 : vector<16xi32>
        %add3A_1277 = arith.constant 16 : i32
        %add3A_1278 = vector.broadcast %add3A_1277 : i32 to vector<16xi32>
        %add3A_1279 = arith.addi %xor3A_26, %add3A_1278 : vector<16xi32>
        %select_n3A_1280 = arith.select %lt3A_1276, %add3A_1279, %xor3A_26 : vector<16xi1>, vector<16xi32>
        %broadcast_in_dim3A_1281 = vector.shape_cast %select_n3A_1280 : vector<16xi32> to vector<16x1xi32>
        %gather3A_1282 = vector.shape_cast %broadcast_in_dim3A_1281 : vector<16x1xi32> to vector<16xi32>
        %gather3A_1283 = tpu.dynamic_gather %select_n3A_1273[%gather3A_1282] in [0] : vector<16xf32>, vector<16xi32> -> vector<16xf32>
        %add3A_1284 = arith.addf %select_n3A_1272, %gather3A_1283 : vector<16xf32>
        %select_n3A_1285 = arith.select %ne3A_6, %add3A_1190, %add3A_974 : vector<16xi1>, vector<16xf32>
        %select_n3A_1286 = arith.select %ne3A_6, %add3A_974, %add3A_1190 : vector<16xi1>, vector<16xf32>
        %lt3A_1287 = arith.constant 0 : i32
        %lt3A_1288 = vector.broadcast %lt3A_1287 : i32 to vector<16xi32>
        %lt3A_1289 = arith.cmpi slt, %xor3A_26, %lt3A_1288 : vector<16xi32>
        %add3A_1290 = arith.constant 16 : i32
        %add3A_1291 = vector.broadcast %add3A_1290 : i32 to vector<16xi32>
        %add3A_1292 = arith.addi %xor3A_26, %add3A_1291 : vector<16xi32>
        %select_n3A_1293 = arith.select %lt3A_1289, %add3A_1292, %xor3A_26 : vector<16xi1>, vector<16xi32>
        %broadcast_in_dim3A_1294 = vector.shape_cast %select_n3A_1293 : vector<16xi32> to vector<16x1xi32>
        %gather3A_1295 = vector.shape_cast %broadcast_in_dim3A_1294 : vector<16x1xi32> to vector<16xi32>
        %gather3A_1296 = tpu.dynamic_gather %select_n3A_1286[%gather3A_1295] in [0] : vector<16xf32>, vector<16xi32> -> vector<16xf32>
        %add3A_1297 = arith.addf %select_n3A_1285, %gather3A_1296 : vector<16xf32>
        %select_n3A_1298 = arith.select %ne3A_6, %add3A_1136, %add3A_920 : vector<16xi1>, vector<16xf32>
        %select_n3A_1299 = arith.select %ne3A_6, %add3A_920, %add3A_1136 : vector<16xi1>, vector<16xf32>
        %lt3A_1300 = arith.constant 0 : i32
        %lt3A_1301 = vector.broadcast %lt3A_1300 : i32 to vector<16xi32>
        %lt3A_1302 = arith.cmpi slt, %xor3A_26, %lt3A_1301 : vector<16xi32>
        %add3A_1303 = arith.constant 16 : i32
        %add3A_1304 = vector.broadcast %add3A_1303 : i32 to vector<16xi32>
        %add3A_1305 = arith.addi %xor3A_26, %add3A_1304 : vector<16xi32>
        %select_n3A_1306 = arith.select %lt3A_1302, %add3A_1305, %xor3A_26 : vector<16xi1>, vector<16xi32>
        %broadcast_in_dim3A_1307 = vector.shape_cast %select_n3A_1306 : vector<16xi32> to vector<16x1xi32>
        %gather3A_1308 = vector.shape_cast %broadcast_in_dim3A_1307 : vector<16x1xi32> to vector<16xi32>
        %gather3A_1309 = tpu.dynamic_gather %select_n3A_1299[%gather3A_1308] in [0] : vector<16xf32>, vector<16xi32> -> vector<16xf32>
        %add3A_1310 = arith.addf %select_n3A_1298, %gather3A_1309 : vector<16xf32>
        %select_n3A_1311 = arith.select %ne3A_6, %add3A_1244, %add3A_1028 : vector<16xi1>, vector<16xf32>
        %select_n3A_1312 = arith.select %ne3A_6, %add3A_1028, %add3A_1244 : vector<16xi1>, vector<16xf32>
        %lt3A_1313 = arith.constant 0 : i32
        %lt3A_1314 = vector.broadcast %lt3A_1313 : i32 to vector<16xi32>
        %lt3A_1315 = arith.cmpi slt, %xor3A_26, %lt3A_1314 : vector<16xi32>
        %add3A_1316 = arith.constant 16 : i32
        %add3A_1317 = vector.broadcast %add3A_1316 : i32 to vector<16xi32>
        %add3A_1318 = arith.addi %xor3A_26, %add3A_1317 : vector<16xi32>
        %select_n3A_1319 = arith.select %lt3A_1315, %add3A_1318, %xor3A_26 : vector<16xi1>, vector<16xi32>
        %broadcast_in_dim3A_1320 = vector.shape_cast %select_n3A_1319 : vector<16xi32> to vector<16x1xi32>
        %gather3A_1321 = vector.shape_cast %broadcast_in_dim3A_1320 : vector<16x1xi32> to vector<16xi32>
        %gather3A_1322 = tpu.dynamic_gather %select_n3A_1312[%gather3A_1321] in [0] : vector<16xf32>, vector<16xi32> -> vector<16xf32>
        %add3A_1323 = arith.addf %select_n3A_1311, %gather3A_1322 : vector<16xf32>
        %select_n3A_1324 = arith.select %ne3A_6, %add3A_1109, %add3A_893 : vector<16xi1>, vector<16xf32>
        %select_n3A_1325 = arith.select %ne3A_6, %add3A_893, %add3A_1109 : vector<16xi1>, vector<16xf32>
        %lt3A_1326 = arith.constant 0 : i32
        %lt3A_1327 = vector.broadcast %lt3A_1326 : i32 to vector<16xi32>
        %lt3A_1328 = arith.cmpi slt, %xor3A_26, %lt3A_1327 : vector<16xi32>
        %add3A_1329 = arith.constant 16 : i32
        %add3A_1330 = vector.broadcast %add3A_1329 : i32 to vector<16xi32>
        %add3A_1331 = arith.addi %xor3A_26, %add3A_1330 : vector<16xi32>
        %select_n3A_1332 = arith.select %lt3A_1328, %add3A_1331, %xor3A_26 : vector<16xi1>, vector<16xi32>
        %broadcast_in_dim3A_1333 = vector.shape_cast %select_n3A_1332 : vector<16xi32> to vector<16x1xi32>
        %gather3A_1334 = vector.shape_cast %broadcast_in_dim3A_1333 : vector<16x1xi32> to vector<16xi32>
        %gather3A_1335 = tpu.dynamic_gather %select_n3A_1325[%gather3A_1334] in [0] : vector<16xf32>, vector<16xi32> -> vector<16xf32>
        %add3A_1336 = arith.addf %select_n3A_1324, %gather3A_1335 : vector<16xf32>
        %select_n3A_1337 = arith.select %ne3A_6, %add3A_1217, %add3A_1001 : vector<16xi1>, vector<16xf32>
        %select_n3A_1338 = arith.select %ne3A_6, %add3A_1001, %add3A_1217 : vector<16xi1>, vector<16xf32>
        %lt3A_1339 = arith.constant 0 : i32
        %lt3A_1340 = vector.broadcast %lt3A_1339 : i32 to vector<16xi32>
        %lt3A_1341 = arith.cmpi slt, %xor3A_26, %lt3A_1340 : vector<16xi32>
        %add3A_1342 = arith.constant 16 : i32
        %add3A_1343 = vector.broadcast %add3A_1342 : i32 to vector<16xi32>
        %add3A_1344 = arith.addi %xor3A_26, %add3A_1343 : vector<16xi32>
        %select_n3A_1345 = arith.select %lt3A_1341, %add3A_1344, %xor3A_26 : vector<16xi1>, vector<16xi32>
        %broadcast_in_dim3A_1346 = vector.shape_cast %select_n3A_1345 : vector<16xi32> to vector<16x1xi32>
        %gather3A_1347 = vector.shape_cast %broadcast_in_dim3A_1346 : vector<16x1xi32> to vector<16xi32>
        %gather3A_1348 = tpu.dynamic_gather %select_n3A_1338[%gather3A_1347] in [0] : vector<16xf32>, vector<16xi32> -> vector<16xf32>
        %add3A_1349 = arith.addf %select_n3A_1337, %gather3A_1348 : vector<16xf32>
        %select_n3A_1350 = arith.select %ne3A_6, %add3A_1163, %add3A_947 : vector<16xi1>, vector<16xf32>
        %select_n3A_1351 = arith.select %ne3A_6, %add3A_947, %add3A_1163 : vector<16xi1>, vector<16xf32>
        %lt3A_1352 = arith.constant 0 : i32
        %lt3A_1353 = vector.broadcast %lt3A_1352 : i32 to vector<16xi32>
        %lt3A_1354 = arith.cmpi slt, %xor3A_26, %lt3A_1353 : vector<16xi32>
        %add3A_1355 = arith.constant 16 : i32
        %add3A_1356 = vector.broadcast %add3A_1355 : i32 to vector<16xi32>
        %add3A_1357 = arith.addi %xor3A_26, %add3A_1356 : vector<16xi32>
        %select_n3A_1358 = arith.select %lt3A_1354, %add3A_1357, %xor3A_26 : vector<16xi1>, vector<16xi32>
        %broadcast_in_dim3A_1359 = vector.shape_cast %select_n3A_1358 : vector<16xi32> to vector<16x1xi32>
        %gather3A_1360 = vector.shape_cast %broadcast_in_dim3A_1359 : vector<16x1xi32> to vector<16xi32>
        %gather3A_1361 = tpu.dynamic_gather %select_n3A_1351[%gather3A_1360] in [0] : vector<16xf32>, vector<16xi32> -> vector<16xf32>
        %add3A_1362 = arith.addf %select_n3A_1350, %gather3A_1361 : vector<16xf32>
        %select_n3A_1363 = arith.select %ne3A_6, %add3A_1271, %add3A_1055 : vector<16xi1>, vector<16xf32>
        %select_n3A_1364 = arith.select %ne3A_6, %add3A_1055, %add3A_1271 : vector<16xi1>, vector<16xf32>
        %lt3A_1365 = arith.constant 0 : i32
        %lt3A_1366 = vector.broadcast %lt3A_1365 : i32 to vector<16xi32>
        %lt3A_1367 = arith.cmpi slt, %xor3A_26, %lt3A_1366 : vector<16xi32>
        %add3A_1368 = arith.constant 16 : i32
        %add3A_1369 = vector.broadcast %add3A_1368 : i32 to vector<16xi32>
        %add3A_1370 = arith.addi %xor3A_26, %add3A_1369 : vector<16xi32>
        %select_n3A_1371 = arith.select %lt3A_1367, %add3A_1370, %xor3A_26 : vector<16xi1>, vector<16xi32>
        %broadcast_in_dim3A_1372 = vector.shape_cast %select_n3A_1371 : vector<16xi32> to vector<16x1xi32>
        %gather3A_1373 = vector.shape_cast %broadcast_in_dim3A_1372 : vector<16x1xi32> to vector<16xi32>
        %gather3A_1374 = tpu.dynamic_gather %select_n3A_1364[%gather3A_1373] in [0] : vector<16xf32>, vector<16xi32> -> vector<16xf32>
        %add3A_1375 = arith.addf %select_n3A_1363, %gather3A_1374 : vector<16xf32>
        %select_n3A_1376 = arith.select %ne3A_12, %add3A_1297, %add3A_1284 : vector<16xi1>, vector<16xf32>
        %select_n3A_1377 = arith.select %ne3A_12, %add3A_1284, %add3A_1297 : vector<16xi1>, vector<16xf32>
        %lt3A_1378 = arith.constant 0 : i32
        %lt3A_1379 = vector.broadcast %lt3A_1378 : i32 to vector<16xi32>
        %lt3A_1380 = arith.cmpi slt, %xor3A_29, %lt3A_1379 : vector<16xi32>
        %add3A_1381 = arith.constant 16 : i32
        %add3A_1382 = vector.broadcast %add3A_1381 : i32 to vector<16xi32>
        %add3A_1383 = arith.addi %xor3A_29, %add3A_1382 : vector<16xi32>
        %select_n3A_1384 = arith.select %lt3A_1380, %add3A_1383, %xor3A_29 : vector<16xi1>, vector<16xi32>
        %broadcast_in_dim3A_1385 = vector.shape_cast %select_n3A_1384 : vector<16xi32> to vector<16x1xi32>
        %gather3A_1386 = vector.shape_cast %broadcast_in_dim3A_1385 : vector<16x1xi32> to vector<16xi32>
        %gather3A_1387 = tpu.dynamic_gather %select_n3A_1377[%gather3A_1386] in [0] : vector<16xf32>, vector<16xi32> -> vector<16xf32>
        %add3A_1388 = arith.addf %select_n3A_1376, %gather3A_1387 : vector<16xf32>
        %select_n3A_1389 = arith.select %ne3A_12, %add3A_1323, %add3A_1310 : vector<16xi1>, vector<16xf32>
        %select_n3A_1390 = arith.select %ne3A_12, %add3A_1310, %add3A_1323 : vector<16xi1>, vector<16xf32>
        %lt3A_1391 = arith.constant 0 : i32
        %lt3A_1392 = vector.broadcast %lt3A_1391 : i32 to vector<16xi32>
        %lt3A_1393 = arith.cmpi slt, %xor3A_29, %lt3A_1392 : vector<16xi32>
        %add3A_1394 = arith.constant 16 : i32
        %add3A_1395 = vector.broadcast %add3A_1394 : i32 to vector<16xi32>
        %add3A_1396 = arith.addi %xor3A_29, %add3A_1395 : vector<16xi32>
        %select_n3A_1397 = arith.select %lt3A_1393, %add3A_1396, %xor3A_29 : vector<16xi1>, vector<16xi32>
        %broadcast_in_dim3A_1398 = vector.shape_cast %select_n3A_1397 : vector<16xi32> to vector<16x1xi32>
        %gather3A_1399 = vector.shape_cast %broadcast_in_dim3A_1398 : vector<16x1xi32> to vector<16xi32>
        %gather3A_1400 = tpu.dynamic_gather %select_n3A_1390[%gather3A_1399] in [0] : vector<16xf32>, vector<16xi32> -> vector<16xf32>
        %add3A_1401 = arith.addf %select_n3A_1389, %gather3A_1400 : vector<16xf32>
        %select_n3A_1402 = arith.select %ne3A_12, %add3A_1349, %add3A_1336 : vector<16xi1>, vector<16xf32>
        %select_n3A_1403 = arith.select %ne3A_12, %add3A_1336, %add3A_1349 : vector<16xi1>, vector<16xf32>
        %lt3A_1404 = arith.constant 0 : i32
        %lt3A_1405 = vector.broadcast %lt3A_1404 : i32 to vector<16xi32>
        %lt3A_1406 = arith.cmpi slt, %xor3A_29, %lt3A_1405 : vector<16xi32>
        %add3A_1407 = arith.constant 16 : i32
        %add3A_1408 = vector.broadcast %add3A_1407 : i32 to vector<16xi32>
        %add3A_1409 = arith.addi %xor3A_29, %add3A_1408 : vector<16xi32>
        %select_n3A_1410 = arith.select %lt3A_1406, %add3A_1409, %xor3A_29 : vector<16xi1>, vector<16xi32>
        %broadcast_in_dim3A_1411 = vector.shape_cast %select_n3A_1410 : vector<16xi32> to vector<16x1xi32>
        %gather3A_1412 = vector.shape_cast %broadcast_in_dim3A_1411 : vector<16x1xi32> to vector<16xi32>
        %gather3A_1413 = tpu.dynamic_gather %select_n3A_1403[%gather3A_1412] in [0] : vector<16xf32>, vector<16xi32> -> vector<16xf32>
        %add3A_1414 = arith.addf %select_n3A_1402, %gather3A_1413 : vector<16xf32>
        %select_n3A_1415 = arith.select %ne3A_12, %add3A_1375, %add3A_1362 : vector<16xi1>, vector<16xf32>
        %select_n3A_1416 = arith.select %ne3A_12, %add3A_1362, %add3A_1375 : vector<16xi1>, vector<16xf32>
        %lt3A_1417 = arith.constant 0 : i32
        %lt3A_1418 = vector.broadcast %lt3A_1417 : i32 to vector<16xi32>
        %lt3A_1419 = arith.cmpi slt, %xor3A_29, %lt3A_1418 : vector<16xi32>
        %add3A_1420 = arith.constant 16 : i32
        %add3A_1421 = vector.broadcast %add3A_1420 : i32 to vector<16xi32>
        %add3A_1422 = arith.addi %xor3A_29, %add3A_1421 : vector<16xi32>
        %select_n3A_1423 = arith.select %lt3A_1419, %add3A_1422, %xor3A_29 : vector<16xi1>, vector<16xi32>
        %broadcast_in_dim3A_1424 = vector.shape_cast %select_n3A_1423 : vector<16xi32> to vector<16x1xi32>
        %gather3A_1425 = vector.shape_cast %broadcast_in_dim3A_1424 : vector<16x1xi32> to vector<16xi32>
        %gather3A_1426 = tpu.dynamic_gather %select_n3A_1416[%gather3A_1425] in [0] : vector<16xf32>, vector<16xi32> -> vector<16xf32>
        %add3A_1427 = arith.addf %select_n3A_1415, %gather3A_1426 : vector<16xf32>
        %select_n3A_1428 = arith.select %ne3A_18, %add3A_1401, %add3A_1388 : vector<16xi1>, vector<16xf32>
        %select_n3A_1429 = arith.select %ne3A_18, %add3A_1388, %add3A_1401 : vector<16xi1>, vector<16xf32>
        %lt3A_1430 = arith.constant 0 : i32
        %lt3A_1431 = vector.broadcast %lt3A_1430 : i32 to vector<16xi32>
        %lt3A_1432 = arith.cmpi slt, %xor3A_32, %lt3A_1431 : vector<16xi32>
        %add3A_1433 = arith.constant 16 : i32
        %add3A_1434 = vector.broadcast %add3A_1433 : i32 to vector<16xi32>
        %add3A_1435 = arith.addi %xor3A_32, %add3A_1434 : vector<16xi32>
        %select_n3A_1436 = arith.select %lt3A_1432, %add3A_1435, %xor3A_32 : vector<16xi1>, vector<16xi32>
        %broadcast_in_dim3A_1437 = vector.shape_cast %select_n3A_1436 : vector<16xi32> to vector<16x1xi32>
        %gather3A_1438 = vector.shape_cast %broadcast_in_dim3A_1437 : vector<16x1xi32> to vector<16xi32>
        %gather3A_1439 = tpu.dynamic_gather %select_n3A_1429[%gather3A_1438] in [0] : vector<16xf32>, vector<16xi32> -> vector<16xf32>
        %add3A_1440 = arith.addf %select_n3A_1428, %gather3A_1439 : vector<16xf32>
        %select_n3A_1441 = arith.select %ne3A_18, %add3A_1427, %add3A_1414 : vector<16xi1>, vector<16xf32>
        %select_n3A_1442 = arith.select %ne3A_18, %add3A_1414, %add3A_1427 : vector<16xi1>, vector<16xf32>
        %lt3A_1443 = arith.constant 0 : i32
        %lt3A_1444 = vector.broadcast %lt3A_1443 : i32 to vector<16xi32>
        %lt3A_1445 = arith.cmpi slt, %xor3A_32, %lt3A_1444 : vector<16xi32>
        %add3A_1446 = arith.constant 16 : i32
        %add3A_1447 = vector.broadcast %add3A_1446 : i32 to vector<16xi32>
        %add3A_1448 = arith.addi %xor3A_32, %add3A_1447 : vector<16xi32>
        %select_n3A_1449 = arith.select %lt3A_1445, %add3A_1448, %xor3A_32 : vector<16xi1>, vector<16xi32>
        %broadcast_in_dim3A_1450 = vector.shape_cast %select_n3A_1449 : vector<16xi32> to vector<16x1xi32>
        %gather3A_1451 = vector.shape_cast %broadcast_in_dim3A_1450 : vector<16x1xi32> to vector<16xi32>
        %gather3A_1452 = tpu.dynamic_gather %select_n3A_1442[%gather3A_1451] in [0] : vector<16xf32>, vector<16xi32> -> vector<16xf32>
        %add3A_1453 = arith.addf %select_n3A_1441, %gather3A_1452 : vector<16xf32>
        %select_n3A_1454 = arith.select %ne3A_24, %add3A_1453, %add3A_1440 : vector<16xi1>, vector<16xf32>
        %select_n3A_1455 = arith.select %ne3A_24, %add3A_1440, %add3A_1453 : vector<16xi1>, vector<16xf32>
        %lt3A_1456 = arith.constant 0 : i32
        %lt3A_1457 = vector.broadcast %lt3A_1456 : i32 to vector<16xi32>
        %lt3A_1458 = arith.cmpi slt, %xor3A_35, %lt3A_1457 : vector<16xi32>
        %add3A_1459 = arith.constant 16 : i32
        %add3A_1460 = vector.broadcast %add3A_1459 : i32 to vector<16xi32>
        %add3A_1461 = arith.addi %xor3A_35, %add3A_1460 : vector<16xi32>
        %select_n3A_1462 = arith.select %lt3A_1458, %add3A_1461, %xor3A_35 : vector<16xi1>, vector<16xi32>
        %broadcast_in_dim3A_1463 = vector.shape_cast %select_n3A_1462 : vector<16xi32> to vector<16x1xi32>
        %gather3A_1464 = vector.shape_cast %broadcast_in_dim3A_1463 : vector<16x1xi32> to vector<16xi32>
        %gather3A_1465 = tpu.dynamic_gather %select_n3A_1455[%gather3A_1464] in [0] : vector<16xf32>, vector<16xi32> -> vector<16xf32>
        %add3A_1466 = arith.addf %select_n3A_1454, %gather3A_1465 : vector<16xf32>
        %swap3A_1467 = arith.index_cast %scan3A_183 : i32 to index
        %swap3A_1468 = arith.constant 16 : index
        %swap3A_1469 = tpu.vector_load %arg17[%swap3A_1467, %swap3A_1468] {strides = array<i32>} : memref<8x56xf32, #tpu.memory_space<vmem>>, vector<1x16xf32>,
        %swap3A_1470 = vector.shape_cast %swap3A_1469 : vector<1x16xf32> to vector<16xf32>
        %swap3A_1471 = vector.shape_cast %add3A_1466 : vector<16xf32> to vector<1x16xf32>
        tpu.vector_store %arg17[%swap3A_1467, %swap3A_1468], %swap3A_1471 {strides = array<i32>} : memref<8x56xf32, #tpu.memory_space<vmem>>, vector<1x16xf32>,
        %add3A_1472 = arith.constant 32 : i32
        %add3A_1473 = arith.addi %mul3A_212, %add3A_1472 : i32
        %add3A_1474 = arith.constant 0 : i32
        %add3A_1475 = arith.addi %add3A_1473, %add3A_1474 : i32
        %get3A_1476 = arith.index_cast %add3A_1475 : i32 to index
        %get3A_1477 = arith.constant 0 : index
        %get3A_1478 = tpu.vector_load %arg16[%get3A_1476, %get3A_1477] {strides = array<i32>} : memref<416x64xf32, #tpu.memory_space<vmem>>, vector<1x16xf32>,
        %get3A_1479 = vector.shape_cast %get3A_1478 : vector<1x16xf32> to vector<16xf32>
        %mul3A_1480 = arith.mulf %get3A_189, %get3A_1479 : vector<16xf32>
        %get3A_1481 = arith.index_cast %add3A_1475 : i32 to index
        %get3A_1482 = arith.constant 16 : index
        %get3A_1483 = tpu.vector_load %arg16[%get3A_1481, %get3A_1482] {strides = array<i32>} : memref<416x64xf32, #tpu.memory_space<vmem>>, vector<1x16xf32>,
        %get3A_1484 = vector.shape_cast %get3A_1483 : vector<1x16xf32> to vector<16xf32>
        %mul3A_1485 = arith.mulf %get3A_196, %get3A_1484 : vector<16xf32>
        %add3A_1486 = arith.addf %mul3A_1480, %mul3A_1485 : vector<16xf32>
        %get3A_1487 = arith.index_cast %add3A_1475 : i32 to index
        %get3A_1488 = arith.constant 32 : index
        %get3A_1489 = tpu.vector_load %arg16[%get3A_1487, %get3A_1488] {strides = array<i32>} : memref<416x64xf32, #tpu.memory_space<vmem>>, vector<1x16xf32>,
        %get3A_1490 = vector.shape_cast %get3A_1489 : vector<1x16xf32> to vector<16xf32>
        %mul3A_1491 = arith.mulf %get3A_203, %get3A_1490 : vector<16xf32>
        %add3A_1492 = arith.addf %add3A_1486, %mul3A_1491 : vector<16xf32>
        %get3A_1493 = arith.index_cast %add3A_1475 : i32 to index
        %get3A_1494 = arith.constant 48 : index
        %get3A_1495 = tpu.vector_load %arg16[%get3A_1493, %get3A_1494] {strides = array<i32>} : memref<416x64xf32, #tpu.memory_space<vmem>>, vector<1x16xf32>,
        %get3A_1496 = vector.shape_cast %get3A_1495 : vector<1x16xf32> to vector<16xf32>
        %mul3A_1497 = arith.mulf %get3A_210, %get3A_1496 : vector<16xf32>
        %add3A_1498 = arith.addf %add3A_1492, %mul3A_1497 : vector<16xf32>
        %add3A_1499 = arith.constant 32 : i32
        %add3A_1500 = arith.addi %mul3A_212, %add3A_1499 : i32
        %add3A_1501 = arith.constant 1 : i32
        %add3A_1502 = arith.addi %add3A_1500, %add3A_1501 : i32
        %get3A_1503 = arith.index_cast %add3A_1502 : i32 to index
        %get3A_1504 = arith.constant 0 : index
        %get3A_1505 = tpu.vector_load %arg16[%get3A_1503, %get3A_1504] {strides = array<i32>} : memref<416x64xf32, #tpu.memory_space<vmem>>, vector<1x16xf32>,
        %get3A_1506 = vector.shape_cast %get3A_1505 : vector<1x16xf32> to vector<16xf32>
        %mul3A_1507 = arith.mulf %get3A_189, %get3A_1506 : vector<16xf32>
        %get3A_1508 = arith.index_cast %add3A_1502 : i32 to index
        %get3A_1509 = arith.constant 16 : index
        %get3A_1510 = tpu.vector_load %arg16[%get3A_1508, %get3A_1509] {strides = array<i32>} : memref<416x64xf32, #tpu.memory_space<vmem>>, vector<1x16xf32>,
        %get3A_1511 = vector.shape_cast %get3A_1510 : vector<1x16xf32> to vector<16xf32>
        %mul3A_1512 = arith.mulf %get3A_196, %get3A_1511 : vector<16xf32>
        %add3A_1513 = arith.addf %mul3A_1507, %mul3A_1512 : vector<16xf32>
        %get3A_1514 = arith.index_cast %add3A_1502 : i32 to index
        %get3A_1515 = arith.constant 32 : index
        %get3A_1516 = tpu.vector_load %arg16[%get3A_1514, %get3A_1515] {strides = array<i32>} : memref<416x64xf32, #tpu.memory_space<vmem>>, vector<1x16xf32>,
        %get3A_1517 = vector.shape_cast %get3A_1516 : vector<1x16xf32> to vector<16xf32>
        %mul3A_1518 = arith.mulf %get3A_203, %get3A_1517 : vector<16xf32>
        %add3A_1519 = arith.addf %add3A_1513, %mul3A_1518 : vector<16xf32>
        %get3A_1520 = arith.index_cast %add3A_1502 : i32 to index
        %get3A_1521 = arith.constant 48 : index
        %get3A_1522 = tpu.vector_load %arg16[%get3A_1520, %get3A_1521] {strides = array<i32>} : memref<416x64xf32, #tpu.memory_space<vmem>>, vector<1x16xf32>,
        %get3A_1523 = vector.shape_cast %get3A_1522 : vector<1x16xf32> to vector<16xf32>
        %mul3A_1524 = arith.mulf %get3A_210, %get3A_1523 : vector<16xf32>
        %add3A_1525 = arith.addf %add3A_1519, %mul3A_1524 : vector<16xf32>
        %add3A_1526 = arith.constant 32 : i32
        %add3A_1527 = arith.addi %mul3A_212, %add3A_1526 : i32
        %add3A_1528 = arith.constant 2 : i32
        %add3A_1529 = arith.addi %add3A_1527, %add3A_1528 : i32
        %get3A_1530 = arith.index_cast %add3A_1529 : i32 to index
        %get3A_1531 = arith.constant 0 : index
        %get3A_1532 = tpu.vector_load %arg16[%get3A_1530, %get3A_1531] {strides = array<i32>} : memref<416x64xf32, #tpu.memory_space<vmem>>, vector<1x16xf32>,
        %get3A_1533 = vector.shape_cast %get3A_1532 : vector<1x16xf32> to vector<16xf32>
        %mul3A_1534 = arith.mulf %get3A_189, %get3A_1533 : vector<16xf32>
        %get3A_1535 = arith.index_cast %add3A_1529 : i32 to index
        %get3A_1536 = arith.constant 16 : index
        %get3A_1537 = tpu.vector_load %arg16[%get3A_1535, %get3A_1536] {strides = array<i32>} : memref<416x64xf32, #tpu.memory_space<vmem>>, vector<1x16xf32>,
        %get3A_1538 = vector.shape_cast %get3A_1537 : vector<1x16xf32> to vector<16xf32>
        %mul3A_1539 = arith.mulf %get3A_196, %get3A_1538 : vector<16xf32>
        %add3A_1540 = arith.addf %mul3A_1534, %mul3A_1539 : vector<16xf32>
        %get3A_1541 = arith.index_cast %add3A_1529 : i32 to index
        %get3A_1542 = arith.constant 32 : index
        %get3A_1543 = tpu.vector_load %arg16[%get3A_1541, %get3A_1542] {strides = array<i32>} : memref<416x64xf32, #tpu.memory_space<vmem>>, vector<1x16xf32>,
        %get3A_1544 = vector.shape_cast %get3A_1543 : vector<1x16xf32> to vector<16xf32>
        %mul3A_1545 = arith.mulf %get3A_203, %get3A_1544 : vector<16xf32>
        %add3A_1546 = arith.addf %add3A_1540, %mul3A_1545 : vector<16xf32>
        %get3A_1547 = arith.index_cast %add3A_1529 : i32 to index
        %get3A_1548 = arith.constant 48 : index
        %get3A_1549 = tpu.vector_load %arg16[%get3A_1547, %get3A_1548] {strides = array<i32>} : memref<416x64xf32, #tpu.memory_space<vmem>>, vector<1x16xf32>,
        %get3A_1550 = vector.shape_cast %get3A_1549 : vector<1x16xf32> to vector<16xf32>
        %mul3A_1551 = arith.mulf %get3A_210, %get3A_1550 : vector<16xf32>
        %add3A_1552 = arith.addf %add3A_1546, %mul3A_1551 : vector<16xf32>
        %add3A_1553 = arith.constant 32 : i32
        %add3A_1554 = arith.addi %mul3A_212, %add3A_1553 : i32
        %add3A_1555 = arith.constant 3 : i32
        %add3A_1556 = arith.addi %add3A_1554, %add3A_1555 : i32
        %get3A_1557 = arith.index_cast %add3A_1556 : i32 to index
        %get3A_1558 = arith.constant 0 : index
        %get3A_1559 = tpu.vector_load %arg16[%get3A_1557, %get3A_1558] {strides = array<i32>} : memref<416x64xf32, #tpu.memory_space<vmem>>, vector<1x16xf32>,
        %get3A_1560 = vector.shape_cast %get3A_1559 : vector<1x16xf32> to vector<16xf32>
        %mul3A_1561 = arith.mulf %get3A_189, %get3A_1560 : vector<16xf32>
        %get3A_1562 = arith.index_cast %add3A_1556 : i32 to index
        %get3A_1563 = arith.constant 16 : index
        %get3A_1564 = tpu.vector_load %arg16[%get3A_1562, %get3A_1563] {strides = array<i32>} : memref<416x64xf32, #tpu.memory_space<vmem>>, vector<1x16xf32>,
        %get3A_1565 = vector.shape_cast %get3A_1564 : vector<1x16xf32> to vector<16xf32>
        %mul3A_1566 = arith.mulf %get3A_196, %get3A_1565 : vector<16xf32>
        %add3A_1567 = arith.addf %mul3A_1561, %mul3A_1566 : vector<16xf32>
        %get3A_1568 = arith.index_cast %add3A_1556 : i32 to index
        %get3A_1569 = arith.constant 32 : index
        %get3A_1570 = tpu.vector_load %arg16[%get3A_1568, %get3A_1569] {strides = array<i32>} : memref<416x64xf32, #tpu.memory_space<vmem>>, vector<1x16xf32>,
        %get3A_1571 = vector.shape_cast %get3A_1570 : vector<1x16xf32> to vector<16xf32>
        %mul3A_1572 = arith.mulf %get3A_203, %get3A_1571 : vector<16xf32>
        %add3A_1573 = arith.addf %add3A_1567, %mul3A_1572 : vector<16xf32>
        %get3A_1574 = arith.index_cast %add3A_1556 : i32 to index
        %get3A_1575 = arith.constant 48 : index
        %get3A_1576 = tpu.vector_load %arg16[%get3A_1574, %get3A_1575] {strides = array<i32>} : memref<416x64xf32, #tpu.memory_space<vmem>>, vector<1x16xf32>,
        %get3A_1577 = vector.shape_cast %get3A_1576 : vector<1x16xf32> to vector<16xf32>
        %mul3A_1578 = arith.mulf %get3A_210, %get3A_1577 : vector<16xf32>
        %add3A_1579 = arith.addf %add3A_1573, %mul3A_1578 : vector<16xf32>
        %add3A_1580 = arith.constant 32 : i32
        %add3A_1581 = arith.addi %mul3A_212, %add3A_1580 : i32
        %add3A_1582 = arith.constant 4 : i32
        %add3A_1583 = arith.addi %add3A_1581, %add3A_1582 : i32
        %get3A_1584 = arith.index_cast %add3A_1583 : i32 to index
        %get3A_1585 = arith.constant 0 : index
        %get3A_1586 = tpu.vector_load %arg16[%get3A_1584, %get3A_1585] {strides = array<i32>} : memref<416x64xf32, #tpu.memory_space<vmem>>, vector<1x16xf32>,
        %get3A_1587 = vector.shape_cast %get3A_1586 : vector<1x16xf32> to vector<16xf32>
        %mul3A_1588 = arith.mulf %get3A_189, %get3A_1587 : vector<16xf32>
        %get3A_1589 = arith.index_cast %add3A_1583 : i32 to index
        %get3A_1590 = arith.constant 16 : index
        %get3A_1591 = tpu.vector_load %arg16[%get3A_1589, %get3A_1590] {strides = array<i32>} : memref<416x64xf32, #tpu.memory_space<vmem>>, vector<1x16xf32>,
        %get3A_1592 = vector.shape_cast %get3A_1591 : vector<1x16xf32> to vector<16xf32>
        %mul3A_1593 = arith.mulf %get3A_196, %get3A_1592 : vector<16xf32>
        %add3A_1594 = arith.addf %mul3A_1588, %mul3A_1593 : vector<16xf32>
        %get3A_1595 = arith.index_cast %add3A_1583 : i32 to index
        %get3A_1596 = arith.constant 32 : index
        %get3A_1597 = tpu.vector_load %arg16[%get3A_1595, %get3A_1596] {strides = array<i32>} : memref<416x64xf32, #tpu.memory_space<vmem>>, vector<1x16xf32>,
        %get3A_1598 = vector.shape_cast %get3A_1597 : vector<1x16xf32> to vector<16xf32>
        %mul3A_1599 = arith.mulf %get3A_203, %get3A_1598 : vector<16xf32>
        %add3A_1600 = arith.addf %add3A_1594, %mul3A_1599 : vector<16xf32>
        %get3A_1601 = arith.index_cast %add3A_1583 : i32 to index
        %get3A_1602 = arith.constant 48 : index
        %get3A_1603 = tpu.vector_load %arg16[%get3A_1601, %get3A_1602] {strides = array<i32>} : memref<416x64xf32, #tpu.memory_space<vmem>>, vector<1x16xf32>,
        %get3A_1604 = vector.shape_cast %get3A_1603 : vector<1x16xf32> to vector<16xf32>
        %mul3A_1605 = arith.mulf %get3A_210, %get3A_1604 : vector<16xf32>
        %add3A_1606 = arith.addf %add3A_1600, %mul3A_1605 : vector<16xf32>
        %add3A_1607 = arith.constant 32 : i32
        %add3A_1608 = arith.addi %mul3A_212, %add3A_1607 : i32
        %add3A_1609 = arith.constant 5 : i32
        %add3A_1610 = arith.addi %add3A_1608, %add3A_1609 : i32
        %get3A_1611 = arith.index_cast %add3A_1610 : i32 to index
        %get3A_1612 = arith.constant 0 : index
        %get3A_1613 = tpu.vector_load %arg16[%get3A_1611, %get3A_1612] {strides = array<i32>} : memref<416x64xf32, #tpu.memory_space<vmem>>, vector<1x16xf32>,
        %get3A_1614 = vector.shape_cast %get3A_1613 : vector<1x16xf32> to vector<16xf32>
        %mul3A_1615 = arith.mulf %get3A_189, %get3A_1614 : vector<16xf32>
        %get3A_1616 = arith.index_cast %add3A_1610 : i32 to index
        %get3A_1617 = arith.constant 16 : index
        %get3A_1618 = tpu.vector_load %arg16[%get3A_1616, %get3A_1617] {strides = array<i32>} : memref<416x64xf32, #tpu.memory_space<vmem>>, vector<1x16xf32>,
        %get3A_1619 = vector.shape_cast %get3A_1618 : vector<1x16xf32> to vector<16xf32>
        %mul3A_1620 = arith.mulf %get3A_196, %get3A_1619 : vector<16xf32>
        %add3A_1621 = arith.addf %mul3A_1615, %mul3A_1620 : vector<16xf32>
        %get3A_1622 = arith.index_cast %add3A_1610 : i32 to index
        %get3A_1623 = arith.constant 32 : index
        %get3A_1624 = tpu.vector_load %arg16[%get3A_1622, %get3A_1623] {strides = array<i32>} : memref<416x64xf32, #tpu.memory_space<vmem>>, vector<1x16xf32>,
        %get3A_1625 = vector.shape_cast %get3A_1624 : vector<1x16xf32> to vector<16xf32>
        %mul3A_1626 = arith.mulf %get3A_203, %get3A_1625 : vector<16xf32>
        %add3A_1627 = arith.addf %add3A_1621, %mul3A_1626 : vector<16xf32>
        %get3A_1628 = arith.index_cast %add3A_1610 : i32 to index
        %get3A_1629 = arith.constant 48 : index
        %get3A_1630 = tpu.vector_load %arg16[%get3A_1628, %get3A_1629] {strides = array<i32>} : memref<416x64xf32, #tpu.memory_space<vmem>>, vector<1x16xf32>,
        %get3A_1631 = vector.shape_cast %get3A_1630 : vector<1x16xf32> to vector<16xf32>
        %mul3A_1632 = arith.mulf %get3A_210, %get3A_1631 : vector<16xf32>
        %add3A_1633 = arith.addf %add3A_1627, %mul3A_1632 : vector<16xf32>
        %add3A_1634 = arith.constant 32 : i32
        %add3A_1635 = arith.addi %mul3A_212, %add3A_1634 : i32
        %add3A_1636 = arith.constant 6 : i32
        %add3A_1637 = arith.addi %add3A_1635, %add3A_1636 : i32
        %get3A_1638 = arith.index_cast %add3A_1637 : i32 to index
        %get3A_1639 = arith.constant 0 : index
        %get3A_1640 = tpu.vector_load %arg16[%get3A_1638, %get3A_1639] {strides = array<i32>} : memref<416x64xf32, #tpu.memory_space<vmem>>, vector<1x16xf32>,
        %get3A_1641 = vector.shape_cast %get3A_1640 : vector<1x16xf32> to vector<16xf32>
        %mul3A_1642 = arith.mulf %get3A_189, %get3A_1641 : vector<16xf32>
        %get3A_1643 = arith.index_cast %add3A_1637 : i32 to index
        %get3A_1644 = arith.constant 16 : index
        %get3A_1645 = tpu.vector_load %arg16[%get3A_1643, %get3A_1644] {strides = array<i32>} : memref<416x64xf32, #tpu.memory_space<vmem>>, vector<1x16xf32>,
        %get3A_1646 = vector.shape_cast %get3A_1645 : vector<1x16xf32> to vector<16xf32>
        %mul3A_1647 = arith.mulf %get3A_196, %get3A_1646 : vector<16xf32>
        %add3A_1648 = arith.addf %mul3A_1642, %mul3A_1647 : vector<16xf32>
        %get3A_1649 = arith.index_cast %add3A_1637 : i32 to index
        %get3A_1650 = arith.constant 32 : index
        %get3A_1651 = tpu.vector_load %arg16[%get3A_1649, %get3A_1650] {strides = array<i32>} : memref<416x64xf32, #tpu.memory_space<vmem>>, vector<1x16xf32>,
        %get3A_1652 = vector.shape_cast %get3A_1651 : vector<1x16xf32> to vector<16xf32>
        %mul3A_1653 = arith.mulf %get3A_203, %get3A_1652 : vector<16xf32>
        %add3A_1654 = arith.addf %add3A_1648, %mul3A_1653 : vector<16xf32>
        %get3A_1655 = arith.index_cast %add3A_1637 : i32 to index
        %get3A_1656 = arith.constant 48 : index
        %get3A_1657 = tpu.vector_load %arg16[%get3A_1655, %get3A_1656] {strides = array<i32>} : memref<416x64xf32, #tpu.memory_space<vmem>>, vector<1x16xf32>,
        %get3A_1658 = vector.shape_cast %get3A_1657 : vector<1x16xf32> to vector<16xf32>
        %mul3A_1659 = arith.mulf %get3A_210, %get3A_1658 : vector<16xf32>
        %add3A_1660 = arith.addf %add3A_1654, %mul3A_1659 : vector<16xf32>
        %add3A_1661 = arith.constant 32 : i32
        %add3A_1662 = arith.addi %mul3A_212, %add3A_1661 : i32
        %add3A_1663 = arith.constant 7 : i32
        %add3A_1664 = arith.addi %add3A_1662, %add3A_1663 : i32
        %get3A_1665 = arith.index_cast %add3A_1664 : i32 to index
        %get3A_1666 = arith.constant 0 : index
        %get3A_1667 = tpu.vector_load %arg16[%get3A_1665, %get3A_1666] {strides = array<i32>} : memref<416x64xf32, #tpu.memory_space<vmem>>, vector<1x16xf32>,
        %get3A_1668 = vector.shape_cast %get3A_1667 : vector<1x16xf32> to vector<16xf32>
        %mul3A_1669 = arith.mulf %get3A_189, %get3A_1668 : vector<16xf32>
        %get3A_1670 = arith.index_cast %add3A_1664 : i32 to index
        %get3A_1671 = arith.constant 16 : index
        %get3A_1672 = tpu.vector_load %arg16[%get3A_1670, %get3A_1671] {strides = array<i32>} : memref<416x64xf32, #tpu.memory_space<vmem>>, vector<1x16xf32>,
        %get3A_1673 = vector.shape_cast %get3A_1672 : vector<1x16xf32> to vector<16xf32>
        %mul3A_1674 = arith.mulf %get3A_196, %get3A_1673 : vector<16xf32>
        %add3A_1675 = arith.addf %mul3A_1669, %mul3A_1674 : vector<16xf32>
        %get3A_1676 = arith.index_cast %add3A_1664 : i32 to index
        %get3A_1677 = arith.constant 32 : index
        %get3A_1678 = tpu.vector_load %arg16[%get3A_1676, %get3A_1677] {strides = array<i32>} : memref<416x64xf32, #tpu.memory_space<vmem>>, vector<1x16xf32>,
        %get3A_1679 = vector.shape_cast %get3A_1678 : vector<1x16xf32> to vector<16xf32>
        %mul3A_1680 = arith.mulf %get3A_203, %get3A_1679 : vector<16xf32>
        %add3A_1681 = arith.addf %add3A_1675, %mul3A_1680 : vector<16xf32>
        %get3A_1682 = arith.index_cast %add3A_1664 : i32 to index
        %get3A_1683 = arith.constant 48 : index
        %get3A_1684 = tpu.vector_load %arg16[%get3A_1682, %get3A_1683] {strides = array<i32>} : memref<416x64xf32, #tpu.memory_space<vmem>>, vector<1x16xf32>,
        %get3A_1685 = vector.shape_cast %get3A_1684 : vector<1x16xf32> to vector<16xf32>
        %mul3A_1686 = arith.mulf %get3A_210, %get3A_1685 : vector<16xf32>
        %add3A_1687 = arith.addf %add3A_1681, %mul3A_1686 : vector<16xf32>
        %add3A_1688 = arith.constant 32 : i32
        %add3A_1689 = arith.addi %mul3A_212, %add3A_1688 : i32
        %add3A_1690 = arith.constant 8 : i32
        %add3A_1691 = arith.addi %add3A_1689, %add3A_1690 : i32
        %get3A_1692 = arith.index_cast %add3A_1691 : i32 to index
        %get3A_1693 = arith.constant 0 : index
        %get3A_1694 = tpu.vector_load %arg16[%get3A_1692, %get3A_1693] {strides = array<i32>} : memref<416x64xf32, #tpu.memory_space<vmem>>, vector<1x16xf32>,
        %get3A_1695 = vector.shape_cast %get3A_1694 : vector<1x16xf32> to vector<16xf32>
        %mul3A_1696 = arith.mulf %get3A_189, %get3A_1695 : vector<16xf32>
        %get3A_1697 = arith.index_cast %add3A_1691 : i32 to index
        %get3A_1698 = arith.constant 16 : index
        %get3A_1699 = tpu.vector_load %arg16[%get3A_1697, %get3A_1698] {strides = array<i32>} : memref<416x64xf32, #tpu.memory_space<vmem>>, vector<1x16xf32>,
        %get3A_1700 = vector.shape_cast %get3A_1699 : vector<1x16xf32> to vector<16xf32>
        %mul3A_1701 = arith.mulf %get3A_196, %get3A_1700 : vector<16xf32>
        %add3A_1702 = arith.addf %mul3A_1696, %mul3A_1701 : vector<16xf32>
        %get3A_1703 = arith.index_cast %add3A_1691 : i32 to index
        %get3A_1704 = arith.constant 32 : index
        %get3A_1705 = tpu.vector_load %arg16[%get3A_1703, %get3A_1704] {strides = array<i32>} : memref<416x64xf32, #tpu.memory_space<vmem>>, vector<1x16xf32>,
        %get3A_1706 = vector.shape_cast %get3A_1705 : vector<1x16xf32> to vector<16xf32>
        %mul3A_1707 = arith.mulf %get3A_203, %get3A_1706 : vector<16xf32>
        %add3A_1708 = arith.addf %add3A_1702, %mul3A_1707 : vector<16xf32>
        %get3A_1709 = arith.index_cast %add3A_1691 : i32 to index
        %get3A_1710 = arith.constant 48 : index
        %get3A_1711 = tpu.vector_load %arg16[%get3A_1709, %get3A_1710] {strides = array<i32>} : memref<416x64xf32, #tpu.memory_space<vmem>>, vector<1x16xf32>,
        %get3A_1712 = vector.shape_cast %get3A_1711 : vector<1x16xf32> to vector<16xf32>
        %mul3A_1713 = arith.mulf %get3A_210, %get3A_1712 : vector<16xf32>
        %add3A_1714 = arith.addf %add3A_1708, %mul3A_1713 : vector<16xf32>
        %add3A_1715 = arith.constant 32 : i32
        %add3A_1716 = arith.addi %mul3A_212, %add3A_1715 : i32
        %add3A_1717 = arith.constant 9 : i32
        %add3A_1718 = arith.addi %add3A_1716, %add3A_1717 : i32
        %get3A_1719 = arith.index_cast %add3A_1718 : i32 to index
        %get3A_1720 = arith.constant 0 : index
        %get3A_1721 = tpu.vector_load %arg16[%get3A_1719, %get3A_1720] {strides = array<i32>} : memref<416x64xf32, #tpu.memory_space<vmem>>, vector<1x16xf32>,
        %get3A_1722 = vector.shape_cast %get3A_1721 : vector<1x16xf32> to vector<16xf32>
        %mul3A_1723 = arith.mulf %get3A_189, %get3A_1722 : vector<16xf32>
        %get3A_1724 = arith.index_cast %add3A_1718 : i32 to index
        %get3A_1725 = arith.constant 16 : index
        %get3A_1726 = tpu.vector_load %arg16[%get3A_1724, %get3A_1725] {strides = array<i32>} : memref<416x64xf32, #tpu.memory_space<vmem>>, vector<1x16xf32>,
        %get3A_1727 = vector.shape_cast %get3A_1726 : vector<1x16xf32> to vector<16xf32>
        %mul3A_1728 = arith.mulf %get3A_196, %get3A_1727 : vector<16xf32>
        %add3A_1729 = arith.addf %mul3A_1723, %mul3A_1728 : vector<16xf32>
        %get3A_1730 = arith.index_cast %add3A_1718 : i32 to index
        %get3A_1731 = arith.constant 32 : index
        %get3A_1732 = tpu.vector_load %arg16[%get3A_1730, %get3A_1731] {strides = array<i32>} : memref<416x64xf32, #tpu.memory_space<vmem>>, vector<1x16xf32>,
        %get3A_1733 = vector.shape_cast %get3A_1732 : vector<1x16xf32> to vector<16xf32>
        %mul3A_1734 = arith.mulf %get3A_203, %get3A_1733 : vector<16xf32>
        %add3A_1735 = arith.addf %add3A_1729, %mul3A_1734 : vector<16xf32>
        %get3A_1736 = arith.index_cast %add3A_1718 : i32 to index
        %get3A_1737 = arith.constant 48 : index
        %get3A_1738 = tpu.vector_load %arg16[%get3A_1736, %get3A_1737] {strides = array<i32>} : memref<416x64xf32, #tpu.memory_space<vmem>>, vector<1x16xf32>,
        %get3A_1739 = vector.shape_cast %get3A_1738 : vector<1x16xf32> to vector<16xf32>
        %mul3A_1740 = arith.mulf %get3A_210, %get3A_1739 : vector<16xf32>
        %add3A_1741 = arith.addf %add3A_1735, %mul3A_1740 : vector<16xf32>
        %add3A_1742 = arith.constant 32 : i32
        %add3A_1743 = arith.addi %mul3A_212, %add3A_1742 : i32
        %add3A_1744 = arith.constant 10 : i32
        %add3A_1745 = arith.addi %add3A_1743, %add3A_1744 : i32
        %get3A_1746 = arith.index_cast %add3A_1745 : i32 to index
        %get3A_1747 = arith.constant 0 : index
        %get3A_1748 = tpu.vector_load %arg16[%get3A_1746, %get3A_1747] {strides = array<i32>} : memref<416x64xf32, #tpu.memory_space<vmem>>, vector<1x16xf32>,
        %get3A_1749 = vector.shape_cast %get3A_1748 : vector<1x16xf32> to vector<16xf32>
        %mul3A_1750 = arith.mulf %get3A_189, %get3A_1749 : vector<16xf32>
        %get3A_1751 = arith.index_cast %add3A_1745 : i32 to index
        %get3A_1752 = arith.constant 16 : index
        %get3A_1753 = tpu.vector_load %arg16[%get3A_1751, %get3A_1752] {strides = array<i32>} : memref<416x64xf32, #tpu.memory_space<vmem>>, vector<1x16xf32>,
        %get3A_1754 = vector.shape_cast %get3A_1753 : vector<1x16xf32> to vector<16xf32>
        %mul3A_1755 = arith.mulf %get3A_196, %get3A_1754 : vector<16xf32>
        %add3A_1756 = arith.addf %mul3A_1750, %mul3A_1755 : vector<16xf32>
        %get3A_1757 = arith.index_cast %add3A_1745 : i32 to index
        %get3A_1758 = arith.constant 32 : index
        %get3A_1759 = tpu.vector_load %arg16[%get3A_1757, %get3A_1758] {strides = array<i32>} : memref<416x64xf32, #tpu.memory_space<vmem>>, vector<1x16xf32>,
        %get3A_1760 = vector.shape_cast %get3A_1759 : vector<1x16xf32> to vector<16xf32>
        %mul3A_1761 = arith.mulf %get3A_203, %get3A_1760 : vector<16xf32>
        %add3A_1762 = arith.addf %add3A_1756, %mul3A_1761 : vector<16xf32>
        %get3A_1763 = arith.index_cast %add3A_1745 : i32 to index
        %get3A_1764 = arith.constant 48 : index
        %get3A_1765 = tpu.vector_load %arg16[%get3A_1763, %get3A_1764] {strides = array<i32>} : memref<416x64xf32, #tpu.memory_space<vmem>>, vector<1x16xf32>,
        %get3A_1766 = vector.shape_cast %get3A_1765 : vector<1x16xf32> to vector<16xf32>
        %mul3A_1767 = arith.mulf %get3A_210, %get3A_1766 : vector<16xf32>
        %add3A_1768 = arith.addf %add3A_1762, %mul3A_1767 : vector<16xf32>
        %add3A_1769 = arith.constant 32 : i32
        %add3A_1770 = arith.addi %mul3A_212, %add3A_1769 : i32
        %add3A_1771 = arith.constant 11 : i32
        %add3A_1772 = arith.addi %add3A_1770, %add3A_1771 : i32
        %get3A_1773 = arith.index_cast %add3A_1772 : i32 to index
        %get3A_1774 = arith.constant 0 : index
        %get3A_1775 = tpu.vector_load %arg16[%get3A_1773, %get3A_1774] {strides = array<i32>} : memref<416x64xf32, #tpu.memory_space<vmem>>, vector<1x16xf32>,
        %get3A_1776 = vector.shape_cast %get3A_1775 : vector<1x16xf32> to vector<16xf32>
        %mul3A_1777 = arith.mulf %get3A_189, %get3A_1776 : vector<16xf32>
        %get3A_1778 = arith.index_cast %add3A_1772 : i32 to index
        %get3A_1779 = arith.constant 16 : index
        %get3A_1780 = tpu.vector_load %arg16[%get3A_1778, %get3A_1779] {strides = array<i32>} : memref<416x64xf32, #tpu.memory_space<vmem>>, vector<1x16xf32>,
        %get3A_1781 = vector.shape_cast %get3A_1780 : vector<1x16xf32> to vector<16xf32>
        %mul3A_1782 = arith.mulf %get3A_196, %get3A_1781 : vector<16xf32>
        %add3A_1783 = arith.addf %mul3A_1777, %mul3A_1782 : vector<16xf32>
        %get3A_1784 = arith.index_cast %add3A_1772 : i32 to index
        %get3A_1785 = arith.constant 32 : index
        %get3A_1786 = tpu.vector_load %arg16[%get3A_1784, %get3A_1785] {strides = array<i32>} : memref<416x64xf32, #tpu.memory_space<vmem>>, vector<1x16xf32>,
        %get3A_1787 = vector.shape_cast %get3A_1786 : vector<1x16xf32> to vector<16xf32>
        %mul3A_1788 = arith.mulf %get3A_203, %get3A_1787 : vector<16xf32>
        %add3A_1789 = arith.addf %add3A_1783, %mul3A_1788 : vector<16xf32>
        %get3A_1790 = arith.index_cast %add3A_1772 : i32 to index
        %get3A_1791 = arith.constant 48 : index
        %get3A_1792 = tpu.vector_load %arg16[%get3A_1790, %get3A_1791] {strides = array<i32>} : memref<416x64xf32, #tpu.memory_space<vmem>>, vector<1x16xf32>,
        %get3A_1793 = vector.shape_cast %get3A_1792 : vector<1x16xf32> to vector<16xf32>
        %mul3A_1794 = arith.mulf %get3A_210, %get3A_1793 : vector<16xf32>
        %add3A_1795 = arith.addf %add3A_1789, %mul3A_1794 : vector<16xf32>
        %add3A_1796 = arith.constant 32 : i32
        %add3A_1797 = arith.addi %mul3A_212, %add3A_1796 : i32
        %add3A_1798 = arith.constant 12 : i32
        %add3A_1799 = arith.addi %add3A_1797, %add3A_1798 : i32
        %get3A_1800 = arith.index_cast %add3A_1799 : i32 to index
        %get3A_1801 = arith.constant 0 : index
        %get3A_1802 = tpu.vector_load %arg16[%get3A_1800, %get3A_1801] {strides = array<i32>} : memref<416x64xf32, #tpu.memory_space<vmem>>, vector<1x16xf32>,
        %get3A_1803 = vector.shape_cast %get3A_1802 : vector<1x16xf32> to vector<16xf32>
        %mul3A_1804 = arith.mulf %get3A_189, %get3A_1803 : vector<16xf32>
        %get3A_1805 = arith.index_cast %add3A_1799 : i32 to index
        %get3A_1806 = arith.constant 16 : index
        %get3A_1807 = tpu.vector_load %arg16[%get3A_1805, %get3A_1806] {strides = array<i32>} : memref<416x64xf32, #tpu.memory_space<vmem>>, vector<1x16xf32>,
        %get3A_1808 = vector.shape_cast %get3A_1807 : vector<1x16xf32> to vector<16xf32>
        %mul3A_1809 = arith.mulf %get3A_196, %get3A_1808 : vector<16xf32>
        %add3A_1810 = arith.addf %mul3A_1804, %mul3A_1809 : vector<16xf32>
        %get3A_1811 = arith.index_cast %add3A_1799 : i32 to index
        %get3A_1812 = arith.constant 32 : index
        %get3A_1813 = tpu.vector_load %arg16[%get3A_1811, %get3A_1812] {strides = array<i32>} : memref<416x64xf32, #tpu.memory_space<vmem>>, vector<1x16xf32>,
        %get3A_1814 = vector.shape_cast %get3A_1813 : vector<1x16xf32> to vector<16xf32>
        %mul3A_1815 = arith.mulf %get3A_203, %get3A_1814 : vector<16xf32>
        %add3A_1816 = arith.addf %add3A_1810, %mul3A_1815 : vector<16xf32>
        %get3A_1817 = arith.index_cast %add3A_1799 : i32 to index
        %get3A_1818 = arith.constant 48 : index
        %get3A_1819 = tpu.vector_load %arg16[%get3A_1817, %get3A_1818] {strides = array<i32>} : memref<416x64xf32, #tpu.memory_space<vmem>>, vector<1x16xf32>,
        %get3A_1820 = vector.shape_cast %get3A_1819 : vector<1x16xf32> to vector<16xf32>
        %mul3A_1821 = arith.mulf %get3A_210, %get3A_1820 : vector<16xf32>
        %add3A_1822 = arith.addf %add3A_1816, %mul3A_1821 : vector<16xf32>
        %add3A_1823 = arith.constant 32 : i32
        %add3A_1824 = arith.addi %mul3A_212, %add3A_1823 : i32
        %add3A_1825 = arith.constant 13 : i32
        %add3A_1826 = arith.addi %add3A_1824, %add3A_1825 : i32
        %get3A_1827 = arith.index_cast %add3A_1826 : i32 to index
        %get3A_1828 = arith.constant 0 : index
        %get3A_1829 = tpu.vector_load %arg16[%get3A_1827, %get3A_1828] {strides = array<i32>} : memref<416x64xf32, #tpu.memory_space<vmem>>, vector<1x16xf32>,
        %get3A_1830 = vector.shape_cast %get3A_1829 : vector<1x16xf32> to vector<16xf32>
        %mul3A_1831 = arith.mulf %get3A_189, %get3A_1830 : vector<16xf32>
        %get3A_1832 = arith.index_cast %add3A_1826 : i32 to index
        %get3A_1833 = arith.constant 16 : index
        %get3A_1834 = tpu.vector_load %arg16[%get3A_1832, %get3A_1833] {strides = array<i32>} : memref<416x64xf32, #tpu.memory_space<vmem>>, vector<1x16xf32>,
        %get3A_1835 = vector.shape_cast %get3A_1834 : vector<1x16xf32> to vector<16xf32>
        %mul3A_1836 = arith.mulf %get3A_196, %get3A_1835 : vector<16xf32>
        %add3A_1837 = arith.addf %mul3A_1831, %mul3A_1836 : vector<16xf32>
        %get3A_1838 = arith.index_cast %add3A_1826 : i32 to index
        %get3A_1839 = arith.constant 32 : index
        %get3A_1840 = tpu.vector_load %arg16[%get3A_1838, %get3A_1839] {strides = array<i32>} : memref<416x64xf32, #tpu.memory_space<vmem>>, vector<1x16xf32>,
        %get3A_1841 = vector.shape_cast %get3A_1840 : vector<1x16xf32> to vector<16xf32>
        %mul3A_1842 = arith.mulf %get3A_203, %get3A_1841 : vector<16xf32>
        %add3A_1843 = arith.addf %add3A_1837, %mul3A_1842 : vector<16xf32>
        %get3A_1844 = arith.index_cast %add3A_1826 : i32 to index
        %get3A_1845 = arith.constant 48 : index
        %get3A_1846 = tpu.vector_load %arg16[%get3A_1844, %get3A_1845] {strides = array<i32>} : memref<416x64xf32, #tpu.memory_space<vmem>>, vector<1x16xf32>,
        %get3A_1847 = vector.shape_cast %get3A_1846 : vector<1x16xf32> to vector<16xf32>
        %mul3A_1848 = arith.mulf %get3A_210, %get3A_1847 : vector<16xf32>
        %add3A_1849 = arith.addf %add3A_1843, %mul3A_1848 : vector<16xf32>
        %add3A_1850 = arith.constant 32 : i32
        %add3A_1851 = arith.addi %mul3A_212, %add3A_1850 : i32
        %add3A_1852 = arith.constant 14 : i32
        %add3A_1853 = arith.addi %add3A_1851, %add3A_1852 : i32
        %get3A_1854 = arith.index_cast %add3A_1853 : i32 to index
        %get3A_1855 = arith.constant 0 : index
        %get3A_1856 = tpu.vector_load %arg16[%get3A_1854, %get3A_1855] {strides = array<i32>} : memref<416x64xf32, #tpu.memory_space<vmem>>, vector<1x16xf32>,
        %get3A_1857 = vector.shape_cast %get3A_1856 : vector<1x16xf32> to vector<16xf32>
        %mul3A_1858 = arith.mulf %get3A_189, %get3A_1857 : vector<16xf32>
        %get3A_1859 = arith.index_cast %add3A_1853 : i32 to index
        %get3A_1860 = arith.constant 16 : index
        %get3A_1861 = tpu.vector_load %arg16[%get3A_1859, %get3A_1860] {strides = array<i32>} : memref<416x64xf32, #tpu.memory_space<vmem>>, vector<1x16xf32>,
        %get3A_1862 = vector.shape_cast %get3A_1861 : vector<1x16xf32> to vector<16xf32>
        %mul3A_1863 = arith.mulf %get3A_196, %get3A_1862 : vector<16xf32>
        %add3A_1864 = arith.addf %mul3A_1858, %mul3A_1863 : vector<16xf32>
        %get3A_1865 = arith.index_cast %add3A_1853 : i32 to index
        %get3A_1866 = arith.constant 32 : index
        %get3A_1867 = tpu.vector_load %arg16[%get3A_1865, %get3A_1866] {strides = array<i32>} : memref<416x64xf32, #tpu.memory_space<vmem>>, vector<1x16xf32>,
        %get3A_1868 = vector.shape_cast %get3A_1867 : vector<1x16xf32> to vector<16xf32>
        %mul3A_1869 = arith.mulf %get3A_203, %get3A_1868 : vector<16xf32>
        %add3A_1870 = arith.addf %add3A_1864, %mul3A_1869 : vector<16xf32>
        %get3A_1871 = arith.index_cast %add3A_1853 : i32 to index
        %get3A_1872 = arith.constant 48 : index
        %get3A_1873 = tpu.vector_load %arg16[%get3A_1871, %get3A_1872] {strides = array<i32>} : memref<416x64xf32, #tpu.memory_space<vmem>>, vector<1x16xf32>,
        %get3A_1874 = vector.shape_cast %get3A_1873 : vector<1x16xf32> to vector<16xf32>
        %mul3A_1875 = arith.mulf %get3A_210, %get3A_1874 : vector<16xf32>
        %add3A_1876 = arith.addf %add3A_1870, %mul3A_1875 : vector<16xf32>
        %add3A_1877 = arith.constant 32 : i32
        %add3A_1878 = arith.addi %mul3A_212, %add3A_1877 : i32
        %add3A_1879 = arith.constant 15 : i32
        %add3A_1880 = arith.addi %add3A_1878, %add3A_1879 : i32
        %get3A_1881 = arith.index_cast %add3A_1880 : i32 to index
        %get3A_1882 = arith.constant 0 : index
        %get3A_1883 = tpu.vector_load %arg16[%get3A_1881, %get3A_1882] {strides = array<i32>} : memref<416x64xf32, #tpu.memory_space<vmem>>, vector<1x16xf32>,
        %get3A_1884 = vector.shape_cast %get3A_1883 : vector<1x16xf32> to vector<16xf32>
        %mul3A_1885 = arith.mulf %get3A_189, %get3A_1884 : vector<16xf32>
        %get3A_1886 = arith.index_cast %add3A_1880 : i32 to index
        %get3A_1887 = arith.constant 16 : index
        %get3A_1888 = tpu.vector_load %arg16[%get3A_1886, %get3A_1887] {strides = array<i32>} : memref<416x64xf32, #tpu.memory_space<vmem>>, vector<1x16xf32>,
        %get3A_1889 = vector.shape_cast %get3A_1888 : vector<1x16xf32> to vector<16xf32>
        %mul3A_1890 = arith.mulf %get3A_196, %get3A_1889 : vector<16xf32>
        %add3A_1891 = arith.addf %mul3A_1885, %mul3A_1890 : vector<16xf32>
        %get3A_1892 = arith.index_cast %add3A_1880 : i32 to index
        %get3A_1893 = arith.constant 32 : index
        %get3A_1894 = tpu.vector_load %arg16[%get3A_1892, %get3A_1893] {strides = array<i32>} : memref<416x64xf32, #tpu.memory_space<vmem>>, vector<1x16xf32>,
        %get3A_1895 = vector.shape_cast %get3A_1894 : vector<1x16xf32> to vector<16xf32>
        %mul3A_1896 = arith.mulf %get3A_203, %get3A_1895 : vector<16xf32>
        %add3A_1897 = arith.addf %add3A_1891, %mul3A_1896 : vector<16xf32>
        %get3A_1898 = arith.index_cast %add3A_1880 : i32 to index
        %get3A_1899 = arith.constant 48 : index
        %get3A_1900 = tpu.vector_load %arg16[%get3A_1898, %get3A_1899] {strides = array<i32>} : memref<416x64xf32, #tpu.memory_space<vmem>>, vector<1x16xf32>,
        %get3A_1901 = vector.shape_cast %get3A_1900 : vector<1x16xf32> to vector<16xf32>
        %mul3A_1902 = arith.mulf %get3A_210, %get3A_1901 : vector<16xf32>
        %add3A_1903 = arith.addf %add3A_1897, %mul3A_1902 : vector<16xf32>
        %select_n3A_1904 = arith.select %ne3A_6, %add3A_1714, %add3A_1498 : vector<16xi1>, vector<16xf32>
        %select_n3A_1905 = arith.select %ne3A_6, %add3A_1498, %add3A_1714 : vector<16xi1>, vector<16xf32>
        %lt3A_1906 = arith.constant 0 : i32
        %lt3A_1907 = vector.broadcast %lt3A_1906 : i32 to vector<16xi32>
        %lt3A_1908 = arith.cmpi slt, %xor3A_26, %lt3A_1907 : vector<16xi32>
        %add3A_1909 = arith.constant 16 : i32
        %add3A_1910 = vector.broadcast %add3A_1909 : i32 to vector<16xi32>
        %add3A_1911 = arith.addi %xor3A_26, %add3A_1910 : vector<16xi32>
        %select_n3A_1912 = arith.select %lt3A_1908, %add3A_1911, %xor3A_26 : vector<16xi1>, vector<16xi32>
        %broadcast_in_dim3A_1913 = vector.shape_cast %select_n3A_1912 : vector<16xi32> to vector<16x1xi32>
        %gather3A_1914 = vector.shape_cast %broadcast_in_dim3A_1913 : vector<16x1xi32> to vector<16xi32>
        %gather3A_1915 = tpu.dynamic_gather %select_n3A_1905[%gather3A_1914] in [0] : vector<16xf32>, vector<16xi32> -> vector<16xf32>
        %add3A_1916 = arith.addf %select_n3A_1904, %gather3A_1915 : vector<16xf32>
        %select_n3A_1917 = arith.select %ne3A_6, %add3A_1822, %add3A_1606 : vector<16xi1>, vector<16xf32>
        %select_n3A_1918 = arith.select %ne3A_6, %add3A_1606, %add3A_1822 : vector<16xi1>, vector<16xf32>
        %lt3A_1919 = arith.constant 0 : i32
        %lt3A_1920 = vector.broadcast %lt3A_1919 : i32 to vector<16xi32>
        %lt3A_1921 = arith.cmpi slt, %xor3A_26, %lt3A_1920 : vector<16xi32>
        %add3A_1922 = arith.constant 16 : i32
        %add3A_1923 = vector.broadcast %add3A_1922 : i32 to vector<16xi32>
        %add3A_1924 = arith.addi %xor3A_26, %add3A_1923 : vector<16xi32>
        %select_n3A_1925 = arith.select %lt3A_1921, %add3A_1924, %xor3A_26 : vector<16xi1>, vector<16xi32>
        %broadcast_in_dim3A_1926 = vector.shape_cast %select_n3A_1925 : vector<16xi32> to vector<16x1xi32>
        %gather3A_1927 = vector.shape_cast %broadcast_in_dim3A_1926 : vector<16x1xi32> to vector<16xi32>
        %gather3A_1928 = tpu.dynamic_gather %select_n3A_1918[%gather3A_1927] in [0] : vector<16xf32>, vector<16xi32> -> vector<16xf32>
        %add3A_1929 = arith.addf %select_n3A_1917, %gather3A_1928 : vector<16xf32>
        %select_n3A_1930 = arith.select %ne3A_6, %add3A_1768, %add3A_1552 : vector<16xi1>, vector<16xf32>
        %select_n3A_1931 = arith.select %ne3A_6, %add3A_1552, %add3A_1768 : vector<16xi1>, vector<16xf32>
        %lt3A_1932 = arith.constant 0 : i32
        %lt3A_1933 = vector.broadcast %lt3A_1932 : i32 to vector<16xi32>
        %lt3A_1934 = arith.cmpi slt, %xor3A_26, %lt3A_1933 : vector<16xi32>
        %add3A_1935 = arith.constant 16 : i32
        %add3A_1936 = vector.broadcast %add3A_1935 : i32 to vector<16xi32>
        %add3A_1937 = arith.addi %xor3A_26, %add3A_1936 : vector<16xi32>
        %select_n3A_1938 = arith.select %lt3A_1934, %add3A_1937, %xor3A_26 : vector<16xi1>, vector<16xi32>
        %broadcast_in_dim3A_1939 = vector.shape_cast %select_n3A_1938 : vector<16xi32> to vector<16x1xi32>
        %gather3A_1940 = vector.shape_cast %broadcast_in_dim3A_1939 : vector<16x1xi32> to vector<16xi32>
        %gather3A_1941 = tpu.dynamic_gather %select_n3A_1931[%gather3A_1940] in [0] : vector<16xf32>, vector<16xi32> -> vector<16xf32>
        %add3A_1942 = arith.addf %select_n3A_1930, %gather3A_1941 : vector<16xf32>
        %select_n3A_1943 = arith.select %ne3A_6, %add3A_1876, %add3A_1660 : vector<16xi1>, vector<16xf32>
        %select_n3A_1944 = arith.select %ne3A_6, %add3A_1660, %add3A_1876 : vector<16xi1>, vector<16xf32>
        %lt3A_1945 = arith.constant 0 : i32
        %lt3A_1946 = vector.broadcast %lt3A_1945 : i32 to vector<16xi32>
        %lt3A_1947 = arith.cmpi slt, %xor3A_26, %lt3A_1946 : vector<16xi32>
        %add3A_1948 = arith.constant 16 : i32
        %add3A_1949 = vector.broadcast %add3A_1948 : i32 to vector<16xi32>
        %add3A_1950 = arith.addi %xor3A_26, %add3A_1949 : vector<16xi32>
        %select_n3A_1951 = arith.select %lt3A_1947, %add3A_1950, %xor3A_26 : vector<16xi1>, vector<16xi32>
        %broadcast_in_dim3A_1952 = vector.shape_cast %select_n3A_1951 : vector<16xi32> to vector<16x1xi32>
        %gather3A_1953 = vector.shape_cast %broadcast_in_dim3A_1952 : vector<16x1xi32> to vector<16xi32>
        %gather3A_1954 = tpu.dynamic_gather %select_n3A_1944[%gather3A_1953] in [0] : vector<16xf32>, vector<16xi32> -> vector<16xf32>
        %add3A_1955 = arith.addf %select_n3A_1943, %gather3A_1954 : vector<16xf32>
        %select_n3A_1956 = arith.select %ne3A_6, %add3A_1741, %add3A_1525 : vector<16xi1>, vector<16xf32>
        %select_n3A_1957 = arith.select %ne3A_6, %add3A_1525, %add3A_1741 : vector<16xi1>, vector<16xf32>
        %lt3A_1958 = arith.constant 0 : i32
        %lt3A_1959 = vector.broadcast %lt3A_1958 : i32 to vector<16xi32>
        %lt3A_1960 = arith.cmpi slt, %xor3A_26, %lt3A_1959 : vector<16xi32>
        %add3A_1961 = arith.constant 16 : i32
        %add3A_1962 = vector.broadcast %add3A_1961 : i32 to vector<16xi32>
        %add3A_1963 = arith.addi %xor3A_26, %add3A_1962 : vector<16xi32>
        %select_n3A_1964 = arith.select %lt3A_1960, %add3A_1963, %xor3A_26 : vector<16xi1>, vector<16xi32>
        %broadcast_in_dim3A_1965 = vector.shape_cast %select_n3A_1964 : vector<16xi32> to vector<16x1xi32>
        %gather3A_1966 = vector.shape_cast %broadcast_in_dim3A_1965 : vector<16x1xi32> to vector<16xi32>
        %gather3A_1967 = tpu.dynamic_gather %select_n3A_1957[%gather3A_1966] in [0] : vector<16xf32>, vector<16xi32> -> vector<16xf32>
        %add3A_1968 = arith.addf %select_n3A_1956, %gather3A_1967 : vector<16xf32>
        %select_n3A_1969 = arith.select %ne3A_6, %add3A_1849, %add3A_1633 : vector<16xi1>, vector<16xf32>
        %select_n3A_1970 = arith.select %ne3A_6, %add3A_1633, %add3A_1849 : vector<16xi1>, vector<16xf32>
        %lt3A_1971 = arith.constant 0 : i32
        %lt3A_1972 = vector.broadcast %lt3A_1971 : i32 to vector<16xi32>
        %lt3A_1973 = arith.cmpi slt, %xor3A_26, %lt3A_1972 : vector<16xi32>
        %add3A_1974 = arith.constant 16 : i32
        %add3A_1975 = vector.broadcast %add3A_1974 : i32 to vector<16xi32>
        %add3A_1976 = arith.addi %xor3A_26, %add3A_1975 : vector<16xi32>
        %select_n3A_1977 = arith.select %lt3A_1973, %add3A_1976, %xor3A_26 : vector<16xi1>, vector<16xi32>
        %broadcast_in_dim3A_1978 = vector.shape_cast %select_n3A_1977 : vector<16xi32> to vector<16x1xi32>
        %gather3A_1979 = vector.shape_cast %broadcast_in_dim3A_1978 : vector<16x1xi32> to vector<16xi32>
        %gather3A_1980 = tpu.dynamic_gather %select_n3A_1970[%gather3A_1979] in [0] : vector<16xf32>, vector<16xi32> -> vector<16xf32>
        %add3A_1981 = arith.addf %select_n3A_1969, %gather3A_1980 : vector<16xf32>
        %select_n3A_1982 = arith.select %ne3A_6, %add3A_1795, %add3A_1579 : vector<16xi1>, vector<16xf32>
        %select_n3A_1983 = arith.select %ne3A_6, %add3A_1579, %add3A_1795 : vector<16xi1>, vector<16xf32>
        %lt3A_1984 = arith.constant 0 : i32
        %lt3A_1985 = vector.broadcast %lt3A_1984 : i32 to vector<16xi32>
        %lt3A_1986 = arith.cmpi slt, %xor3A_26, %lt3A_1985 : vector<16xi32>
        %add3A_1987 = arith.constant 16 : i32
        %add3A_1988 = vector.broadcast %add3A_1987 : i32 to vector<16xi32>
        %add3A_1989 = arith.addi %xor3A_26, %add3A_1988 : vector<16xi32>
        %select_n3A_1990 = arith.select %lt3A_1986, %add3A_1989, %xor3A_26 : vector<16xi1>, vector<16xi32>
        %broadcast_in_dim3A_1991 = vector.shape_cast %select_n3A_1990 : vector<16xi32> to vector<16x1xi32>
        %gather3A_1992 = vector.shape_cast %broadcast_in_dim3A_1991 : vector<16x1xi32> to vector<16xi32>
        %gather3A_1993 = tpu.dynamic_gather %select_n3A_1983[%gather3A_1992] in [0] : vector<16xf32>, vector<16xi32> -> vector<16xf32>
        %add3A_1994 = arith.addf %select_n3A_1982, %gather3A_1993 : vector<16xf32>
        %select_n3A_1995 = arith.select %ne3A_6, %add3A_1903, %add3A_1687 : vector<16xi1>, vector<16xf32>
        %select_n3A_1996 = arith.select %ne3A_6, %add3A_1687, %add3A_1903 : vector<16xi1>, vector<16xf32>
        %lt3A_1997 = arith.constant 0 : i32
        %lt3A_1998 = vector.broadcast %lt3A_1997 : i32 to vector<16xi32>
        %lt3A_1999 = arith.cmpi slt, %xor3A_26, %lt3A_1998 : vector<16xi32>
        %add3A_2000 = arith.constant 16 : i32
        %add3A_2001 = vector.broadcast %add3A_2000 : i32 to vector<16xi32>
        %add3A_2002 = arith.addi %xor3A_26, %add3A_2001 : vector<16xi32>
        %select_n3A_2003 = arith.select %lt3A_1999, %add3A_2002, %xor3A_26 : vector<16xi1>, vector<16xi32>
        %broadcast_in_dim3A_2004 = vector.shape_cast %select_n3A_2003 : vector<16xi32> to vector<16x1xi32>
        %gather3A_2005 = vector.shape_cast %broadcast_in_dim3A_2004 : vector<16x1xi32> to vector<16xi32>
        %gather3A_2006 = tpu.dynamic_gather %select_n3A_1996[%gather3A_2005] in [0] : vector<16xf32>, vector<16xi32> -> vector<16xf32>
        %add3A_2007 = arith.addf %select_n3A_1995, %gather3A_2006 : vector<16xf32>
        %select_n3A_2008 = arith.select %ne3A_12, %add3A_1929, %add3A_1916 : vector<16xi1>, vector<16xf32>
        %select_n3A_2009 = arith.select %ne3A_12, %add3A_1916, %add3A_1929 : vector<16xi1>, vector<16xf32>
        %lt3A_2010 = arith.constant 0 : i32
        %lt3A_2011 = vector.broadcast %lt3A_2010 : i32 to vector<16xi32>
        %lt3A_2012 = arith.cmpi slt, %xor3A_29, %lt3A_2011 : vector<16xi32>
        %add3A_2013 = arith.constant 16 : i32
        %add3A_2014 = vector.broadcast %add3A_2013 : i32 to vector<16xi32>
        %add3A_2015 = arith.addi %xor3A_29, %add3A_2014 : vector<16xi32>
        %select_n3A_2016 = arith.select %lt3A_2012, %add3A_2015, %xor3A_29 : vector<16xi1>, vector<16xi32>
        %broadcast_in_dim3A_2017 = vector.shape_cast %select_n3A_2016 : vector<16xi32> to vector<16x1xi32>
        %gather3A_2018 = vector.shape_cast %broadcast_in_dim3A_2017 : vector<16x1xi32> to vector<16xi32>
        %gather3A_2019 = tpu.dynamic_gather %select_n3A_2009[%gather3A_2018] in [0] : vector<16xf32>, vector<16xi32> -> vector<16xf32>
        %add3A_2020 = arith.addf %select_n3A_2008, %gather3A_2019 : vector<16xf32>
        %select_n3A_2021 = arith.select %ne3A_12, %add3A_1955, %add3A_1942 : vector<16xi1>, vector<16xf32>
        %select_n3A_2022 = arith.select %ne3A_12, %add3A_1942, %add3A_1955 : vector<16xi1>, vector<16xf32>
        %lt3A_2023 = arith.constant 0 : i32
        %lt3A_2024 = vector.broadcast %lt3A_2023 : i32 to vector<16xi32>
        %lt3A_2025 = arith.cmpi slt, %xor3A_29, %lt3A_2024 : vector<16xi32>
        %add3A_2026 = arith.constant 16 : i32
        %add3A_2027 = vector.broadcast %add3A_2026 : i32 to vector<16xi32>
        %add3A_2028 = arith.addi %xor3A_29, %add3A_2027 : vector<16xi32>
        %select_n3A_2029 = arith.select %lt3A_2025, %add3A_2028, %xor3A_29 : vector<16xi1>, vector<16xi32>
        %broadcast_in_dim3A_2030 = vector.shape_cast %select_n3A_2029 : vector<16xi32> to vector<16x1xi32>
        %gather3A_2031 = vector.shape_cast %broadcast_in_dim3A_2030 : vector<16x1xi32> to vector<16xi32>
        %gather3A_2032 = tpu.dynamic_gather %select_n3A_2022[%gather3A_2031] in [0] : vector<16xf32>, vector<16xi32> -> vector<16xf32>
        %add3A_2033 = arith.addf %select_n3A_2021, %gather3A_2032 : vector<16xf32>
        %select_n3A_2034 = arith.select %ne3A_12, %add3A_1981, %add3A_1968 : vector<16xi1>, vector<16xf32>
        %select_n3A_2035 = arith.select %ne3A_12, %add3A_1968, %add3A_1981 : vector<16xi1>, vector<16xf32>
        %lt3A_2036 = arith.constant 0 : i32
        %lt3A_2037 = vector.broadcast %lt3A_2036 : i32 to vector<16xi32>
        %lt3A_2038 = arith.cmpi slt, %xor3A_29, %lt3A_2037 : vector<16xi32>
        %add3A_2039 = arith.constant 16 : i32
        %add3A_2040 = vector.broadcast %add3A_2039 : i32 to vector<16xi32>
        %add3A_2041 = arith.addi %xor3A_29, %add3A_2040 : vector<16xi32>
        %select_n3A_2042 = arith.select %lt3A_2038, %add3A_2041, %xor3A_29 : vector<16xi1>, vector<16xi32>
        %broadcast_in_dim3A_2043 = vector.shape_cast %select_n3A_2042 : vector<16xi32> to vector<16x1xi32>
        %gather3A_2044 = vector.shape_cast %broadcast_in_dim3A_2043 : vector<16x1xi32> to vector<16xi32>
        %gather3A_2045 = tpu.dynamic_gather %select_n3A_2035[%gather3A_2044] in [0] : vector<16xf32>, vector<16xi32> -> vector<16xf32>
        %add3A_2046 = arith.addf %select_n3A_2034, %gather3A_2045 : vector<16xf32>
        %select_n3A_2047 = arith.select %ne3A_12, %add3A_2007, %add3A_1994 : vector<16xi1>, vector<16xf32>
        %select_n3A_2048 = arith.select %ne3A_12, %add3A_1994, %add3A_2007 : vector<16xi1>, vector<16xf32>
        %lt3A_2049 = arith.constant 0 : i32
        %lt3A_2050 = vector.broadcast %lt3A_2049 : i32 to vector<16xi32>
        %lt3A_2051 = arith.cmpi slt, %xor3A_29, %lt3A_2050 : vector<16xi32>
        %add3A_2052 = arith.constant 16 : i32
        %add3A_2053 = vector.broadcast %add3A_2052 : i32 to vector<16xi32>
        %add3A_2054 = arith.addi %xor3A_29, %add3A_2053 : vector<16xi32>
        %select_n3A_2055 = arith.select %lt3A_2051, %add3A_2054, %xor3A_29 : vector<16xi1>, vector<16xi32>
        %broadcast_in_dim3A_2056 = vector.shape_cast %select_n3A_2055 : vector<16xi32> to vector<16x1xi32>
        %gather3A_2057 = vector.shape_cast %broadcast_in_dim3A_2056 : vector<16x1xi32> to vector<16xi32>
        %gather3A_2058 = tpu.dynamic_gather %select_n3A_2048[%gather3A_2057] in [0] : vector<16xf32>, vector<16xi32> -> vector<16xf32>
        %add3A_2059 = arith.addf %select_n3A_2047, %gather3A_2058 : vector<16xf32>
        %select_n3A_2060 = arith.select %ne3A_18, %add3A_2033, %add3A_2020 : vector<16xi1>, vector<16xf32>
        %select_n3A_2061 = arith.select %ne3A_18, %add3A_2020, %add3A_2033 : vector<16xi1>, vector<16xf32>
        %lt3A_2062 = arith.constant 0 : i32
        %lt3A_2063 = vector.broadcast %lt3A_2062 : i32 to vector<16xi32>
        %lt3A_2064 = arith.cmpi slt, %xor3A_32, %lt3A_2063 : vector<16xi32>
        %add3A_2065 = arith.constant 16 : i32
        %add3A_2066 = vector.broadcast %add3A_2065 : i32 to vector<16xi32>
        %add3A_2067 = arith.addi %xor3A_32, %add3A_2066 : vector<16xi32>
        %select_n3A_2068 = arith.select %lt3A_2064, %add3A_2067, %xor3A_32 : vector<16xi1>, vector<16xi32>
        %broadcast_in_dim3A_2069 = vector.shape_cast %select_n3A_2068 : vector<16xi32> to vector<16x1xi32>
        %gather3A_2070 = vector.shape_cast %broadcast_in_dim3A_2069 : vector<16x1xi32> to vector<16xi32>
        %gather3A_2071 = tpu.dynamic_gather %select_n3A_2061[%gather3A_2070] in [0] : vector<16xf32>, vector<16xi32> -> vector<16xf32>
        %add3A_2072 = arith.addf %select_n3A_2060, %gather3A_2071 : vector<16xf32>
        %select_n3A_2073 = arith.select %ne3A_18, %add3A_2059, %add3A_2046 : vector<16xi1>, vector<16xf32>
        %select_n3A_2074 = arith.select %ne3A_18, %add3A_2046, %add3A_2059 : vector<16xi1>, vector<16xf32>
        %lt3A_2075 = arith.constant 0 : i32
        %lt3A_2076 = vector.broadcast %lt3A_2075 : i32 to vector<16xi32>
        %lt3A_2077 = arith.cmpi slt, %xor3A_32, %lt3A_2076 : vector<16xi32>
        %add3A_2078 = arith.constant 16 : i32
        %add3A_2079 = vector.broadcast %add3A_2078 : i32 to vector<16xi32>
        %add3A_2080 = arith.addi %xor3A_32, %add3A_2079 : vector<16xi32>
        %select_n3A_2081 = arith.select %lt3A_2077, %add3A_2080, %xor3A_32 : vector<16xi1>, vector<16xi32>
        %broadcast_in_dim3A_2082 = vector.shape_cast %select_n3A_2081 : vector<16xi32> to vector<16x1xi32>
        %gather3A_2083 = vector.shape_cast %broadcast_in_dim3A_2082 : vector<16x1xi32> to vector<16xi32>
        %gather3A_2084 = tpu.dynamic_gather %select_n3A_2074[%gather3A_2083] in [0] : vector<16xf32>, vector<16xi32> -> vector<16xf32>
        %add3A_2085 = arith.addf %select_n3A_2073, %gather3A_2084 : vector<16xf32>
        %select_n3A_2086 = arith.select %ne3A_24, %add3A_2085, %add3A_2072 : vector<16xi1>, vector<16xf32>
        %select_n3A_2087 = arith.select %ne3A_24, %add3A_2072, %add3A_2085 : vector<16xi1>, vector<16xf32>
        %lt3A_2088 = arith.constant 0 : i32
        %lt3A_2089 = vector.broadcast %lt3A_2088 : i32 to vector<16xi32>
        %lt3A_2090 = arith.cmpi slt, %xor3A_35, %lt3A_2089 : vector<16xi32>
        %add3A_2091 = arith.constant 16 : i32
        %add3A_2092 = vector.broadcast %add3A_2091 : i32 to vector<16xi32>
        %add3A_2093 = arith.addi %xor3A_35, %add3A_2092 : vector<16xi32>
        %select_n3A_2094 = arith.select %lt3A_2090, %add3A_2093, %xor3A_35 : vector<16xi1>, vector<16xi32>
        %broadcast_in_dim3A_2095 = vector.shape_cast %select_n3A_2094 : vector<16xi32> to vector<16x1xi32>
        %gather3A_2096 = vector.shape_cast %broadcast_in_dim3A_2095 : vector<16x1xi32> to vector<16xi32>
        %gather3A_2097 = tpu.dynamic_gather %select_n3A_2087[%gather3A_2096] in [0] : vector<16xf32>, vector<16xi32> -> vector<16xf32>
        %add3A_2098 = arith.addf %select_n3A_2086, %gather3A_2097 : vector<16xf32>
        %swap3A_2099 = arith.index_cast %scan3A_183 : i32 to index
        %swap3A_2100 = arith.constant 32 : index
        %swap3A_2101 = tpu.vector_load %arg17[%swap3A_2099, %swap3A_2100] {strides = array<i32>} : memref<8x56xf32, #tpu.memory_space<vmem>>, vector<1x16xf32>,
        %swap3A_2102 = vector.shape_cast %swap3A_2101 : vector<1x16xf32> to vector<16xf32>
        %swap3A_2103 = vector.shape_cast %add3A_2098 : vector<16xf32> to vector<1x16xf32>
        tpu.vector_store %arg17[%swap3A_2099, %swap3A_2100], %swap3A_2103 {strides = array<i32>} : memref<8x56xf32, #tpu.memory_space<vmem>>, vector<1x16xf32>,
        %add3A_2104 = arith.constant 40 : i32
        %add3A_2105 = arith.addi %mul3A_212, %add3A_2104 : i32
        %add3A_2106 = arith.constant 0 : i32
        %add3A_2107 = arith.addi %add3A_2105, %add3A_2106 : i32
        %get3A_2108 = arith.index_cast %add3A_2107 : i32 to index
        %get3A_2109 = arith.constant 0 : index
        %get3A_2110 = tpu.vector_load %arg16[%get3A_2108, %get3A_2109] {strides = array<i32>} : memref<416x64xf32, #tpu.memory_space<vmem>>, vector<1x16xf32>,
        %get3A_2111 = vector.shape_cast %get3A_2110 : vector<1x16xf32> to vector<16xf32>
        %mul3A_2112 = arith.mulf %get3A_189, %get3A_2111 : vector<16xf32>
        %get3A_2113 = arith.index_cast %add3A_2107 : i32 to index
        %get3A_2114 = arith.constant 16 : index
        %get3A_2115 = tpu.vector_load %arg16[%get3A_2113, %get3A_2114] {strides = array<i32>} : memref<416x64xf32, #tpu.memory_space<vmem>>, vector<1x16xf32>,
        %get3A_2116 = vector.shape_cast %get3A_2115 : vector<1x16xf32> to vector<16xf32>
        %mul3A_2117 = arith.mulf %get3A_196, %get3A_2116 : vector<16xf32>
        %add3A_2118 = arith.addf %mul3A_2112, %mul3A_2117 : vector<16xf32>
        %get3A_2119 = arith.index_cast %add3A_2107 : i32 to index
        %get3A_2120 = arith.constant 32 : index
        %get3A_2121 = tpu.vector_load %arg16[%get3A_2119, %get3A_2120] {strides = array<i32>} : memref<416x64xf32, #tpu.memory_space<vmem>>, vector<1x16xf32>,
        %get3A_2122 = vector.shape_cast %get3A_2121 : vector<1x16xf32> to vector<16xf32>
        %mul3A_2123 = arith.mulf %get3A_203, %get3A_2122 : vector<16xf32>
        %add3A_2124 = arith.addf %add3A_2118, %mul3A_2123 : vector<16xf32>
        %get3A_2125 = arith.index_cast %add3A_2107 : i32 to index
        %get3A_2126 = arith.constant 48 : index
        %get3A_2127 = tpu.vector_load %arg16[%get3A_2125, %get3A_2126] {strides = array<i32>} : memref<416x64xf32, #tpu.memory_space<vmem>>, vector<1x16xf32>,
        %get3A_2128 = vector.shape_cast %get3A_2127 : vector<1x16xf32> to vector<16xf32>
        %mul3A_2129 = arith.mulf %get3A_210, %get3A_2128 : vector<16xf32>
        %add3A_2130 = arith.addf %add3A_2124, %mul3A_2129 : vector<16xf32>
        %add3A_2131 = arith.constant 40 : i32
        %add3A_2132 = arith.addi %mul3A_212, %add3A_2131 : i32
        %add3A_2133 = arith.constant 1 : i32
        %add3A_2134 = arith.addi %add3A_2132, %add3A_2133 : i32
        %get3A_2135 = arith.index_cast %add3A_2134 : i32 to index
        %get3A_2136 = arith.constant 0 : index
        %get3A_2137 = tpu.vector_load %arg16[%get3A_2135, %get3A_2136] {strides = array<i32>} : memref<416x64xf32, #tpu.memory_space<vmem>>, vector<1x16xf32>,
        %get3A_2138 = vector.shape_cast %get3A_2137 : vector<1x16xf32> to vector<16xf32>
        %mul3A_2139 = arith.mulf %get3A_189, %get3A_2138 : vector<16xf32>
        %get3A_2140 = arith.index_cast %add3A_2134 : i32 to index
        %get3A_2141 = arith.constant 16 : index
        %get3A_2142 = tpu.vector_load %arg16[%get3A_2140, %get3A_2141] {strides = array<i32>} : memref<416x64xf32, #tpu.memory_space<vmem>>, vector<1x16xf32>,
        %get3A_2143 = vector.shape_cast %get3A_2142 : vector<1x16xf32> to vector<16xf32>
        %mul3A_2144 = arith.mulf %get3A_196, %get3A_2143 : vector<16xf32>
        %add3A_2145 = arith.addf %mul3A_2139, %mul3A_2144 : vector<16xf32>
        %get3A_2146 = arith.index_cast %add3A_2134 : i32 to index
        %get3A_2147 = arith.constant 32 : index
        %get3A_2148 = tpu.vector_load %arg16[%get3A_2146, %get3A_2147] {strides = array<i32>} : memref<416x64xf32, #tpu.memory_space<vmem>>, vector<1x16xf32>,
        %get3A_2149 = vector.shape_cast %get3A_2148 : vector<1x16xf32> to vector<16xf32>
        %mul3A_2150 = arith.mulf %get3A_203, %get3A_2149 : vector<16xf32>
        %add3A_2151 = arith.addf %add3A_2145, %mul3A_2150 : vector<16xf32>
        %get3A_2152 = arith.index_cast %add3A_2134 : i32 to index
        %get3A_2153 = arith.constant 48 : index
        %get3A_2154 = tpu.vector_load %arg16[%get3A_2152, %get3A_2153] {strides = array<i32>} : memref<416x64xf32, #tpu.memory_space<vmem>>, vector<1x16xf32>,
        %get3A_2155 = vector.shape_cast %get3A_2154 : vector<1x16xf32> to vector<16xf32>
        %mul3A_2156 = arith.mulf %get3A_210, %get3A_2155 : vector<16xf32>
        %add3A_2157 = arith.addf %add3A_2151, %mul3A_2156 : vector<16xf32>
        %add3A_2158 = arith.constant 40 : i32
        %add3A_2159 = arith.addi %mul3A_212, %add3A_2158 : i32
        %add3A_2160 = arith.constant 2 : i32
        %add3A_2161 = arith.addi %add3A_2159, %add3A_2160 : i32
        %get3A_2162 = arith.index_cast %add3A_2161 : i32 to index
        %get3A_2163 = arith.constant 0 : index
        %get3A_2164 = tpu.vector_load %arg16[%get3A_2162, %get3A_2163] {strides = array<i32>} : memref<416x64xf32, #tpu.memory_space<vmem>>, vector<1x16xf32>,
        %get3A_2165 = vector.shape_cast %get3A_2164 : vector<1x16xf32> to vector<16xf32>
        %mul3A_2166 = arith.mulf %get3A_189, %get3A_2165 : vector<16xf32>
        %get3A_2167 = arith.index_cast %add3A_2161 : i32 to index
        %get3A_2168 = arith.constant 16 : index
        %get3A_2169 = tpu.vector_load %arg16[%get3A_2167, %get3A_2168] {strides = array<i32>} : memref<416x64xf32, #tpu.memory_space<vmem>>, vector<1x16xf32>,
        %get3A_2170 = vector.shape_cast %get3A_2169 : vector<1x16xf32> to vector<16xf32>
        %mul3A_2171 = arith.mulf %get3A_196, %get3A_2170 : vector<16xf32>
        %add3A_2172 = arith.addf %mul3A_2166, %mul3A_2171 : vector<16xf32>
        %get3A_2173 = arith.index_cast %add3A_2161 : i32 to index
        %get3A_2174 = arith.constant 32 : index
        %get3A_2175 = tpu.vector_load %arg16[%get3A_2173, %get3A_2174] {strides = array<i32>} : memref<416x64xf32, #tpu.memory_space<vmem>>, vector<1x16xf32>,
        %get3A_2176 = vector.shape_cast %get3A_2175 : vector<1x16xf32> to vector<16xf32>
        %mul3A_2177 = arith.mulf %get3A_203, %get3A_2176 : vector<16xf32>
        %add3A_2178 = arith.addf %add3A_2172, %mul3A_2177 : vector<16xf32>
        %get3A_2179 = arith.index_cast %add3A_2161 : i32 to index
        %get3A_2180 = arith.constant 48 : index
        %get3A_2181 = tpu.vector_load %arg16[%get3A_2179, %get3A_2180] {strides = array<i32>} : memref<416x64xf32, #tpu.memory_space<vmem>>, vector<1x16xf32>,
        %get3A_2182 = vector.shape_cast %get3A_2181 : vector<1x16xf32> to vector<16xf32>
        %mul3A_2183 = arith.mulf %get3A_210, %get3A_2182 : vector<16xf32>
        %add3A_2184 = arith.addf %add3A_2178, %mul3A_2183 : vector<16xf32>
        %add3A_2185 = arith.constant 40 : i32
        %add3A_2186 = arith.addi %mul3A_212, %add3A_2185 : i32
        %add3A_2187 = arith.constant 3 : i32
        %add3A_2188 = arith.addi %add3A_2186, %add3A_2187 : i32
        %get3A_2189 = arith.index_cast %add3A_2188 : i32 to index
        %get3A_2190 = arith.constant 0 : index
        %get3A_2191 = tpu.vector_load %arg16[%get3A_2189, %get3A_2190] {strides = array<i32>} : memref<416x64xf32, #tpu.memory_space<vmem>>, vector<1x16xf32>,
        %get3A_2192 = vector.shape_cast %get3A_2191 : vector<1x16xf32> to vector<16xf32>
        %mul3A_2193 = arith.mulf %get3A_189, %get3A_2192 : vector<16xf32>
        %get3A_2194 = arith.index_cast %add3A_2188 : i32 to index
        %get3A_2195 = arith.constant 16 : index
        %get3A_2196 = tpu.vector_load %arg16[%get3A_2194, %get3A_2195] {strides = array<i32>} : memref<416x64xf32, #tpu.memory_space<vmem>>, vector<1x16xf32>,
        %get3A_2197 = vector.shape_cast %get3A_2196 : vector<1x16xf32> to vector<16xf32>
        %mul3A_2198 = arith.mulf %get3A_196, %get3A_2197 : vector<16xf32>
        %add3A_2199 = arith.addf %mul3A_2193, %mul3A_2198 : vector<16xf32>
        %get3A_2200 = arith.index_cast %add3A_2188 : i32 to index
        %get3A_2201 = arith.constant 32 : index
        %get3A_2202 = tpu.vector_load %arg16[%get3A_2200, %get3A_2201] {strides = array<i32>} : memref<416x64xf32, #tpu.memory_space<vmem>>, vector<1x16xf32>,
        %get3A_2203 = vector.shape_cast %get3A_2202 : vector<1x16xf32> to vector<16xf32>
        %mul3A_2204 = arith.mulf %get3A_203, %get3A_2203 : vector<16xf32>
        %add3A_2205 = arith.addf %add3A_2199, %mul3A_2204 : vector<16xf32>
        %get3A_2206 = arith.index_cast %add3A_2188 : i32 to index
        %get3A_2207 = arith.constant 48 : index
        %get3A_2208 = tpu.vector_load %arg16[%get3A_2206, %get3A_2207] {strides = array<i32>} : memref<416x64xf32, #tpu.memory_space<vmem>>, vector<1x16xf32>,
        %get3A_2209 = vector.shape_cast %get3A_2208 : vector<1x16xf32> to vector<16xf32>
        %mul3A_2210 = arith.mulf %get3A_210, %get3A_2209 : vector<16xf32>
        %add3A_2211 = arith.addf %add3A_2205, %mul3A_2210 : vector<16xf32>
        %add3A_2212 = arith.constant 40 : i32
        %add3A_2213 = arith.addi %mul3A_212, %add3A_2212 : i32
        %add3A_2214 = arith.constant 4 : i32
        %add3A_2215 = arith.addi %add3A_2213, %add3A_2214 : i32
        %get3A_2216 = arith.index_cast %add3A_2215 : i32 to index
        %get3A_2217 = arith.constant 0 : index
        %get3A_2218 = tpu.vector_load %arg16[%get3A_2216, %get3A_2217] {strides = array<i32>} : memref<416x64xf32, #tpu.memory_space<vmem>>, vector<1x16xf32>,
        %get3A_2219 = vector.shape_cast %get3A_2218 : vector<1x16xf32> to vector<16xf32>
        %mul3A_2220 = arith.mulf %get3A_189, %get3A_2219 : vector<16xf32>
        %get3A_2221 = arith.index_cast %add3A_2215 : i32 to index
        %get3A_2222 = arith.constant 16 : index
        %get3A_2223 = tpu.vector_load %arg16[%get3A_2221, %get3A_2222] {strides = array<i32>} : memref<416x64xf32, #tpu.memory_space<vmem>>, vector<1x16xf32>,
        %get3A_2224 = vector.shape_cast %get3A_2223 : vector<1x16xf32> to vector<16xf32>
        %mul3A_2225 = arith.mulf %get3A_196, %get3A_2224 : vector<16xf32>
        %add3A_2226 = arith.addf %mul3A_2220, %mul3A_2225 : vector<16xf32>
        %get3A_2227 = arith.index_cast %add3A_2215 : i32 to index
        %get3A_2228 = arith.constant 32 : index
        %get3A_2229 = tpu.vector_load %arg16[%get3A_2227, %get3A_2228] {strides = array<i32>} : memref<416x64xf32, #tpu.memory_space<vmem>>, vector<1x16xf32>,
        %get3A_2230 = vector.shape_cast %get3A_2229 : vector<1x16xf32> to vector<16xf32>
        %mul3A_2231 = arith.mulf %get3A_203, %get3A_2230 : vector<16xf32>
        %add3A_2232 = arith.addf %add3A_2226, %mul3A_2231 : vector<16xf32>
        %get3A_2233 = arith.index_cast %add3A_2215 : i32 to index
        %get3A_2234 = arith.constant 48 : index
        %get3A_2235 = tpu.vector_load %arg16[%get3A_2233, %get3A_2234] {strides = array<i32>} : memref<416x64xf32, #tpu.memory_space<vmem>>, vector<1x16xf32>,
        %get3A_2236 = vector.shape_cast %get3A_2235 : vector<1x16xf32> to vector<16xf32>
        %mul3A_2237 = arith.mulf %get3A_210, %get3A_2236 : vector<16xf32>
        %add3A_2238 = arith.addf %add3A_2232, %mul3A_2237 : vector<16xf32>
        %add3A_2239 = arith.constant 40 : i32
        %add3A_2240 = arith.addi %mul3A_212, %add3A_2239 : i32
        %add3A_2241 = arith.constant 5 : i32
        %add3A_2242 = arith.addi %add3A_2240, %add3A_2241 : i32
        %get3A_2243 = arith.index_cast %add3A_2242 : i32 to index
        %get3A_2244 = arith.constant 0 : index
        %get3A_2245 = tpu.vector_load %arg16[%get3A_2243, %get3A_2244] {strides = array<i32>} : memref<416x64xf32, #tpu.memory_space<vmem>>, vector<1x16xf32>,
        %get3A_2246 = vector.shape_cast %get3A_2245 : vector<1x16xf32> to vector<16xf32>
        %mul3A_2247 = arith.mulf %get3A_189, %get3A_2246 : vector<16xf32>
        %get3A_2248 = arith.index_cast %add3A_2242 : i32 to index
        %get3A_2249 = arith.constant 16 : index
        %get3A_2250 = tpu.vector_load %arg16[%get3A_2248, %get3A_2249] {strides = array<i32>} : memref<416x64xf32, #tpu.memory_space<vmem>>, vector<1x16xf32>,
        %get3A_2251 = vector.shape_cast %get3A_2250 : vector<1x16xf32> to vector<16xf32>
        %mul3A_2252 = arith.mulf %get3A_196, %get3A_2251 : vector<16xf32>
        %add3A_2253 = arith.addf %mul3A_2247, %mul3A_2252 : vector<16xf32>
        %get3A_2254 = arith.index_cast %add3A_2242 : i32 to index
        %get3A_2255 = arith.constant 32 : index
        %get3A_2256 = tpu.vector_load %arg16[%get3A_2254, %get3A_2255] {strides = array<i32>} : memref<416x64xf32, #tpu.memory_space<vmem>>, vector<1x16xf32>,
        %get3A_2257 = vector.shape_cast %get3A_2256 : vector<1x16xf32> to vector<16xf32>
        %mul3A_2258 = arith.mulf %get3A_203, %get3A_2257 : vector<16xf32>
        %add3A_2259 = arith.addf %add3A_2253, %mul3A_2258 : vector<16xf32>
        %get3A_2260 = arith.index_cast %add3A_2242 : i32 to index
        %get3A_2261 = arith.constant 48 : index
        %get3A_2262 = tpu.vector_load %arg16[%get3A_2260, %get3A_2261] {strides = array<i32>} : memref<416x64xf32, #tpu.memory_space<vmem>>, vector<1x16xf32>,
        %get3A_2263 = vector.shape_cast %get3A_2262 : vector<1x16xf32> to vector<16xf32>
        %mul3A_2264 = arith.mulf %get3A_210, %get3A_2263 : vector<16xf32>
        %add3A_2265 = arith.addf %add3A_2259, %mul3A_2264 : vector<16xf32>
        %add3A_2266 = arith.constant 40 : i32
        %add3A_2267 = arith.addi %mul3A_212, %add3A_2266 : i32
        %add3A_2268 = arith.constant 6 : i32
        %add3A_2269 = arith.addi %add3A_2267, %add3A_2268 : i32
        %get3A_2270 = arith.index_cast %add3A_2269 : i32 to index
        %get3A_2271 = arith.constant 0 : index
        %get3A_2272 = tpu.vector_load %arg16[%get3A_2270, %get3A_2271] {strides = array<i32>} : memref<416x64xf32, #tpu.memory_space<vmem>>, vector<1x16xf32>,
        %get3A_2273 = vector.shape_cast %get3A_2272 : vector<1x16xf32> to vector<16xf32>
        %mul3A_2274 = arith.mulf %get3A_189, %get3A_2273 : vector<16xf32>
        %get3A_2275 = arith.index_cast %add3A_2269 : i32 to index
        %get3A_2276 = arith.constant 16 : index
        %get3A_2277 = tpu.vector_load %arg16[%get3A_2275, %get3A_2276] {strides = array<i32>} : memref<416x64xf32, #tpu.memory_space<vmem>>, vector<1x16xf32>,
        %get3A_2278 = vector.shape_cast %get3A_2277 : vector<1x16xf32> to vector<16xf32>
        %mul3A_2279 = arith.mulf %get3A_196, %get3A_2278 : vector<16xf32>
        %add3A_2280 = arith.addf %mul3A_2274, %mul3A_2279 : vector<16xf32>
        %get3A_2281 = arith.index_cast %add3A_2269 : i32 to index
        %get3A_2282 = arith.constant 32 : index
        %get3A_2283 = tpu.vector_load %arg16[%get3A_2281, %get3A_2282] {strides = array<i32>} : memref<416x64xf32, #tpu.memory_space<vmem>>, vector<1x16xf32>,
        %get3A_2284 = vector.shape_cast %get3A_2283 : vector<1x16xf32> to vector<16xf32>
        %mul3A_2285 = arith.mulf %get3A_203, %get3A_2284 : vector<16xf32>
        %add3A_2286 = arith.addf %add3A_2280, %mul3A_2285 : vector<16xf32>
        %get3A_2287 = arith.index_cast %add3A_2269 : i32 to index
        %get3A_2288 = arith.constant 48 : index
        %get3A_2289 = tpu.vector_load %arg16[%get3A_2287, %get3A_2288] {strides = array<i32>} : memref<416x64xf32, #tpu.memory_space<vmem>>, vector<1x16xf32>,
        %get3A_2290 = vector.shape_cast %get3A_2289 : vector<1x16xf32> to vector<16xf32>
        %mul3A_2291 = arith.mulf %get3A_210, %get3A_2290 : vector<16xf32>
        %add3A_2292 = arith.addf %add3A_2286, %mul3A_2291 : vector<16xf32>
        %add3A_2293 = arith.constant 40 : i32
        %add3A_2294 = arith.addi %mul3A_212, %add3A_2293 : i32
        %add3A_2295 = arith.constant 7 : i32
        %add3A_2296 = arith.addi %add3A_2294, %add3A_2295 : i32
        %get3A_2297 = arith.index_cast %add3A_2296 : i32 to index
        %get3A_2298 = arith.constant 0 : index
        %get3A_2299 = tpu.vector_load %arg16[%get3A_2297, %get3A_2298] {strides = array<i32>} : memref<416x64xf32, #tpu.memory_space<vmem>>, vector<1x16xf32>,
        %get3A_2300 = vector.shape_cast %get3A_2299 : vector<1x16xf32> to vector<16xf32>
        %mul3A_2301 = arith.mulf %get3A_189, %get3A_2300 : vector<16xf32>
        %get3A_2302 = arith.index_cast %add3A_2296 : i32 to index
        %get3A_2303 = arith.constant 16 : index
        %get3A_2304 = tpu.vector_load %arg16[%get3A_2302, %get3A_2303] {strides = array<i32>} : memref<416x64xf32, #tpu.memory_space<vmem>>, vector<1x16xf32>,
        %get3A_2305 = vector.shape_cast %get3A_2304 : vector<1x16xf32> to vector<16xf32>
        %mul3A_2306 = arith.mulf %get3A_196, %get3A_2305 : vector<16xf32>
        %add3A_2307 = arith.addf %mul3A_2301, %mul3A_2306 : vector<16xf32>
        %get3A_2308 = arith.index_cast %add3A_2296 : i32 to index
        %get3A_2309 = arith.constant 32 : index
        %get3A_2310 = tpu.vector_load %arg16[%get3A_2308, %get3A_2309] {strides = array<i32>} : memref<416x64xf32, #tpu.memory_space<vmem>>, vector<1x16xf32>,
        %get3A_2311 = vector.shape_cast %get3A_2310 : vector<1x16xf32> to vector<16xf32>
        %mul3A_2312 = arith.mulf %get3A_203, %get3A_2311 : vector<16xf32>
        %add3A_2313 = arith.addf %add3A_2307, %mul3A_2312 : vector<16xf32>
        %get3A_2314 = arith.index_cast %add3A_2296 : i32 to index
        %get3A_2315 = arith.constant 48 : index
        %get3A_2316 = tpu.vector_load %arg16[%get3A_2314, %get3A_2315] {strides = array<i32>} : memref<416x64xf32, #tpu.memory_space<vmem>>, vector<1x16xf32>,
        %get3A_2317 = vector.shape_cast %get3A_2316 : vector<1x16xf32> to vector<16xf32>
        %mul3A_2318 = arith.mulf %get3A_210, %get3A_2317 : vector<16xf32>
        %add3A_2319 = arith.addf %add3A_2313, %mul3A_2318 : vector<16xf32>
        %add3A_2320 = arith.constant 40 : i32
        %add3A_2321 = arith.addi %mul3A_212, %add3A_2320 : i32
        %add3A_2322 = arith.constant 8 : i32
        %add3A_2323 = arith.addi %add3A_2321, %add3A_2322 : i32
        %get3A_2324 = arith.index_cast %add3A_2323 : i32 to index
        %get3A_2325 = arith.constant 0 : index
        %get3A_2326 = tpu.vector_load %arg16[%get3A_2324, %get3A_2325] {strides = array<i32>} : memref<416x64xf32, #tpu.memory_space<vmem>>, vector<1x16xf32>,
        %get3A_2327 = vector.shape_cast %get3A_2326 : vector<1x16xf32> to vector<16xf32>
        %mul3A_2328 = arith.mulf %get3A_189, %get3A_2327 : vector<16xf32>
        %get3A_2329 = arith.index_cast %add3A_2323 : i32 to index
        %get3A_2330 = arith.constant 16 : index
        %get3A_2331 = tpu.vector_load %arg16[%get3A_2329, %get3A_2330] {strides = array<i32>} : memref<416x64xf32, #tpu.memory_space<vmem>>, vector<1x16xf32>,
        %get3A_2332 = vector.shape_cast %get3A_2331 : vector<1x16xf32> to vector<16xf32>
        %mul3A_2333 = arith.mulf %get3A_196, %get3A_2332 : vector<16xf32>
        %add3A_2334 = arith.addf %mul3A_2328, %mul3A_2333 : vector<16xf32>
        %get3A_2335 = arith.index_cast %add3A_2323 : i32 to index
        %get3A_2336 = arith.constant 32 : index
        %get3A_2337 = tpu.vector_load %arg16[%get3A_2335, %get3A_2336] {strides = array<i32>} : memref<416x64xf32, #tpu.memory_space<vmem>>, vector<1x16xf32>,
        %get3A_2338 = vector.shape_cast %get3A_2337 : vector<1x16xf32> to vector<16xf32>
        %mul3A_2339 = arith.mulf %get3A_203, %get3A_2338 : vector<16xf32>
        %add3A_2340 = arith.addf %add3A_2334, %mul3A_2339 : vector<16xf32>
        %get3A_2341 = arith.index_cast %add3A_2323 : i32 to index
        %get3A_2342 = arith.constant 48 : index
        %get3A_2343 = tpu.vector_load %arg16[%get3A_2341, %get3A_2342] {strides = array<i32>} : memref<416x64xf32, #tpu.memory_space<vmem>>, vector<1x16xf32>,
        %get3A_2344 = vector.shape_cast %get3A_2343 : vector<1x16xf32> to vector<16xf32>
        %mul3A_2345 = arith.mulf %get3A_210, %get3A_2344 : vector<16xf32>
        %add3A_2346 = arith.addf %add3A_2340, %mul3A_2345 : vector<16xf32>
        %add3A_2347 = arith.constant 40 : i32
        %add3A_2348 = arith.addi %mul3A_212, %add3A_2347 : i32
        %add3A_2349 = arith.constant 9 : i32
        %add3A_2350 = arith.addi %add3A_2348, %add3A_2349 : i32
        %get3A_2351 = arith.index_cast %add3A_2350 : i32 to index
        %get3A_2352 = arith.constant 0 : index
        %get3A_2353 = tpu.vector_load %arg16[%get3A_2351, %get3A_2352] {strides = array<i32>} : memref<416x64xf32, #tpu.memory_space<vmem>>, vector<1x16xf32>,
        %get3A_2354 = vector.shape_cast %get3A_2353 : vector<1x16xf32> to vector<16xf32>
        %mul3A_2355 = arith.mulf %get3A_189, %get3A_2354 : vector<16xf32>
        %get3A_2356 = arith.index_cast %add3A_2350 : i32 to index
        %get3A_2357 = arith.constant 16 : index
        %get3A_2358 = tpu.vector_load %arg16[%get3A_2356, %get3A_2357] {strides = array<i32>} : memref<416x64xf32, #tpu.memory_space<vmem>>, vector<1x16xf32>,
        %get3A_2359 = vector.shape_cast %get3A_2358 : vector<1x16xf32> to vector<16xf32>
        %mul3A_2360 = arith.mulf %get3A_196, %get3A_2359 : vector<16xf32>
        %add3A_2361 = arith.addf %mul3A_2355, %mul3A_2360 : vector<16xf32>
        %get3A_2362 = arith.index_cast %add3A_2350 : i32 to index
        %get3A_2363 = arith.constant 32 : index
        %get3A_2364 = tpu.vector_load %arg16[%get3A_2362, %get3A_2363] {strides = array<i32>} : memref<416x64xf32, #tpu.memory_space<vmem>>, vector<1x16xf32>,
        %get3A_2365 = vector.shape_cast %get3A_2364 : vector<1x16xf32> to vector<16xf32>
        %mul3A_2366 = arith.mulf %get3A_203, %get3A_2365 : vector<16xf32>
        %add3A_2367 = arith.addf %add3A_2361, %mul3A_2366 : vector<16xf32>
        %get3A_2368 = arith.index_cast %add3A_2350 : i32 to index
        %get3A_2369 = arith.constant 48 : index
        %get3A_2370 = tpu.vector_load %arg16[%get3A_2368, %get3A_2369] {strides = array<i32>} : memref<416x64xf32, #tpu.memory_space<vmem>>, vector<1x16xf32>,
        %get3A_2371 = vector.shape_cast %get3A_2370 : vector<1x16xf32> to vector<16xf32>
        %mul3A_2372 = arith.mulf %get3A_210, %get3A_2371 : vector<16xf32>
        %add3A_2373 = arith.addf %add3A_2367, %mul3A_2372 : vector<16xf32>
        %add3A_2374 = arith.constant 40 : i32
        %add3A_2375 = arith.addi %mul3A_212, %add3A_2374 : i32
        %add3A_2376 = arith.constant 10 : i32
        %add3A_2377 = arith.addi %add3A_2375, %add3A_2376 : i32
        %get3A_2378 = arith.index_cast %add3A_2377 : i32 to index
        %get3A_2379 = arith.constant 0 : index
        %get3A_2380 = tpu.vector_load %arg16[%get3A_2378, %get3A_2379] {strides = array<i32>} : memref<416x64xf32, #tpu.memory_space<vmem>>, vector<1x16xf32>,
        %get3A_2381 = vector.shape_cast %get3A_2380 : vector<1x16xf32> to vector<16xf32>
        %mul3A_2382 = arith.mulf %get3A_189, %get3A_2381 : vector<16xf32>
        %get3A_2383 = arith.index_cast %add3A_2377 : i32 to index
        %get3A_2384 = arith.constant 16 : index
        %get3A_2385 = tpu.vector_load %arg16[%get3A_2383, %get3A_2384] {strides = array<i32>} : memref<416x64xf32, #tpu.memory_space<vmem>>, vector<1x16xf32>,
        %get3A_2386 = vector.shape_cast %get3A_2385 : vector<1x16xf32> to vector<16xf32>
        %mul3A_2387 = arith.mulf %get3A_196, %get3A_2386 : vector<16xf32>
        %add3A_2388 = arith.addf %mul3A_2382, %mul3A_2387 : vector<16xf32>
        %get3A_2389 = arith.index_cast %add3A_2377 : i32 to index
        %get3A_2390 = arith.constant 32 : index
        %get3A_2391 = tpu.vector_load %arg16[%get3A_2389, %get3A_2390] {strides = array<i32>} : memref<416x64xf32, #tpu.memory_space<vmem>>, vector<1x16xf32>,
        %get3A_2392 = vector.shape_cast %get3A_2391 : vector<1x16xf32> to vector<16xf32>
        %mul3A_2393 = arith.mulf %get3A_203, %get3A_2392 : vector<16xf32>
        %add3A_2394 = arith.addf %add3A_2388, %mul3A_2393 : vector<16xf32>
        %get3A_2395 = arith.index_cast %add3A_2377 : i32 to index
        %get3A_2396 = arith.constant 48 : index
        %get3A_2397 = tpu.vector_load %arg16[%get3A_2395, %get3A_2396] {strides = array<i32>} : memref<416x64xf32, #tpu.memory_space<vmem>>, vector<1x16xf32>,
        %get3A_2398 = vector.shape_cast %get3A_2397 : vector<1x16xf32> to vector<16xf32>
        %mul3A_2399 = arith.mulf %get3A_210, %get3A_2398 : vector<16xf32>
        %add3A_2400 = arith.addf %add3A_2394, %mul3A_2399 : vector<16xf32>
        %add3A_2401 = arith.constant 40 : i32
        %add3A_2402 = arith.addi %mul3A_212, %add3A_2401 : i32
        %add3A_2403 = arith.constant 11 : i32
        %add3A_2404 = arith.addi %add3A_2402, %add3A_2403 : i32
        %get3A_2405 = arith.index_cast %add3A_2404 : i32 to index
        %get3A_2406 = arith.constant 0 : index
        %get3A_2407 = tpu.vector_load %arg16[%get3A_2405, %get3A_2406] {strides = array<i32>} : memref<416x64xf32, #tpu.memory_space<vmem>>, vector<1x16xf32>,
        %get3A_2408 = vector.shape_cast %get3A_2407 : vector<1x16xf32> to vector<16xf32>
        %mul3A_2409 = arith.mulf %get3A_189, %get3A_2408 : vector<16xf32>
        %get3A_2410 = arith.index_cast %add3A_2404 : i32 to index
        %get3A_2411 = arith.constant 16 : index
        %get3A_2412 = tpu.vector_load %arg16[%get3A_2410, %get3A_2411] {strides = array<i32>} : memref<416x64xf32, #tpu.memory_space<vmem>>, vector<1x16xf32>,
        %get3A_2413 = vector.shape_cast %get3A_2412 : vector<1x16xf32> to vector<16xf32>
        %mul3A_2414 = arith.mulf %get3A_196, %get3A_2413 : vector<16xf32>
        %add3A_2415 = arith.addf %mul3A_2409, %mul3A_2414 : vector<16xf32>
        %get3A_2416 = arith.index_cast %add3A_2404 : i32 to index
        %get3A_2417 = arith.constant 32 : index
        %get3A_2418 = tpu.vector_load %arg16[%get3A_2416, %get3A_2417] {strides = array<i32>} : memref<416x64xf32, #tpu.memory_space<vmem>>, vector<1x16xf32>,
        %get3A_2419 = vector.shape_cast %get3A_2418 : vector<1x16xf32> to vector<16xf32>
        %mul3A_2420 = arith.mulf %get3A_203, %get3A_2419 : vector<16xf32>
        %add3A_2421 = arith.addf %add3A_2415, %mul3A_2420 : vector<16xf32>
        %get3A_2422 = arith.index_cast %add3A_2404 : i32 to index
        %get3A_2423 = arith.constant 48 : index
        %get3A_2424 = tpu.vector_load %arg16[%get3A_2422, %get3A_2423] {strides = array<i32>} : memref<416x64xf32, #tpu.memory_space<vmem>>, vector<1x16xf32>,
        %get3A_2425 = vector.shape_cast %get3A_2424 : vector<1x16xf32> to vector<16xf32>
        %mul3A_2426 = arith.mulf %get3A_210, %get3A_2425 : vector<16xf32>
        %add3A_2427 = arith.addf %add3A_2421, %mul3A_2426 : vector<16xf32>
        %add3A_2428 = arith.constant 40 : i32
        %add3A_2429 = arith.addi %mul3A_212, %add3A_2428 : i32
        %add3A_2430 = arith.constant 12 : i32
        %add3A_2431 = arith.addi %add3A_2429, %add3A_2430 : i32
        %get3A_2432 = arith.index_cast %add3A_2431 : i32 to index
        %get3A_2433 = arith.constant 0 : index
        %get3A_2434 = tpu.vector_load %arg16[%get3A_2432, %get3A_2433] {strides = array<i32>} : memref<416x64xf32, #tpu.memory_space<vmem>>, vector<1x16xf32>,
        %get3A_2435 = vector.shape_cast %get3A_2434 : vector<1x16xf32> to vector<16xf32>
        %mul3A_2436 = arith.mulf %get3A_189, %get3A_2435 : vector<16xf32>
        %get3A_2437 = arith.index_cast %add3A_2431 : i32 to index
        %get3A_2438 = arith.constant 16 : index
        %get3A_2439 = tpu.vector_load %arg16[%get3A_2437, %get3A_2438] {strides = array<i32>} : memref<416x64xf32, #tpu.memory_space<vmem>>, vector<1x16xf32>,
        %get3A_2440 = vector.shape_cast %get3A_2439 : vector<1x16xf32> to vector<16xf32>
        %mul3A_2441 = arith.mulf %get3A_196, %get3A_2440 : vector<16xf32>
        %add3A_2442 = arith.addf %mul3A_2436, %mul3A_2441 : vector<16xf32>
        %get3A_2443 = arith.index_cast %add3A_2431 : i32 to index
        %get3A_2444 = arith.constant 32 : index
        %get3A_2445 = tpu.vector_load %arg16[%get3A_2443, %get3A_2444] {strides = array<i32>} : memref<416x64xf32, #tpu.memory_space<vmem>>, vector<1x16xf32>,
        %get3A_2446 = vector.shape_cast %get3A_2445 : vector<1x16xf32> to vector<16xf32>
        %mul3A_2447 = arith.mulf %get3A_203, %get3A_2446 : vector<16xf32>
        %add3A_2448 = arith.addf %add3A_2442, %mul3A_2447 : vector<16xf32>
        %get3A_2449 = arith.index_cast %add3A_2431 : i32 to index
        %get3A_2450 = arith.constant 48 : index
        %get3A_2451 = tpu.vector_load %arg16[%get3A_2449, %get3A_2450] {strides = array<i32>} : memref<416x64xf32, #tpu.memory_space<vmem>>, vector<1x16xf32>,
        %get3A_2452 = vector.shape_cast %get3A_2451 : vector<1x16xf32> to vector<16xf32>
        %mul3A_2453 = arith.mulf %get3A_210, %get3A_2452 : vector<16xf32>
        %add3A_2454 = arith.addf %add3A_2448, %mul3A_2453 : vector<16xf32>
        %add3A_2455 = arith.constant 40 : i32
        %add3A_2456 = arith.addi %mul3A_212, %add3A_2455 : i32
        %add3A_2457 = arith.constant 13 : i32
        %add3A_2458 = arith.addi %add3A_2456, %add3A_2457 : i32
        %get3A_2459 = arith.index_cast %add3A_2458 : i32 to index
        %get3A_2460 = arith.constant 0 : index
        %get3A_2461 = tpu.vector_load %arg16[%get3A_2459, %get3A_2460] {strides = array<i32>} : memref<416x64xf32, #tpu.memory_space<vmem>>, vector<1x16xf32>,
        %get3A_2462 = vector.shape_cast %get3A_2461 : vector<1x16xf32> to vector<16xf32>
        %mul3A_2463 = arith.mulf %get3A_189, %get3A_2462 : vector<16xf32>
        %get3A_2464 = arith.index_cast %add3A_2458 : i32 to index
        %get3A_2465 = arith.constant 16 : index
        %get3A_2466 = tpu.vector_load %arg16[%get3A_2464, %get3A_2465] {strides = array<i32>} : memref<416x64xf32, #tpu.memory_space<vmem>>, vector<1x16xf32>,
        %get3A_2467 = vector.shape_cast %get3A_2466 : vector<1x16xf32> to vector<16xf32>
        %mul3A_2468 = arith.mulf %get3A_196, %get3A_2467 : vector<16xf32>
        %add3A_2469 = arith.addf %mul3A_2463, %mul3A_2468 : vector<16xf32>
        %get3A_2470 = arith.index_cast %add3A_2458 : i32 to index
        %get3A_2471 = arith.constant 32 : index
        %get3A_2472 = tpu.vector_load %arg16[%get3A_2470, %get3A_2471] {strides = array<i32>} : memref<416x64xf32, #tpu.memory_space<vmem>>, vector<1x16xf32>,
        %get3A_2473 = vector.shape_cast %get3A_2472 : vector<1x16xf32> to vector<16xf32>
        %mul3A_2474 = arith.mulf %get3A_203, %get3A_2473 : vector<16xf32>
        %add3A_2475 = arith.addf %add3A_2469, %mul3A_2474 : vector<16xf32>
        %get3A_2476 = arith.index_cast %add3A_2458 : i32 to index
        %get3A_2477 = arith.constant 48 : index
        %get3A_2478 = tpu.vector_load %arg16[%get3A_2476, %get3A_2477] {strides = array<i32>} : memref<416x64xf32, #tpu.memory_space<vmem>>, vector<1x16xf32>,
        %get3A_2479 = vector.shape_cast %get3A_2478 : vector<1x16xf32> to vector<16xf32>
        %mul3A_2480 = arith.mulf %get3A_210, %get3A_2479 : vector<16xf32>
        %add3A_2481 = arith.addf %add3A_2475, %mul3A_2480 : vector<16xf32>
        %add3A_2482 = arith.constant 40 : i32
        %add3A_2483 = arith.addi %mul3A_212, %add3A_2482 : i32
        %add3A_2484 = arith.constant 14 : i32
        %add3A_2485 = arith.addi %add3A_2483, %add3A_2484 : i32
        %get3A_2486 = arith.index_cast %add3A_2485 : i32 to index
        %get3A_2487 = arith.constant 0 : index
        %get3A_2488 = tpu.vector_load %arg16[%get3A_2486, %get3A_2487] {strides = array<i32>} : memref<416x64xf32, #tpu.memory_space<vmem>>, vector<1x16xf32>,
        %get3A_2489 = vector.shape_cast %get3A_2488 : vector<1x16xf32> to vector<16xf32>
        %mul3A_2490 = arith.mulf %get3A_189, %get3A_2489 : vector<16xf32>
        %get3A_2491 = arith.index_cast %add3A_2485 : i32 to index
        %get3A_2492 = arith.constant 16 : index
        %get3A_2493 = tpu.vector_load %arg16[%get3A_2491, %get3A_2492] {strides = array<i32>} : memref<416x64xf32, #tpu.memory_space<vmem>>, vector<1x16xf32>,
        %get3A_2494 = vector.shape_cast %get3A_2493 : vector<1x16xf32> to vector<16xf32>
        %mul3A_2495 = arith.mulf %get3A_196, %get3A_2494 : vector<16xf32>
        %add3A_2496 = arith.addf %mul3A_2490, %mul3A_2495 : vector<16xf32>
        %get3A_2497 = arith.index_cast %add3A_2485 : i32 to index
        %get3A_2498 = arith.constant 32 : index
        %get3A_2499 = tpu.vector_load %arg16[%get3A_2497, %get3A_2498] {strides = array<i32>} : memref<416x64xf32, #tpu.memory_space<vmem>>, vector<1x16xf32>,
        %get3A_2500 = vector.shape_cast %get3A_2499 : vector<1x16xf32> to vector<16xf32>
        %mul3A_2501 = arith.mulf %get3A_203, %get3A_2500 : vector<16xf32>
        %add3A_2502 = arith.addf %add3A_2496, %mul3A_2501 : vector<16xf32>
        %get3A_2503 = arith.index_cast %add3A_2485 : i32 to index
        %get3A_2504 = arith.constant 48 : index
        %get3A_2505 = tpu.vector_load %arg16[%get3A_2503, %get3A_2504] {strides = array<i32>} : memref<416x64xf32, #tpu.memory_space<vmem>>, vector<1x16xf32>,
        %get3A_2506 = vector.shape_cast %get3A_2505 : vector<1x16xf32> to vector<16xf32>
        %mul3A_2507 = arith.mulf %get3A_210, %get3A_2506 : vector<16xf32>
        %add3A_2508 = arith.addf %add3A_2502, %mul3A_2507 : vector<16xf32>
        %add3A_2509 = arith.constant 40 : i32
        %add3A_2510 = arith.addi %mul3A_212, %add3A_2509 : i32
        %add3A_2511 = arith.constant 15 : i32
        %add3A_2512 = arith.addi %add3A_2510, %add3A_2511 : i32
        %get3A_2513 = arith.index_cast %add3A_2512 : i32 to index
        %get3A_2514 = arith.constant 0 : index
        %get3A_2515 = tpu.vector_load %arg16[%get3A_2513, %get3A_2514] {strides = array<i32>} : memref<416x64xf32, #tpu.memory_space<vmem>>, vector<1x16xf32>,
        %get3A_2516 = vector.shape_cast %get3A_2515 : vector<1x16xf32> to vector<16xf32>
        %mul3A_2517 = arith.mulf %get3A_189, %get3A_2516 : vector<16xf32>
        %get3A_2518 = arith.index_cast %add3A_2512 : i32 to index
        %get3A_2519 = arith.constant 16 : index
        %get3A_2520 = tpu.vector_load %arg16[%get3A_2518, %get3A_2519] {strides = array<i32>} : memref<416x64xf32, #tpu.memory_space<vmem>>, vector<1x16xf32>,
        %get3A_2521 = vector.shape_cast %get3A_2520 : vector<1x16xf32> to vector<16xf32>
        %mul3A_2522 = arith.mulf %get3A_196, %get3A_2521 : vector<16xf32>
        %add3A_2523 = arith.addf %mul3A_2517, %mul3A_2522 : vector<16xf32>
        %get3A_2524 = arith.index_cast %add3A_2512 : i32 to index
        %get3A_2525 = arith.constant 32 : index
        %get3A_2526 = tpu.vector_load %arg16[%get3A_2524, %get3A_2525] {strides = array<i32>} : memref<416x64xf32, #tpu.memory_space<vmem>>, vector<1x16xf32>,
        %get3A_2527 = vector.shape_cast %get3A_2526 : vector<1x16xf32> to vector<16xf32>
        %mul3A_2528 = arith.mulf %get3A_203, %get3A_2527 : vector<16xf32>
        %add3A_2529 = arith.addf %add3A_2523, %mul3A_2528 : vector<16xf32>
        %get3A_2530 = arith.index_cast %add3A_2512 : i32 to index
        %get3A_2531 = arith.constant 48 : index
        %get3A_2532 = tpu.vector_load %arg16[%get3A_2530, %get3A_2531] {strides = array<i32>} : memref<416x64xf32, #tpu.memory_space<vmem>>, vector<1x16xf32>,
        %get3A_2533 = vector.shape_cast %get3A_2532 : vector<1x16xf32> to vector<16xf32>
        %mul3A_2534 = arith.mulf %get3A_210, %get3A_2533 : vector<16xf32>
        %add3A_2535 = arith.addf %add3A_2529, %mul3A_2534 : vector<16xf32>
        %select_n3A_2536 = arith.select %ne3A_6, %add3A_2346, %add3A_2130 : vector<16xi1>, vector<16xf32>
        %select_n3A_2537 = arith.select %ne3A_6, %add3A_2130, %add3A_2346 : vector<16xi1>, vector<16xf32>
        %lt3A_2538 = arith.constant 0 : i32
        %lt3A_2539 = vector.broadcast %lt3A_2538 : i32 to vector<16xi32>
        %lt3A_2540 = arith.cmpi slt, %xor3A_26, %lt3A_2539 : vector<16xi32>
        %add3A_2541 = arith.constant 16 : i32
        %add3A_2542 = vector.broadcast %add3A_2541 : i32 to vector<16xi32>
        %add3A_2543 = arith.addi %xor3A_26, %add3A_2542 : vector<16xi32>
        %select_n3A_2544 = arith.select %lt3A_2540, %add3A_2543, %xor3A_26 : vector<16xi1>, vector<16xi32>
        %broadcast_in_dim3A_2545 = vector.shape_cast %select_n3A_2544 : vector<16xi32> to vector<16x1xi32>
        %gather3A_2546 = vector.shape_cast %broadcast_in_dim3A_2545 : vector<16x1xi32> to vector<16xi32>
        %gather3A_2547 = tpu.dynamic_gather %select_n3A_2537[%gather3A_2546] in [0] : vector<16xf32>, vector<16xi32> -> vector<16xf32>
        %add3A_2548 = arith.addf %select_n3A_2536, %gather3A_2547 : vector<16xf32>
        %select_n3A_2549 = arith.select %ne3A_6, %add3A_2454, %add3A_2238 : vector<16xi1>, vector<16xf32>
        %select_n3A_2550 = arith.select %ne3A_6, %add3A_2238, %add3A_2454 : vector<16xi1>, vector<16xf32>
        %lt3A_2551 = arith.constant 0 : i32
        %lt3A_2552 = vector.broadcast %lt3A_2551 : i32 to vector<16xi32>
        %lt3A_2553 = arith.cmpi slt, %xor3A_26, %lt3A_2552 : vector<16xi32>
        %add3A_2554 = arith.constant 16 : i32
        %add3A_2555 = vector.broadcast %add3A_2554 : i32 to vector<16xi32>
        %add3A_2556 = arith.addi %xor3A_26, %add3A_2555 : vector<16xi32>
        %select_n3A_2557 = arith.select %lt3A_2553, %add3A_2556, %xor3A_26 : vector<16xi1>, vector<16xi32>
        %broadcast_in_dim3A_2558 = vector.shape_cast %select_n3A_2557 : vector<16xi32> to vector<16x1xi32>
        %gather3A_2559 = vector.shape_cast %broadcast_in_dim3A_2558 : vector<16x1xi32> to vector<16xi32>
        %gather3A_2560 = tpu.dynamic_gather %select_n3A_2550[%gather3A_2559] in [0] : vector<16xf32>, vector<16xi32> -> vector<16xf32>
        %add3A_2561 = arith.addf %select_n3A_2549, %gather3A_2560 : vector<16xf32>
        %select_n3A_2562 = arith.select %ne3A_6, %add3A_2400, %add3A_2184 : vector<16xi1>, vector<16xf32>
        %select_n3A_2563 = arith.select %ne3A_6, %add3A_2184, %add3A_2400 : vector<16xi1>, vector<16xf32>
        %lt3A_2564 = arith.constant 0 : i32
        %lt3A_2565 = vector.broadcast %lt3A_2564 : i32 to vector<16xi32>
        %lt3A_2566 = arith.cmpi slt, %xor3A_26, %lt3A_2565 : vector<16xi32>
        %add3A_2567 = arith.constant 16 : i32
        %add3A_2568 = vector.broadcast %add3A_2567 : i32 to vector<16xi32>
        %add3A_2569 = arith.addi %xor3A_26, %add3A_2568 : vector<16xi32>
        %select_n3A_2570 = arith.select %lt3A_2566, %add3A_2569, %xor3A_26 : vector<16xi1>, vector<16xi32>
        %broadcast_in_dim3A_2571 = vector.shape_cast %select_n3A_2570 : vector<16xi32> to vector<16x1xi32>
        %gather3A_2572 = vector.shape_cast %broadcast_in_dim3A_2571 : vector<16x1xi32> to vector<16xi32>
        %gather3A_2573 = tpu.dynamic_gather %select_n3A_2563[%gather3A_2572] in [0] : vector<16xf32>, vector<16xi32> -> vector<16xf32>
        %add3A_2574 = arith.addf %select_n3A_2562, %gather3A_2573 : vector<16xf32>
        %select_n3A_2575 = arith.select %ne3A_6, %add3A_2508, %add3A_2292 : vector<16xi1>, vector<16xf32>
        %select_n3A_2576 = arith.select %ne3A_6, %add3A_2292, %add3A_2508 : vector<16xi1>, vector<16xf32>
        %lt3A_2577 = arith.constant 0 : i32
        %lt3A_2578 = vector.broadcast %lt3A_2577 : i32 to vector<16xi32>
        %lt3A_2579 = arith.cmpi slt, %xor3A_26, %lt3A_2578 : vector<16xi32>
        %add3A_2580 = arith.constant 16 : i32
        %add3A_2581 = vector.broadcast %add3A_2580 : i32 to vector<16xi32>
        %add3A_2582 = arith.addi %xor3A_26, %add3A_2581 : vector<16xi32>
        %select_n3A_2583 = arith.select %lt3A_2579, %add3A_2582, %xor3A_26 : vector<16xi1>, vector<16xi32>
        %broadcast_in_dim3A_2584 = vector.shape_cast %select_n3A_2583 : vector<16xi32> to vector<16x1xi32>
        %gather3A_2585 = vector.shape_cast %broadcast_in_dim3A_2584 : vector<16x1xi32> to vector<16xi32>
        %gather3A_2586 = tpu.dynamic_gather %select_n3A_2576[%gather3A_2585] in [0] : vector<16xf32>, vector<16xi32> -> vector<16xf32>
        %add3A_2587 = arith.addf %select_n3A_2575, %gather3A_2586 : vector<16xf32>
        %select_n3A_2588 = arith.select %ne3A_6, %add3A_2373, %add3A_2157 : vector<16xi1>, vector<16xf32>
        %select_n3A_2589 = arith.select %ne3A_6, %add3A_2157, %add3A_2373 : vector<16xi1>, vector<16xf32>
        %lt3A_2590 = arith.constant 0 : i32
        %lt3A_2591 = vector.broadcast %lt3A_2590 : i32 to vector<16xi32>
        %lt3A_2592 = arith.cmpi slt, %xor3A_26, %lt3A_2591 : vector<16xi32>
        %add3A_2593 = arith.constant 16 : i32
        %add3A_2594 = vector.broadcast %add3A_2593 : i32 to vector<16xi32>
        %add3A_2595 = arith.addi %xor3A_26, %add3A_2594 : vector<16xi32>
        %select_n3A_2596 = arith.select %lt3A_2592, %add3A_2595, %xor3A_26 : vector<16xi1>, vector<16xi32>
        %broadcast_in_dim3A_2597 = vector.shape_cast %select_n3A_2596 : vector<16xi32> to vector<16x1xi32>
        %gather3A_2598 = vector.shape_cast %broadcast_in_dim3A_2597 : vector<16x1xi32> to vector<16xi32>
        %gather3A_2599 = tpu.dynamic_gather %select_n3A_2589[%gather3A_2598] in [0] : vector<16xf32>, vector<16xi32> -> vector<16xf32>
        %add3A_2600 = arith.addf %select_n3A_2588, %gather3A_2599 : vector<16xf32>
        %select_n3A_2601 = arith.select %ne3A_6, %add3A_2481, %add3A_2265 : vector<16xi1>, vector<16xf32>
        %select_n3A_2602 = arith.select %ne3A_6, %add3A_2265, %add3A_2481 : vector<16xi1>, vector<16xf32>
        %lt3A_2603 = arith.constant 0 : i32
        %lt3A_2604 = vector.broadcast %lt3A_2603 : i32 to vector<16xi32>
        %lt3A_2605 = arith.cmpi slt, %xor3A_26, %lt3A_2604 : vector<16xi32>
        %add3A_2606 = arith.constant 16 : i32
        %add3A_2607 = vector.broadcast %add3A_2606 : i32 to vector<16xi32>
        %add3A_2608 = arith.addi %xor3A_26, %add3A_2607 : vector<16xi32>
        %select_n3A_2609 = arith.select %lt3A_2605, %add3A_2608, %xor3A_26 : vector<16xi1>, vector<16xi32>
        %broadcast_in_dim3A_2610 = vector.shape_cast %select_n3A_2609 : vector<16xi32> to vector<16x1xi32>
        %gather3A_2611 = vector.shape_cast %broadcast_in_dim3A_2610 : vector<16x1xi32> to vector<16xi32>
        %gather3A_2612 = tpu.dynamic_gather %select_n3A_2602[%gather3A_2611] in [0] : vector<16xf32>, vector<16xi32> -> vector<16xf32>
        %add3A_2613 = arith.addf %select_n3A_2601, %gather3A_2612 : vector<16xf32>
        %select_n3A_2614 = arith.select %ne3A_6, %add3A_2427, %add3A_2211 : vector<16xi1>, vector<16xf32>
        %select_n3A_2615 = arith.select %ne3A_6, %add3A_2211, %add3A_2427 : vector<16xi1>, vector<16xf32>
        %lt3A_2616 = arith.constant 0 : i32
        %lt3A_2617 = vector.broadcast %lt3A_2616 : i32 to vector<16xi32>
        %lt3A_2618 = arith.cmpi slt, %xor3A_26, %lt3A_2617 : vector<16xi32>
        %add3A_2619 = arith.constant 16 : i32
        %add3A_2620 = vector.broadcast %add3A_2619 : i32 to vector<16xi32>
        %add3A_2621 = arith.addi %xor3A_26, %add3A_2620 : vector<16xi32>
        %select_n3A_2622 = arith.select %lt3A_2618, %add3A_2621, %xor3A_26 : vector<16xi1>, vector<16xi32>
        %broadcast_in_dim3A_2623 = vector.shape_cast %select_n3A_2622 : vector<16xi32> to vector<16x1xi32>
        %gather3A_2624 = vector.shape_cast %broadcast_in_dim3A_2623 : vector<16x1xi32> to vector<16xi32>
        %gather3A_2625 = tpu.dynamic_gather %select_n3A_2615[%gather3A_2624] in [0] : vector<16xf32>, vector<16xi32> -> vector<16xf32>
        %add3A_2626 = arith.addf %select_n3A_2614, %gather3A_2625 : vector<16xf32>
        %select_n3A_2627 = arith.select %ne3A_6, %add3A_2535, %add3A_2319 : vector<16xi1>, vector<16xf32>
        %select_n3A_2628 = arith.select %ne3A_6, %add3A_2319, %add3A_2535 : vector<16xi1>, vector<16xf32>
        %lt3A_2629 = arith.constant 0 : i32
        %lt3A_2630 = vector.broadcast %lt3A_2629 : i32 to vector<16xi32>
        %lt3A_2631 = arith.cmpi slt, %xor3A_26, %lt3A_2630 : vector<16xi32>
        %add3A_2632 = arith.constant 16 : i32
        %add3A_2633 = vector.broadcast %add3A_2632 : i32 to vector<16xi32>
        %add3A_2634 = arith.addi %xor3A_26, %add3A_2633 : vector<16xi32>
        %select_n3A_2635 = arith.select %lt3A_2631, %add3A_2634, %xor3A_26 : vector<16xi1>, vector<16xi32>
        %broadcast_in_dim3A_2636 = vector.shape_cast %select_n3A_2635 : vector<16xi32> to vector<16x1xi32>
        %gather3A_2637 = vector.shape_cast %broadcast_in_dim3A_2636 : vector<16x1xi32> to vector<16xi32>
        %gather3A_2638 = tpu.dynamic_gather %select_n3A_2628[%gather3A_2637] in [0] : vector<16xf32>, vector<16xi32> -> vector<16xf32>
        %add3A_2639 = arith.addf %select_n3A_2627, %gather3A_2638 : vector<16xf32>
        %select_n3A_2640 = arith.select %ne3A_12, %add3A_2561, %add3A_2548 : vector<16xi1>, vector<16xf32>
        %select_n3A_2641 = arith.select %ne3A_12, %add3A_2548, %add3A_2561 : vector<16xi1>, vector<16xf32>
        %lt3A_2642 = arith.constant 0 : i32
        %lt3A_2643 = vector.broadcast %lt3A_2642 : i32 to vector<16xi32>
        %lt3A_2644 = arith.cmpi slt, %xor3A_29, %lt3A_2643 : vector<16xi32>
        %add3A_2645 = arith.constant 16 : i32
        %add3A_2646 = vector.broadcast %add3A_2645 : i32 to vector<16xi32>
        %add3A_2647 = arith.addi %xor3A_29, %add3A_2646 : vector<16xi32>
        %select_n3A_2648 = arith.select %lt3A_2644, %add3A_2647, %xor3A_29 : vector<16xi1>, vector<16xi32>
        %broadcast_in_dim3A_2649 = vector.shape_cast %select_n3A_2648 : vector<16xi32> to vector<16x1xi32>
        %gather3A_2650 = vector.shape_cast %broadcast_in_dim3A_2649 : vector<16x1xi32> to vector<16xi32>
        %gather3A_2651 = tpu.dynamic_gather %select_n3A_2641[%gather3A_2650] in [0] : vector<16xf32>, vector<16xi32> -> vector<16xf32>
        %add3A_2652 = arith.addf %select_n3A_2640, %gather3A_2651 : vector<16xf32>
        %select_n3A_2653 = arith.select %ne3A_12, %add3A_2587, %add3A_2574 : vector<16xi1>, vector<16xf32>
        %select_n3A_2654 = arith.select %ne3A_12, %add3A_2574, %add3A_2587 : vector<16xi1>, vector<16xf32>
        %lt3A_2655 = arith.constant 0 : i32
        %lt3A_2656 = vector.broadcast %lt3A_2655 : i32 to vector<16xi32>
        %lt3A_2657 = arith.cmpi slt, %xor3A_29, %lt3A_2656 : vector<16xi32>
        %add3A_2658 = arith.constant 16 : i32
        %add3A_2659 = vector.broadcast %add3A_2658 : i32 to vector<16xi32>
        %add3A_2660 = arith.addi %xor3A_29, %add3A_2659 : vector<16xi32>
        %select_n3A_2661 = arith.select %lt3A_2657, %add3A_2660, %xor3A_29 : vector<16xi1>, vector<16xi32>
        %broadcast_in_dim3A_2662 = vector.shape_cast %select_n3A_2661 : vector<16xi32> to vector<16x1xi32>
        %gather3A_2663 = vector.shape_cast %broadcast_in_dim3A_2662 : vector<16x1xi32> to vector<16xi32>
        %gather3A_2664 = tpu.dynamic_gather %select_n3A_2654[%gather3A_2663] in [0] : vector<16xf32>, vector<16xi32> -> vector<16xf32>
        %add3A_2665 = arith.addf %select_n3A_2653, %gather3A_2664 : vector<16xf32>
        %select_n3A_2666 = arith.select %ne3A_12, %add3A_2613, %add3A_2600 : vector<16xi1>, vector<16xf32>
        %select_n3A_2667 = arith.select %ne3A_12, %add3A_2600, %add3A_2613 : vector<16xi1>, vector<16xf32>
        %lt3A_2668 = arith.constant 0 : i32
        %lt3A_2669 = vector.broadcast %lt3A_2668 : i32 to vector<16xi32>
        %lt3A_2670 = arith.cmpi slt, %xor3A_29, %lt3A_2669 : vector<16xi32>
        %add3A_2671 = arith.constant 16 : i32
        %add3A_2672 = vector.broadcast %add3A_2671 : i32 to vector<16xi32>
        %add3A_2673 = arith.addi %xor3A_29, %add3A_2672 : vector<16xi32>
        %select_n3A_2674 = arith.select %lt3A_2670, %add3A_2673, %xor3A_29 : vector<16xi1>, vector<16xi32>
        %broadcast_in_dim3A_2675 = vector.shape_cast %select_n3A_2674 : vector<16xi32> to vector<16x1xi32>
        %gather3A_2676 = vector.shape_cast %broadcast_in_dim3A_2675 : vector<16x1xi32> to vector<16xi32>
        %gather3A_2677 = tpu.dynamic_gather %select_n3A_2667[%gather3A_2676] in [0] : vector<16xf32>, vector<16xi32> -> vector<16xf32>
        %add3A_2678 = arith.addf %select_n3A_2666, %gather3A_2677 : vector<16xf32>
        %select_n3A_2679 = arith.select %ne3A_12, %add3A_2639, %add3A_2626 : vector<16xi1>, vector<16xf32>
        %select_n3A_2680 = arith.select %ne3A_12, %add3A_2626, %add3A_2639 : vector<16xi1>, vector<16xf32>
        %lt3A_2681 = arith.constant 0 : i32
        %lt3A_2682 = vector.broadcast %lt3A_2681 : i32 to vector<16xi32>
        %lt3A_2683 = arith.cmpi slt, %xor3A_29, %lt3A_2682 : vector<16xi32>
        %add3A_2684 = arith.constant 16 : i32
        %add3A_2685 = vector.broadcast %add3A_2684 : i32 to vector<16xi32>
        %add3A_2686 = arith.addi %xor3A_29, %add3A_2685 : vector<16xi32>
        %select_n3A_2687 = arith.select %lt3A_2683, %add3A_2686, %xor3A_29 : vector<16xi1>, vector<16xi32>
        %broadcast_in_dim3A_2688 = vector.shape_cast %select_n3A_2687 : vector<16xi32> to vector<16x1xi32>
        %gather3A_2689 = vector.shape_cast %broadcast_in_dim3A_2688 : vector<16x1xi32> to vector<16xi32>
        %gather3A_2690 = tpu.dynamic_gather %select_n3A_2680[%gather3A_2689] in [0] : vector<16xf32>, vector<16xi32> -> vector<16xf32>
        %add3A_2691 = arith.addf %select_n3A_2679, %gather3A_2690 : vector<16xf32>
        %select_n3A_2692 = arith.select %ne3A_18, %add3A_2665, %add3A_2652 : vector<16xi1>, vector<16xf32>
        %select_n3A_2693 = arith.select %ne3A_18, %add3A_2652, %add3A_2665 : vector<16xi1>, vector<16xf32>
        %lt3A_2694 = arith.constant 0 : i32
        %lt3A_2695 = vector.broadcast %lt3A_2694 : i32 to vector<16xi32>
        %lt3A_2696 = arith.cmpi slt, %xor3A_32, %lt3A_2695 : vector<16xi32>
        %add3A_2697 = arith.constant 16 : i32
        %add3A_2698 = vector.broadcast %add3A_2697 : i32 to vector<16xi32>
        %add3A_2699 = arith.addi %xor3A_32, %add3A_2698 : vector<16xi32>
        %select_n3A_2700 = arith.select %lt3A_2696, %add3A_2699, %xor3A_32 : vector<16xi1>, vector<16xi32>
        %broadcast_in_dim3A_2701 = vector.shape_cast %select_n3A_2700 : vector<16xi32> to vector<16x1xi32>
        %gather3A_2702 = vector.shape_cast %broadcast_in_dim3A_2701 : vector<16x1xi32> to vector<16xi32>
        %gather3A_2703 = tpu.dynamic_gather %select_n3A_2693[%gather3A_2702] in [0] : vector<16xf32>, vector<16xi32> -> vector<16xf32>
        %add3A_2704 = arith.addf %select_n3A_2692, %gather3A_2703 : vector<16xf32>
        %select_n3A_2705 = arith.select %ne3A_18, %add3A_2691, %add3A_2678 : vector<16xi1>, vector<16xf32>
        %select_n3A_2706 = arith.select %ne3A_18, %add3A_2678, %add3A_2691 : vector<16xi1>, vector<16xf32>
        %lt3A_2707 = arith.constant 0 : i32
        %lt3A_2708 = vector.broadcast %lt3A_2707 : i32 to vector<16xi32>
        %lt3A_2709 = arith.cmpi slt, %xor3A_32, %lt3A_2708 : vector<16xi32>
        %add3A_2710 = arith.constant 16 : i32
        %add3A_2711 = vector.broadcast %add3A_2710 : i32 to vector<16xi32>
        %add3A_2712 = arith.addi %xor3A_32, %add3A_2711 : vector<16xi32>
        %select_n3A_2713 = arith.select %lt3A_2709, %add3A_2712, %xor3A_32 : vector<16xi1>, vector<16xi32>
        %broadcast_in_dim3A_2714 = vector.shape_cast %select_n3A_2713 : vector<16xi32> to vector<16x1xi32>
        %gather3A_2715 = vector.shape_cast %broadcast_in_dim3A_2714 : vector<16x1xi32> to vector<16xi32>
        %gather3A_2716 = tpu.dynamic_gather %select_n3A_2706[%gather3A_2715] in [0] : vector<16xf32>, vector<16xi32> -> vector<16xf32>
        %add3A_2717 = arith.addf %select_n3A_2705, %gather3A_2716 : vector<16xf32>
        %select_n3A_2718 = arith.select %ne3A_24, %add3A_2717, %add3A_2704 : vector<16xi1>, vector<16xf32>
        %select_n3A_2719 = arith.select %ne3A_24, %add3A_2704, %add3A_2717 : vector<16xi1>, vector<16xf32>
        %lt3A_2720 = arith.constant 0 : i32
        %lt3A_2721 = vector.broadcast %lt3A_2720 : i32 to vector<16xi32>
        %lt3A_2722 = arith.cmpi slt, %xor3A_35, %lt3A_2721 : vector<16xi32>
        %add3A_2723 = arith.constant 16 : i32
        %add3A_2724 = vector.broadcast %add3A_2723 : i32 to vector<16xi32>
        %add3A_2725 = arith.addi %xor3A_35, %add3A_2724 : vector<16xi32>
        %select_n3A_2726 = arith.select %lt3A_2722, %add3A_2725, %xor3A_35 : vector<16xi1>, vector<16xi32>
        %broadcast_in_dim3A_2727 = vector.shape_cast %select_n3A_2726 : vector<16xi32> to vector<16x1xi32>
        %gather3A_2728 = vector.shape_cast %broadcast_in_dim3A_2727 : vector<16x1xi32> to vector<16xi32>
        %gather3A_2729 = tpu.dynamic_gather %select_n3A_2719[%gather3A_2728] in [0] : vector<16xf32>, vector<16xi32> -> vector<16xf32>
        %add3A_2730 = arith.addf %select_n3A_2718, %gather3A_2729 : vector<16xf32>
        %swap3A_2731 = arith.index_cast %scan3A_183 : i32 to index
        %swap3A_2732 = arith.constant 40 : index
        %swap3A_2733 = tpu.vector_load %arg17[%swap3A_2731, %swap3A_2732] {strides = array<i32>} : memref<8x56xf32, #tpu.memory_space<vmem>>, vector<1x16xf32>,
        %swap3A_2734 = vector.shape_cast %swap3A_2733 : vector<1x16xf32> to vector<16xf32>
        %swap3A_2735 = vector.shape_cast %add3A_2730 : vector<16xf32> to vector<1x16xf32>
        tpu.vector_store %arg17[%swap3A_2731, %swap3A_2732], %swap3A_2735 {strides = array<i32>} : memref<8x56xf32, #tpu.memory_space<vmem>>, vector<1x16xf32>,
      }
      %scan3A_178 = arith.constant 8 : i32
      %mul3A_179 = arith.constant 8 : i32
      %mul3A_180 = arith.muli %scan3A_94, %mul3A_179 : i32
      %add3A_181 = arith.addi %mul3A_2, %mul3A_180 : i32
      %multiple_of3A_182 = tpu.assume_multiple %add3A_181, 8 : i32
      "tpu.region"() ({
        %run_scoped3A = tpu.sem_alloc : memref<!tpu.dma_semaphore, #tpu.memory_space<semaphore_mem>>
        %dma_start3A_183 = arith.constant 0 : i32
        %dma_start3A_184 = tpu.memref_slice %arg6[%multiple_of3A_182, %dma_start3A_183] : memref<16384x56xf32, #tpu.memory_space<hbm>> -> memref<8x56xf32, #tpu.memory_space<hbm>>
        %dma_start3A_185 = arith.constant 0 : i32
        %dma_start3A_186 = tpu.memref_slice %arg6[%multiple_of3A_182, %dma_start3A_185] : memref<16384x56xf32, #tpu.memory_space<hbm>> -> memref<8x56xf32, #tpu.memory_space<hbm>>
        tpu.enqueue_dma source(%arg17 : memref<8x56xf32, #tpu.memory_space<vmem>>) target(%dma_start3A_186 : memref<8x56xf32, #tpu.memory_space<hbm>>) target_semaphore(%run_scoped3A : memref<!tpu.dma_semaphore, #tpu.memory_space<semaphore_mem>>)
        %dma_wait3A_187 = arith.constant 0 : i32
        %dma_wait3A_188 = tpu.memref_slice %arg6[%multiple_of3A_182, %dma_wait3A_187] : memref<16384x56xf32, #tpu.memory_space<hbm>> -> memref<8x56xf32, #tpu.memory_space<hbm>>
        %dma_wait3A_189 = arith.constant 0 : i32
        %dma_wait3A_190 = tpu.memref_slice %arg6[%multiple_of3A_182, %dma_wait3A_189] : memref<16384x56xf32, #tpu.memory_space<hbm>> -> memref<8x56xf32, #tpu.memory_space<hbm>>
        tpu.wait_dma2 semaphore(%run_scoped3A : memref<!tpu.dma_semaphore, #tpu.memory_space<semaphore_mem>>) src(%arg17 : memref<8x56xf32, #tpu.memory_space<vmem>>) dst(%dma_wait3A_190 : memref<8x56xf32, #tpu.memory_space<hbm>>)
        tpu.yield
      }) : () -> ()
    }
    %scan3A_93 = arith.constant 64 : i32
    return
  }
}

</mosaic_0001>

<sc_bundles>
// kernel: kernel.3.cloned.1.call-start
scs
__scs_entry_jumppad:
0x0: {  	(pc) =	sbr.rel $0x88, $3  }
0x1: {  	(tag) =	ssettag $0x0;
	lr =	simm.s32 $0x1  }
0x2: {  	[smem:$0x3F9D] =	sst lr;
	_ =	strace $0xD0000000  }
0x3: {  	_ = 	snop  }
0x4: {  	_ = 	snop  }
0x5: {  	_ = 	snop  }
0x6: {  	_ = 	snop  }
0x7: {  	_ = 	snop  }
__scs_overlays_trampoline_lowered:
0x8: {  	[smem:$0x3FAC] =	sst s0  }
0x9: {  	[smem:$0x3FAD] =	sst s1  }
0xa: {  	[smem:$0x3FAE] =	sst s2  }
0xb: {  	[smem:$0x3FAF] =	sst s3  }
0xc: {  	[smem:$0x3FB0] =	sst s4  }
0xd: {  	[smem:$0x3FB1] =	sst s5  }
0xe: {  	[smem:$0x3FB2] =	sst s6  }
0xf: {  	[smem:$0x3FB3] =	sst s7  }
0x10: {  	[smem:$0x3FB4] =	sst s8  }
0x11: {  	[smem:$0x3FB5] =	sst s9;
	s0 =	simm.s32 @!p0 $0x0  }
0x12: {  	s1 =	sld [smem:$0x3F9B];
	s0 =	simm.s32 @p0 $0x1  }
0x13: {  	[smem:$0x3FB6] =	sst s0;
	s0 =	simm.s32 @!p1 $0x0  }
0x14: {  	s2 =	sld [smem:$0x3F9A];
	s0 =	simm.s32 @p1 $0x1  }
0x15: {  	[smem:$0x3FB7] =	sst s0;
	s0 =	simm.s32 @!p2 $0x0  }
0x16: {  	s3 =	sld [smem:$0x3FDB];
	s0 =	simm.s32 @p2 $0x1  }
0x17: {  	s4 =	simm.s32 $0x1BF5;
	[smem:$0x3FB9] =	sst s0  }
0x18: {  	s0 =	sld [smem:$0x3F9C];
	_ =	swait.ge [sflag:s4], $0x0  }
0x19: {  	s7 =	sld [smem:$0x3F9D]  }
0x1a: {  	s8 =	sadd.s32 $0xFFFFE003, lr  }
0x1b: {  	s9 =	sadd.s32 $0xFFFFFEF7, lr;
	s5 =	simm.s32 $0xFFFFFFFF;
	p2 =	slt.u32 s8, $0xFFFFF086  }
0x1c: {  	p1 =	slt.u32 s9, $0xF7A;
	s5 =	simm.s32 @!p2 $0x0  }
0x1d: {  	s5 =	simm.s32 @p1 $0x1;
	p0 =	seq.s32 s7, s2  }
0x1e: {  	s7 =	smul.u32 @!p0 $0xF7A, s2;
	p2 =	seq.s32 @!p0 s5, $0x0  }
0x1f: {  	s9 =	smul.u32 $0xF7A, s1;
	s8 =	simm.s32 @!p0 $0x1BF5;
	p2 =	por !p2, p0  }
0x20: {  	[sflag:s8] =	ssyncset.s32 @!p0 $0xFFFFF086;
	s6 =	sadd.s32 @!p0 s3, s7;
	s7 =	simm.s32 @!p0 $0x108  }
0x21: {  	s3 =	sadd.s32 s3, s9;
	s6 =	sadd.s32 @!p0 $0x88, s6;
	s7 =	simm.s32 @p2 $0x1082  }
0x22: {  	[simem:s7], [sflag:s8] =	dma.local @!p0 [hbm:s6], $0xF7A  }
0x23: {  	s9 =	sor.u32 $0xD0000000, s2;
	s6 =	simm.s32 $0x108;
	_ =	swait.ge @!p0 [sflag:s8], $0x0  }
0x24: {  	s3 =	sadd.s32 $0x88, s3;
	s6 =	simm.s32 @!p1 $0x1082;
	[sflag:s4] =	ssyncset.s32 $0xFFFFF086  }
0x25: {  	[simem:s6], [sflag:s4] =	dma.local [hbm:s3], $0xF7A  }
0x26: {  	[smem:$0x3F9D] =	sst s1;
	(tag) =	ssettag s2;
	_ =	strace s9  }
0x27: {  	s1 =	sld [smem:$0x3FAD]  }
0x28: {  	s2 =	sld [smem:$0x3FAE]  }
0x29: {  	s4 =	sld [smem:$0x3FB0]  }
0x2a: {  	p0 =	seq.s32 s5, $0x0;
	s5 =	sld [smem:$0x3FB1]  }
0x2b: {  	s6 =	sld [smem:$0x3FB2]  }
0x2c: {  	s7 =	sld [smem:$0x3FB3]  }
0x2d: {  	s3 =	simm.s32 $0x108;
	s8 =	sld [smem:$0x3FB4]  }
0x2e: {  	s3 =	simm.s32 @!p0 $0x1082;
	s9 =	sld [smem:$0x3FB5]  }
0x2f: {  	lr =	sadd.s32 s0, s3;
	s0 =	sld [smem:$0x3FAC]  }
0x30: {  	s3 =	sld [smem:$0x3FAF]  }
0x31: {  	[smem:$0x3FB8] =	sst s10  }
0x32: {  	s10 =	sld [smem:$0x3FB6];
	_ =	sdelay $0x3  }
0x33: {  	p0 =	seq.s32 s10, $0x1;
	s10 =	sld [smem:$0x3FB8];
	_ =	sdelay $0x3  }
0x34: {  	[smem:$0x3FB8] =	sst s10  }
0x35: {  	s10 =	sld [smem:$0x3FB7];
	_ =	sdelay $0x3  }
0x36: {  	p1 =	seq.s32 s10, $0x1;
	s10 =	sld [smem:$0x3FB8];
	_ =	sdelay $0x3  }
0x37: {  	[smem:$0x3FB8] =	sst s10  }
0x38: {  	s10 =	sld [smem:$0x3FB9]  }
0x39: {  	_ = 	snop;
	(pc) =	sbr.ind lr, $3  }
0x3a: {  	_ = 	snop  }
0x3b: {  	_ = 	snop  }
0x3c: {  	p2 =	seq.s32 s10, $0x1;
	s10 =	sld [smem:$0x3FB8]  }
0x3d: {  	_ =	shalt  }
0x3e: {  	_ =	shalt  }
0x3f: {  	_ =	shalt  }
0x40: {  	_ =	shalt  }
0x41: {  	_ =	shalt  }
0x42: {  	_ =	shalt  }
0x43: {  	_ =	shalt  }
0x44: {  	_ =	shalt  }
0x45: {  	_ =	shalt  }
0x46: {  	_ =	shalt  }
0x47: {  	_ =	shalt  }
0x48: {  	_ =	shalt  }
0x49: {  	_ =	shalt  }
0x4a: {  	_ =	shalt  }
0x4b: {  	_ =	shalt  }
0x4c: {  	_ =	shalt  }
0x4d: {  	_ =	shalt  }
0x4e: {  	_ =	shalt  }
0x4f: {  	_ =	shalt  }
0x50: {  	_ =	shalt  }
0x51: {  	_ =	shalt  }
0x52: {  	_ =	shalt  }
0x53: {  	_ =	shalt  }
0x54: {  	_ =	shalt  }
0x55: {  	_ =	shalt  }
0x56: {  	_ =	shalt  }
0x57: {  	_ =	shalt  }
0x58: {  	_ =	shalt  }
0x59: {  	_ =	shalt  }
0x5a: {  	_ =	shalt  }
0x5b: {  	_ =	shalt  }
0x5c: {  	_ =	shalt  }
0x5d: {  	_ =	shalt  }
0x5e: {  	_ =	shalt  }
0x5f: {  	_ =	shalt  }
0x60: {  	_ =	shalt  }
0x61: {  	_ =	shalt  }
0x62: {  	_ =	shalt  }
0x63: {  	_ =	shalt  }
0x64: {  	_ =	shalt  }
0x65: {  	_ =	shalt  }
0x66: {  	_ =	shalt  }
0x67: {  	_ =	shalt  }
0x68: {  	_ =	shalt  }
0x69: {  	_ =	shalt  }
0x6a: {  	_ =	shalt  }
0x6b: {  	_ =	shalt  }
0x6c: {  	_ =	shalt  }
0x6d: {  	_ =	shalt  }
0x6e: {  	_ =	shalt  }
0x6f: {  	_ =	shalt  }
0x70: {  	_ =	shalt  }
0x71: {  	_ =	shalt  }
0x72: {  	_ =	shalt  }
0x73: {  	_ =	shalt  }
0x74: {  	_ =	shalt  }
0x75: {  	_ =	shalt  }
0x76: {  	_ =	shalt  }
0x77: {  	_ =	shalt  }
0x78: {  	_ =	shalt  }
0x79: {  	_ =	shalt  }
0x7a: {  	_ =	shalt  }
0x7b: {  	_ =	shalt  }
0x7c: {  	_ =	shalt  }
0x7d: {  	_ =	shalt  }
0x7e: {  	_ =	shalt  }
0x7f: {  	_ =	shalt  }
0x80: {  	_ =	shalt  }
0x81: {  	_ =	shalt  }
0x82: {  	_ =	shalt  }
0x83: {  	_ =	shalt  }
0x84: {  	_ =	shalt  }
0x85: {  	_ =	shalt  }
0x86: {  	_ =	shalt  }
0x87: {  	_ =	shalt  }
.Lfunc_end0:
.L_simem_size_0:
called_computation_lowered:
.L_overlay_start_0:
0x88: {  	s2 =	sld [smem:$0x3FD9]  }
0x89: {  	s3 =	sld [smem:$0x3FFE];
	_ =	sdelay $0x1  }
0x8a: {  	s1 =	srdreg.scid  }
0x8b: {  	s0 =	sand.u32 $0x1, s1  }
0x8c: {  	s17 =	sshll.u32 s0, $0xA;
	s2 =	sadd.s32 s3, s2  }
0x8d: {  	s2 =	sadd.s32 s2, s17  }
0x8e: {  	[smem:$0x3FC4] =	sst s2  }
0x8f: {  	_ = 	snop  }
0x90: {  	s2 =	sld [smem:$0x3FC9]  }
0x91: {  	s18 =	sld [smem:$0x3FD0];
	(tm) =	ssettm $0x1  }
0x92: {  	s4 =	sld [smem:$0x3FFB];
	_ =	sdelay $0x3  }
0x93: {  	_ =	strace s4  }
0x94: {  	s4 =	sld [smem:$0x3FFC];
	_ =	sdelay $0x3  }
0x95: {  	_ =	strace s4  }
0x96: {  	s4 =	sld [smem:$0x3FFD];
	_ =	sdelay $0x3  }
0x97: {  	_ =	strace s4  }
0x98: {  	_ =	strace $0x8FFFFFFF  }
0x99: {  	s19 =	sld [smem:$0x3FDB];
	_ =	sdelay $0x1  }
0x9a: {  	s5 =	simm.s32 $_scs_section_size  }
0x9b: {  	s6 =	simm.s32 $_size__tile_overlayer_lowered;
	s7 =	simm.s32 $_tile_overlayer_lowered  }
0x9c: {  	s22 =	simm.s32 $0x1BFF;
	s21 =	sshll.u32 s7, $0x1;
	s4 =	sadd.s32 s5, s19  }
0x9d: {  	s8 =	simm.s32 $0x0;
	s20 =	sshll.u32 s6, $0x1;
	s6 =	sadd.s32 s21, s4  }
0x9e: {  	[timem:s8], [sflag:s22] =	dma.local [hbm:s6], s20  }
0x9f: {  	_ =	swait.ge [sflag:s22], s20  }
0xa0: {  	s5 =	ssub.s32 $0x0, s20;
	[sflag:s22] =	ssyncset.done $0x0  }
0xa1: {  	[sflag:s22] =	ssyncadd.s32 s5;
	_ =	sdelay $0x1  }
0xa2: {  	s23 =	simm.s32 $0x1B8B  }
0xa3: {  	_ =	swait.ge [sflag:s23], $0x1  }
0xa4: {  	[sflag:s23] =	ssyncset.done $0x0  }
0xa5: {  	s25 =	simm.s32 $0x1B8E;
	s24 =	sld [smem:$0x3FFE];
	[sflag:s23] =	ssyncadd.s32 $0xFFFFFFFF  }
0xa6: {  	s26 =	simm.s32 $execute0_lowered;
	[smem:$0x3FD2] =	sst s25  }
0xa7: {  	s6 =	sshll.u32 s26, $0x1;
	_ =	strace $0x80000046;
	[dreg:$0x1] =	wrdreg $0xFFFFFFFF  }
0xa8: {  	s28 =	simm.s32 $_size_execute0_lowered;
	s4 =	sadd.s32 s4, s6;
	[dreg:$0x0] =	wrdreg $0x0  }
0xa9: {  	s6 =	sshll.u32 s28, $0x1;
	[dreg:$0x2] =	wrdreg s4  }
0xaa: {  	[dreg:$0x3] =	wrdreg s6  }
0xab: {  	[dreg:$0x4] =	wrdreg $0xC0  }
0xac: {  	_ =	task [dreg:s8], $0x5FFFF  }
0xad: {  	[dreg:$0x1] =	wrdreg $0xFFFFFFFF  }
0xae: {  	[dreg:$0x0] =	wrdreg $0x60  }
0xaf: {  	[dreg:$0x2] =	wrdreg s2  }
0xb0: {  	[dreg:$0x3] =	wrdreg s18  }
0xb1: {  	[dreg:$0x4] =	wrdreg s24  }
0xb2: {  	[dreg:$0x5] =	wrdreg $0x9  }
0xb3: {  	_ =	task.clear_ibuf [dreg:s8], $0x6FFFF;
	_ =	strace $0x90000046  }
0xb4: {  	s29 =	simm.s32 $0x9;
	_ =	strace $0x80000048  }
0xb5: {  	_ =	swait.ge [sflag:s29], $0x1  }
0xb6: {  	[sflag:s29] =	ssyncadd.s32 $0xFFFFFFFF  }
0xb7: {  	_ =	strace $0x90000048  }
0xb8: {  	_ =	sfence  }
0xb9: {  	s30 =	sld [smem:$0x0];
	_ =	sdelay $0x2  }
0xba: {  	s31 =	sshll.u32 s1, $0xD;
	s1 =	sshrl.u32 s1, $0x2  }
0xbb: {  	s3 =	sand.u32 $0x4000, s31;
	s1 =	sadd.s32 s1, s30  }
0xbc: {  	s0 =	sor.u32 s3, s0;
	s1 =	sshll.u32 s1, $0x11  }
0xbd: {  	s0 =	sor.u32 s1, s0  }
0xbe: {  	s0 =	sadd.s32 $0x8F2B, s0  }
0xbf: {  	[sflag:s0] =	ssyncadd.remote.s32 $0x1  }
0xc0: {  	_ =	sfence.sel $0xFFFF  }
0xc1: {  	[dreg:$0x0] =	wrdreg $0xFFFFFFFF;
	(pc) =	sbr.abs _section_cstart, $3  }
0xc2: {  	[dreg:$0x1] =	wrdreg $0xFFFFFFFF  }
0xc3: {  	_ =	task.clear_ibuf [dreg:s8], $0x2FFFF;
	_ =	strace $0x9FFFFFFF  }
0xc4: {  	(tm) =	ssettm $0x7FFFFFFF  }
0xc5: {  	_ =	shalt  }
tec
execute0_lowered:
.L_overlay_start_1:
0x0: {  	(tag) =	ssettag $0x1  }
0x1: {  	v0 =	vimm.s32 $0xFEDCBA98  }
0x2: {  	v1 =	vimm.s32 $0x76543210;
	v2 =	vimm.s32 $0xBA98FEDC;
	v3 =	vimm.s32 $0x32107654  }
0x3: {  	vm0 =	vcmask $0x2F20;
	vm1 =	vcmask $0xF00;
	vm2 =	vcmask $0x700  }
0x4: {  	vm3 =	vcmask $0xB08;
	vm4 =	vcmask $0x300;
	v4 =	vimm.s32 $0xEFCDAB89  }
0x5: {  	v5 =	vimm.s32 $0x67452301;
	v0 =	vunpack.c.l.s4.s8 v0;
	v1 =	vunpack.c.l.s4.s8 v1  }
0x6: {  	s1 =	rddreg [dreg:$0x0];
	v2 =	vunpack.c.l.s4.s8 v2;
	v3 =	vunpack.c.l.s4.s8 v3;
	vm0 =	vmor vm1, vm0  }
0x7: {  	s0 =	rddreg [dreg:$0x1];
	vm1 =	vcmask $0x1710;
	vm3 =	vmor vm4, vm3;
	vm4 =	vcmask $0x1310  }
0x8: {  	s3 =	rddreg [dreg:$0x2];
	s2 =	simm.s32 $0x0;
	v4 =	vunpack.c.l.s4.s8 v4;
	v5 =	vunpack.c.l.s4.s8 v5;
	v0 =	vunpack.c.0.s8.s32 v0  }
0x9: {  	s4 =	srdreg.scid;
	s5 =	stileid.u32;
	s14 =	simm.s32 $0x2;
	vm3 =	vmor vm3, vm4;
	vm4 =	vcmask $0x1B18;
	v1 =	vunpack.c.0.s8.s32 v1  }
0xa: {  	s15 =	simm.s32 $0x80;
	s17 =	simm.s32 $0x180;
	s22 =	simm.s32 $0x1;
	vm3 =	vmor vm3, vm4;
	vm4 =	vcmask $0x2320;
	v0 =	vand.u32 $0xF, v0  }
0xb: {  	s23 =	simm.s32 $0x200;
	s24 =	simm.s32 $0x280;
	s28 =	simm.s32 $0x8390;
	v0 =	vcombine.low v0, v1;
	v1 =	vunpack.c.0.s8.s32 v2;
	v2 =	vunpack.c.0.s8.s32 v3  }
0xc: {  	s29 =	simm.s32 $0xA390;
	s30 =	simm.s32 $0xC390;
	s31 =	simm.s32 $0x10;
	vm1 =	vmor vm2, vm1;
	vm2 =	vcmask $0x2720;
	vm3 =	vmor vm3, vm4  }
0xd: {  	s18 =	simm.s32 $0x0;
	[smem:$0x7FF] =	sst s2;
	s6 =	sand.u32 $0x1, s4;
	v3 =	vimm.s32 $0x54761032;
	v1 =	vcombine.low v2, v1;
	v2 =	vimm.s32 $0xDCFE98BA  }
0xe: {  	s5 =	sshll.u32 s5, $0x1;
	s4 =	sadd.s32 $0x16E3C00, s3;
	_ =	strace $0x80000047;
	vm4 =	vcmask $0x2B28;
	v3 =	vunpack.c.l.s4.s8 v3;
	v2 =	vunpack.c.l.s4.s8 v2  }
0xf: {  	s12 =	sor.u32 s6, s5;
	s5 =	sadd.s32 $0xF42A00, s3;
	s8 =	ssub.s32 $0x2, s6;
	v4 =	vunpack.c.0.s8.s32 v4;
	v5 =	vunpack.c.0.s8.s32 v5;
	vm3 =	vmor vm3, vm4  }
0x10: {  	s6 =	sadd.s32 $0x600, s3;
	s7 =	sshll.u32 s12, $0x6;
	s25 =	sshrl.u32 s8, $0x1;
	vm4 =	vcmask $0x3330;
	v3 =	vunpack.c.0.s8.s32 v3;
	v2 =	vunpack.c.0.s8.s32 v2  }
0x11: {  	s3 =	simm.s32 $0xEB90;
	vm1 =	vmor vm1, vm2;
	vm2 =	vcmask $0x3730;
	s7 =	sadd.s32 s1, s7;
	s26 =	ssub.s32 s8, s25;
	vm3 =	vmor vm3, vm4  }
0x12: {  	s8 =	sshll.u32 s12, $0x9;
	s12 =	smul.u32 $0x6400, s12;
	s25 =	simm.s32 $0x300;
	vm4 =	vcmask $0x3B38;
	v2 =	vcombine.low v3, v2;
	v3 =	vcombine.low v5, v4  }
0x13: {  	vm1 =	vmor vm1, vm2;
	vm2 =	vmmov $0xff;
	s1 =	simm.s32 $0xE390;
	s9 =	sadd.s32 $0x10, s7;
	s10 =	sadd.s32 $0x20, s7;
	vm3 =	vmor vm3, vm4  }
0x14: {  	s11 =	sadd.s32 $0x30, s7;
	s13 =	smax.u32 s26, $0x1;
	s26 =	simm.s32 $0x380;
	v1 =	vand.u32 $0xF, v1;
	v2 =	vand.u32 $0xF, v2;
	v3 =	vand.u32 $0xF, v3  }
.LBB2_1:
0x15: {  	[tilespmem:s2], [sflag:$0x2] =	stream.linear.gather [hbm4b:s7+s2], $0x80, $0x38;
	[tilespmem:$0xED50] =	vst v63  }
0x16: {  	_ =	swait.ge [sflag:s14], $0x80  }
0x17: {  	[sflag:s14] =	ssyncset.done $0x0  }
0x18: {  	[sflag:s14] =	ssyncadd.s32 $0xFFFFFF80  }
0x19: {  	[tilespmem:s15], [sflag:$0x2] =	stream.linear.gather [hbm4b:s9+s2], $0x80, $0x38;
	[tilespmem:$0xED50] =	vst v63  }
0x1a: {  	_ =	swait.ge [sflag:s14], $0x80  }
0x1b: {  	[sflag:s14] =	ssyncset.done $0x0  }
0x1c: {  	s16 =	simm.s32 $0x100;
	[sflag:s14] =	ssyncadd.s32 $0xFFFFFF80  }
0x1d: {  	[tilespmem:s16], [sflag:$0x2] =	stream.linear.gather [hbm4b:s10+s2], $0x80, $0x38;
	[tilespmem:$0xED50] =	vst v63  }
0x1e: {  	_ =	swait.ge [sflag:s14], $0x80  }
0x1f: {  	[sflag:s14] =	ssyncset.done $0x0  }
0x20: {  	[sflag:s14] =	ssyncadd.s32 $0xFFFFFF80  }
0x21: {  	[tilespmem:s17], [sflag:$0x2] =	stream.linear.gather [hbm4b:s11+s2], $0x80, $0x38;
	[tilespmem:$0xED50] =	vst v63  }
0x22: {  	_ =	swait.ge [sflag:s14], $0x80  }
0x23: {  	[sflag:s14] =	ssyncset.done $0x0  }
0x24: {  	s19 =	simm.s32 $0x390;
	[sflag:s14] =	ssyncadd.s32 $0xFFFFFF80  }
0x25: {  	[tilespmem:s19], [sflag:$0x1] =	stream.indirect.gather [hbm4b:s4+s15], $0x40, s2, s15, $0xb8;
	[tilespmem:$0xED50] =	vst v63  }
0x26: {  	s21 =	simm.s32 $0x2390  }
0x27: {  	[tilespmem:s21], [sflag:$0x1] =	stream.indirect.gather [hbm4b:s4+s15], $0x40, s15, s15, $0xb8;
	[tilespmem:$0xED50] =	vst v63  }
0x28: {  	s20 =	simm.s32 $0x4390  }
0x29: {  	[tilespmem:s20], [sflag:$0x1] =	stream.indirect.gather [hbm4b:s4+s15], $0x40, s16, s15, $0xb8;
	[tilespmem:$0xED50] =	vst v63  }
0x2a: {  	s21 =	simm.s32 $0x6390  }
0x2b: {  	[tilespmem:s21], [sflag:$0x1] =	stream.indirect.gather [hbm4b:s4+s15], $0x40, s17, s15, $0xb8;
	[tilespmem:$0xED50] =	vst v63  }
0x2c: {  	_ =	swait.ge [sflag:s22], $0x2000  }
0x2d: {  	[sflag:s22] =	ssyncset.done $0x0  }
0x2e: {  	[sflag:s22] =	ssyncadd.s32 $0xFFFFE000  }
0x2f: {  	_ =	swait.ge [sflag:s22], $0x2000  }
0x30: {  	[sflag:s22] =	ssyncset.done $0x0  }
0x31: {  	[sflag:s22] =	ssyncadd.s32 $0xFFFFE000  }
0x32: {  	_ =	swait.ge [sflag:s22], $0x2000  }
0x33: {  	[sflag:s22] =	ssyncset.done $0x0  }
0x34: {  	[sflag:s22] =	ssyncadd.s32 $0xFFFFE000  }
0x35: {  	_ =	swait.ge [sflag:s22], $0x2000  }
0x36: {  	[sflag:s22] =	ssyncset.done $0x0  }
0x37: {  	s19 =	simm.s32 $0x0;
	[sflag:s22] =	ssyncadd.s32 $0xFFFFE000  }
.LBB2_2:
0x38: {  	s16 =	smul.u32 $0x190, s19;
	_ =	sdelay $0x1  }
0x39: {  	s16 =	sadd.s32 s12, s16  }
0x3a: {  	s16 =	sshrl.u32 s16, $0x3  }
0x3b: {  	s20 =	simm.s32 $0x0;
	s16 =	sadd.s32 s0, s16  }
0x3c: {  	[tilespmem:s23], [sflag:$0x2] =	stream.linear.gather [hbm4b:s16+s20], $0x80, $0x38;
	[tilespmem:$0xED50] =	vst v63  }
0x3d: {  	_ =	swait.ge [sflag:s14], $0x80  }
0x3e: {  	[sflag:s14] =	ssyncset.done $0x0  }
0x3f: {  	s21 =	sadd.s32 $0x10, s16;
	[sflag:s14] =	ssyncadd.s32 $0xFFFFFF80  }
0x40: {  	[tilespmem:s24], [sflag:$0x2] =	stream.linear.gather [hbm4b:s21+s20], $0x80, $0x38;
	[tilespmem:$0xED50] =	vst v63  }
0x41: {  	_ =	swait.ge [sflag:s14], $0x80  }
0x42: {  	[sflag:s14] =	ssyncset.done $0x0  }
0x43: {  	s21 =	sadd.s32 $0x20, s16;
	[sflag:s14] =	ssyncadd.s32 $0xFFFFFF80  }
0x44: {  	[tilespmem:s25], [sflag:$0x2] =	stream.linear.gather [hbm4b:s21+s20], $0x80, $0x38;
	[tilespmem:$0xED50] =	vst v63  }
0x45: {  	_ =	swait.ge [sflag:s14], $0x80  }
0x46: {  	[sflag:s14] =	ssyncset.done $0x0  }
0x47: {  	s16 =	sadd.s32 $0x30, s16;
	[sflag:s14] =	ssyncadd.s32 $0xFFFFFF80  }
0x48: {  	[tilespmem:s26], [sflag:$0x2] =	stream.linear.gather [hbm4b:s16+s20], $0x10, $0x38;
	[tilespmem:$0xED50] =	vst v63  }
0x49: {  	_ =	swait.ge [sflag:s14], $0x10  }
0x4a: {  	[sflag:s14] =	ssyncset.done $0x0  }
0x4b: {  	[sflag:s14] =	ssyncadd.s32 $0xFFFFFFF0  }
0x4c: {  	[tilespmem:s28], [sflag:$0x1] =	stream.indirect.gather [hbm4b:s5+s15], $0x40, s23, s15, $0xb8;
	[tilespmem:$0xED50] =	vst v63  }
0x4d: {  	_ = 	snop  }
0x4e: {  	[tilespmem:s29], [sflag:$0x1] =	stream.indirect.gather [hbm4b:s5+s15], $0x40, s24, s15, $0xb8;
	[tilespmem:$0xED50] =	vst v63  }
0x4f: {  	_ = 	snop  }
0x50: {  	[tilespmem:s30], [sflag:$0x1] =	stream.indirect.gather [hbm4b:s5+s15], $0x40, s25, s15, $0xb8;
	[tilespmem:$0xED50] =	vst v63  }
0x51: {  	_ = 	snop  }
0x52: {  	[tilespmem:s1], [sflag:$0x1] =	stream.indirect.gather [hbm4b:s5+s31], $0x40, s26, s31, $0xb8;
	[tilespmem:$0xED50] =	vst v63  }
0x53: {  	_ =	swait.ge [sflag:s22], $0x2000  }
0x54: {  	[sflag:s22] =	ssyncset.done $0x0  }
0x55: {  	[sflag:s22] =	ssyncadd.s32 $0xFFFFE000  }
0x56: {  	_ =	swait.ge [sflag:s22], $0x2000  }
0x57: {  	[sflag:s22] =	ssyncset.done $0x0  }
0x58: {  	[sflag:s22] =	ssyncadd.s32 $0xFFFFE000  }
0x59: {  	s21 =	sshll.u32 s19, $0x9;
	_ =	swait.ge [sflag:s22], $0x2000  }
0x5a: {  	s16 =	sand.u32 $0x3FFFFE00, s21;
	[sflag:s22] =	ssyncset.done $0x0  }
0x5b: {  	s16 =	sadd.s32 $0x390, s16;
	[sflag:s22] =	ssyncadd.s32 $0xFFFFE000  }
0x5c: {  	v4 =	vmov s16;
	_ =	swait.ge [sflag:s22], $0x400  }
0x5d: {  	[sflag:s22] =	ssyncset.done $0x0  }
0x5e: {  	[sflag:s22] =	ssyncadd.s32 $0xFFFFFC00  }
.LBB2_3:
0x5f: {  	s16 =	sshll.u32 s20, $0x6  }
0x60: {  	s16 =	sand.u32 $0x3FFFFFC0, s16  }
0x61: {  	v7 =	vld.idx.msk [tilespmem:v4+s16+$0x0 ss:$0x1], $0xffff  }
0x62: {  	s21 =	smul.u32 $0x3200, s20;
	v8 =	vld.idx.msk [tilespmem:v4+s16+$0x10 ss:$0x1], $0xffff  }
0x63: {  	v6 =	vld.idx.msk [tilespmem:v4+s16+$0x20 ss:$0x1], $0xffff  }
0x64: {  	v5 =	vld.idx.msk [tilespmem:v4+s16+$0x30 ss:$0x1], $0xffff;
	s21 =	sshra.s32 s21, $0x2  }
0x65: {  	v9 =	vld [tilespmem:s21+$0x8390]  }
0x66: {  	v10 =	vld [tilespmem:s21+$0x83A0]  }
0x67: {  	v11 =	vld [tilespmem:s21+$0x83B0]  }
0x68: {  	v12 =	vld [tilespmem:s21+$0x83C0]  }
0x69: {  	v13 =	vld [tilespmem:s21+$0x83D0]  }
0x6a: {  	v14 =	vld [tilespmem:s21+$0x83E0]  }
0x6b: {  	v15 =	vld [tilespmem:s21+$0x83F0]  }
0x6c: {  	v16 =	vld [tilespmem:s21+$0x8400]  }
0x6d: {  	v17 =	vld [tilespmem:s21+$0x8410]  }
0x6e: {  	v18 =	vld [tilespmem:s21+$0x8420]  }
0x6f: {  	v19 =	vld [tilespmem:s21+$0x8430]  }
0x70: {  	v20 =	vld [tilespmem:s21+$0x8440]  }
0x71: {  	v21 =	vld [tilespmem:s21+$0x8450]  }
0x72: {  	v22 =	vld [tilespmem:s21+$0x8460]  }
0x73: {  	v23 =	vld [tilespmem:s21+$0x8470]  }
0x74: {  	v24 =	vld [tilespmem:s21+$0x8480]  }
0x75: {  	v25 =	vld [tilespmem:s21+$0x8490]  }
0x76: {  	v26 =	vld [tilespmem:s21+$0x84A0]  }
0x77: {  	v27 =	vld [tilespmem:s21+$0x84B0]  }
0x78: {  	v28 =	vld [tilespmem:s21+$0x84C0]  }
0x79: {  	v29 =	vld [tilespmem:s21+$0x84D0]  }
0x7a: {  	v30 =	vld [tilespmem:s21+$0x84E0]  }
0x7b: {  	v31 =	vld [tilespmem:s21+$0x84F0]  }
0x7c: {  	v32 =	vld [tilespmem:s21+$0x8500]  }
0x7d: {  	v33 =	vld [tilespmem:s21+$0x8510]  }
0x7e: {  	v34 =	vld [tilespmem:s21+$0x8520]  }
0x7f: {  	v35 =	vld [tilespmem:s21+$0x8530]  }
0x80: {  	v36 =	vld [tilespmem:s21+$0x8540]  }
0x81: {  	v37 =	vld [tilespmem:s21+$0x8550]  }
0x82: {  	v38 =	vld [tilespmem:s21+$0x8560];
	v9 =	vmul.f32 v9, v7;
	v10 =	vmul.f32 v10, v8  }
0x83: {  	v39 =	vld [tilespmem:s21+$0x8570];
	v63 =	vmul.f32 v11, v6;
	v13 =	vmul.f32 v13, v7  }
0x84: {  	v40 =	vld [tilespmem:s21+$0x8580];
	v14 =	vmul.f32 v14, v8;
	v44 =	vmul.f32 v12, v5  }
0x85: {  	v41 =	vld [tilespmem:s21+$0x85A0];
	v45 =	vmul.f32 v15, v6;
	v46 =	vmul.f32 v17, v7  }
0x86: {  	v55 =	vld [tilespmem:s21+$0x8620];
	v47 =	vmul.f32 v18, v8;
	v48 =	vmul.f32 v21, v7  }
0x87: {  	v61 =	vld [tilespmem:s21+$0x8650];
	v49 =	vmul.f32 v22, v8;
	v16 =	vmul.f32 v16, v5  }
0x88: {  	v43 =	vld [tilespmem:s21+$0x8670];
	v50 =	vmul.f32 v19, v6;
	v20 =	vmul.f32 v20, v5  }
0x89: {  	v11 =	vld [tilespmem:s21+$0x8590];
	v51 =	vmul.f32 v23, v6;
	v52 =	vmul.f32 v25, v7  }
0x8a: {  	v12 =	vld [tilespmem:s21+$0x85B0];
	v53 =	vmul.f32 v26, v8;
	v54 =	vmul.f32 v24, v5  }
0x8b: {  	v15 =	vld [tilespmem:s21+$0x85C0];
	v56 =	vmul.f32 v27, v6;
	v57 =	vmul.f32 v29, v7  }
0x8c: {  	v18 =	vld [tilespmem:s21+$0x85D0];
	v58 =	vmul.f32 v30, v8;
	v59 =	vmul.f32 v33, v7  }
0x8d: {  	v22 =	vld [tilespmem:s21+$0x85E0];
	v60 =	vmul.f32 v34, v8;
	v28 =	vmul.f32 v28, v5  }
0x8e: {  	v19 =	vld [tilespmem:s21+$0x85F0];
	v62 =	vmul.f32 v31, v6;
	v32 =	vmul.f32 v32, v5  }
0x8f: {  	v23 =	vld [tilespmem:s21+$0x8600];
	v42 =	vmul.f32 v35, v6;
	v21 =	vmul.f32 v55, v8;
	v9 =	vadd.f32 v10, v9  }
0x90: {  	v26 =	vld [tilespmem:s21+$0x8610];
	v61 =	vmul.f32 v61, v7;
	v13 =	vadd.f32 v14, v13;
	v10 =	vadd.f32 v47, v46  }
0x91: {  	v25 =	vld [tilespmem:s21+$0x8630];
	v14 =	vadd.f32 v49, v48;
	v17 =	vadd.f32 v53, v52;
	v47 =	vmul.f32 v36, v5  }
0x92: {  	v27 =	vld [tilespmem:s21+$0x8640];
	v24 =	vadd.f32 v60, v59;
	v49 =	vmul.f32 v39, v6;
	v53 =	vmul.f32 v40, v5  }
0x93: {  	v55 =	vld [tilespmem:s21+$0x86E0];
	v40 =	vmul.f32 v43, v6;
	v9 =	vadd.f32 v63, v9;
	v13 =	vadd.f32 v45, v13  }
0x94: {  	v46 =	vld [tilespmem:s21+$0x8680];
	v14 =	vadd.f32 v51, v14;
	v45 =	vmul.f32 v38, v8;
	v51 =	vmul.f32 v41, v8  }
0x95: {  	v48 =	vld [tilespmem:s21+$0x8690];
	v10 =	vadd.f32 v50, v10;
	v11 =	vmul.f32 v11, v7;
	v12 =	vmul.f32 v12, v6  }
0x96: {  	v52 =	vld [tilespmem:s21+$0x86B0];
	v17 =	vadd.f32 v56, v17;
	v18 =	vmul.f32 v18, v7;
	v22 =	vmul.f32 v22, v8  }
0x97: {  	v60 =	vld [tilespmem:s21+$0x8700];
	v24 =	vadd.f32 v42, v24;
	v26 =	vmul.f32 v26, v7;
	v56 =	vmul.f32 v15, v5  }
0x98: {  	v63 =	vld [tilespmem:s21+$0x8660];
	v19 =	vmul.f32 v19, v6;
	v59 =	vmul.f32 v25, v6;
	v9 =	vadd.f32 v44, v9  }
0x99: {  	v50 =	vld [tilespmem:s21+$0x86A0];
	v31 =	vmul.f32 v23, v5;
	v13 =	vadd.f32 v16, v13;
	v20 =	vadd.f32 v20, v10  }
0x9a: {  	v38 =	vld [tilespmem:s21+$0x8720];
	v39 =	vmul.f32 v27, v5;
	v10 =	vadd.f32 v54, v14;
	v14 =	vadd.f32 v58, v57  }
0x9b: {  	v41 =	vld [tilespmem:s21+$0x8750];
	v44 =	vmul.f32 v37, v7;
	v17 =	vadd.f32 v28, v17;
	v24 =	vadd.f32 v47, v24  }
0x9c: {  	v37 =	vld [tilespmem:s21+$0x86C0];
	v11 =	vadd.f32 v51, v11;
	v57 =	vadd.f32 v22, v18;
	v42 =	vmul.f32 v48, v7  }
0x9d: {  	v54 =	vld [tilespmem:s21+$0x86D0];
	v21 =	vadd.f32 v21, v26;
	v47 =	vmul.f32 v52, v6;
	v25 =	vmul.f32 v60, v5  }
0x9e: {  	v58 =	vld [tilespmem:s21+$0x86F0];
	v14 =	vadd.f32 v62, v14;
	v16 =	vadd.f32 v45, v44;
	v45 =	vmul.f32 v46, v5  }
0x9f: {  	v48 =	vld [tilespmem:s21+$0x8770];
	v11 =	vadd.f32 v12, v11;
	v62 =	vmul.f32 v63, v8;
	v15 =	vadd.f32 v19, v57  }
0xa0: {  	v52 =	vld [tilespmem:s21+$0x8780];
	v21 =	vadd.f32 v59, v21;
	v43 =	vmul.f32 v50, v8;
	v22 =	vmul.f32 v38, v8  }
0xa1: {  	v44 =	vld [tilespmem:s21+$0x8760];
	v27 =	vmul.f32 v41, v7;
	v14 =	vadd.f32 v32, v14;
	v16 =	vadd.f32 v49, v16  }
0xa2: {  	v46 =	vld [tilespmem:s21+$0x8730];
	v49 =	vmul.f32 v55, v8;
	v11 =	vadd.f32 v56, v11;
	v12 =	vadd.f32 v62, v61  }
0xa3: {  	v15 =	vadd.f32 v31, v15;
	v21 =	vadd.f32 v39, v21;
	v28 =	vmul.f32 v54, v7  }
0xa4: {  	v63 =	vld [tilespmem:s21+$0x8710];
	v19 =	vadd.f32 v43, v42;
	v18 =	vmul.f32 v58, v6;
	v54 =	vmul.f32 v37, v5  }
0xa5: {  	v50 =	vld [tilespmem:s21+$0x8740];
	v16 =	vadd.f32 v53, v16;
	v56 =	vmul.f32 v48, v6;
	v12 =	vadd.f32 v40, v12  }
0xa6: {  	v58 =	vmul.f32 v52, v5;
	v19 =	vadd.f32 v47, v19;
	v23 =	vadd.f32 v49, v28  }
0xa7: {  	v53 =	vmul.f32 v44, v8;
	v26 =	vmul.f32 v46, v6;
	v59 =	vsel vm2, v11, v9  }
0xa8: {  	v61 =	vsel vm2, v21, v20;
	v9 =	vsel vm2, v9, v11;
	v28 =	vsel vm2, v15, v13  }
0xa9: {  	v13 =	vsel vm2, v13, v15;
	v51 =	vmul.f32 v63, v7;
	v18 =	vadd.f32 v18, v23  }
0xaa: {  	v57 =	vmul.f32 v50, v5;
	v55 =	vadd.f32 v53, v27;
	v19 =	vadd.f32 v54, v19  }
0xab: {  	v63 =	vperm.xlane v61, v0;
	v12 =	vadd.f32 v45, v12;
	v22 =	vadd.f32 v22, v51  }
0xac: {  	v23 =	vadd.f32 v56, v55;
	v18 =	vadd.f32 v25, v18;
	v60 =	vsel vm2, v19, v17  }
0xad: {  	v25 =	vperm.xlane v59, v0;
	v62 =	vsel vm2, v17, v19;
	v31 =	vsel vm2, v12, v10  }
0xae: {  	v10 =	vsel vm2, v10, v12;
	v22 =	vadd.f32 v26, v22;
	v26 =	vperm.xlane v60, v0  }
0xaf: {  	v15 =	vperm.xlane v31, v0;
	v23 =	vadd.f32 v58, v23;
	v9 =	vadd.f32 v25, v9  }
0xb0: {  	v29 =	vsel vm2, v18, v14;
	v14 =	vsel vm2, v14, v18;
	v22 =	vadd.f32 v57, v22  }
0xb1: {  	v11 =	vadd.f32 v26, v62;
	v26 =	vsel vm2, v20, v21;
	v20 =	vperm.xlane v28, v0  }
0xb2: {  	v30 =	vperm.xlane v29, v0;
	v10 =	vadd.f32 v15, v10;
	v17 =	vadd.f32 v63, v26  }
0xb3: {  	v32 =	vsel vm2, v23, v16;
	v34 =	vsel vm2, v16, v23;
	v27 =	vsel vm2, v22, v24  }
0xb4: {  	v22 =	vsel vm2, v24, v22;
	v18 =	vperm.xlane v32, v0;
	v19 =	vperm.xlane v27, v0  }
0xb5: {  	v13 =	vadd.f32 v20, v13;
	v14 =	vadd.f32 v30, v14;
	v33 =	vsel vm0, v11, v9  }
0xb6: {  	v9 =	vsel vm0, v9, v11;
	v12 =	vadd.f32 v18, v34;
	v19 =	vadd.f32 v19, v22  }
0xb7: {  	v35 =	vperm.xlane v33, v1;
	v37 =	vsel vm0, v14, v13;
	v13 =	vsel vm0, v13, v14  }
0xb8: {  	v15 =	vperm.xlane v37, v1;
	v38 =	vsel vm0, v12, v10;
	v36 =	vsel vm0, v19, v17  }
0xb9: {  	v9 =	vadd.f32 v35, v9;
	v16 =	vperm.xlane v38, v1;
	v11 =	vperm.xlane v36, v1  }
0xba: {  	v10 =	vsel vm0, v10, v12;
	v17 =	vsel vm0, v17, v19;
	v39 =	vadd.f32 v15, v13  }
0xbb: {  	v10 =	vadd.f32 v16, v10;
	v11 =	vadd.f32 v11, v17;
	_ =	sdelay $0x1  }
0xbc: {  	v41 =	vsel vm1, v10, v39;
	v40 =	vsel vm1, v11, v9  }
0xbd: {  	v14 =	vperm.xlane v41, v2;
	v13 =	vperm.xlane v40, v2  }
0xbe: {  	v10 =	vsel vm1, v39, v10;
	v9 =	vsel vm1, v9, v11  }
0xbf: {  	v10 =	vadd.f32 v14, v10;
	v9 =	vadd.f32 v13, v9;
	_ =	sdelay $0x1  }
0xc0: {  	v42 =	vsel vm3, v10, v9  }
0xc1: {  	v11 =	vperm.xlane v42, v3  }
0xc2: {  	s16 =	smul.u32 $0xE0, s20;
	v9 =	vsel vm3, v9, v10  }
0xc3: {  	v9 =	vadd.f32 v9, v11  }
0xc4: {  	s16 =	sshra.s32 s16, $0x2  }
0xc5: {  	[tilespmem:s16+$0xEB90] =	vst v9  }
0xc6: {  	v9 =	vld [tilespmem:s21+$0x8790]  }
0xc7: {  	v43 =	vld [tilespmem:s21+$0x87A0]  }
0xc8: {  	v63 =	vld [tilespmem:s21+$0x87B0]  }
0xc9: {  	v44 =	vld [tilespmem:s21+$0x87C0]  }
0xca: {  	v45 =	vld [tilespmem:s21+$0x87D0]  }
0xcb: {  	v46 =	vld [tilespmem:s21+$0x87E0]  }
0xcc: {  	v47 =	vld [tilespmem:s21+$0x87F0]  }
0xcd: {  	v16 =	vld [tilespmem:s21+$0x8800]  }
0xce: {  	v48 =	vld [tilespmem:s21+$0x8810]  }
0xcf: {  	v49 =	vld [tilespmem:s21+$0x8820]  }
0xd0: {  	v50 =	vld [tilespmem:s21+$0x8830]  }
0xd1: {  	v51 =	vld [tilespmem:s21+$0x8840]  }
0xd2: {  	v52 =	vld [tilespmem:s21+$0x8850]  }
0xd3: {  	v53 =	vld [tilespmem:s21+$0x8860]  }
0xd4: {  	v54 =	vld [tilespmem:s21+$0x8870]  }
0xd5: {  	v55 =	vld [tilespmem:s21+$0x8880]  }
0xd6: {  	v56 =	vld [tilespmem:s21+$0x8890]  }
0xd7: {  	v57 =	vld [tilespmem:s21+$0x88A0]  }
0xd8: {  	v58 =	vld [tilespmem:s21+$0x88B0]  }
0xd9: {  	v28 =	vld [tilespmem:s21+$0x88C0]  }
0xda: {  	v59 =	vld [tilespmem:s21+$0x88D0]  }
0xdb: {  	v60 =	vld [tilespmem:s21+$0x88E0]  }
0xdc: {  	v31 =	vld [tilespmem:s21+$0x88F0]  }
0xdd: {  	v32 =	vld [tilespmem:s21+$0x8900]  }
0xde: {  	v61 =	vld [tilespmem:s21+$0x8910]  }
0xdf: {  	v62 =	vld [tilespmem:s21+$0x8920]  }
0xe0: {  	v35 =	vld [tilespmem:s21+$0x8930]  }
0xe1: {  	v36 =	vld [tilespmem:s21+$0x8940]  }
0xe2: {  	v37 =	vld [tilespmem:s21+$0x8950];
	v9 =	vmul.f32 v9, v7;
	v10 =	vmul.f32 v43, v8  }
0xe3: {  	v38 =	vld [tilespmem:s21+$0x8960];
	v63 =	vmul.f32 v63, v6;
	v13 =	vmul.f32 v45, v7  }
0xe4: {  	v39 =	vld [tilespmem:s21+$0x8970];
	v14 =	vmul.f32 v46, v8;
	v44 =	vmul.f32 v44, v5  }
0xe5: {  	v40 =	vld [tilespmem:s21+$0x8980];
	v45 =	vmul.f32 v47, v6;
	v46 =	vmul.f32 v48, v7  }
0xe6: {  	v11 =	vld [tilespmem:s21+$0x8990];
	v47 =	vmul.f32 v49, v8;
	v48 =	vmul.f32 v52, v7  }
0xe7: {  	v41 =	vld [tilespmem:s21+$0x89A0];
	v49 =	vmul.f32 v53, v8;
	v16 =	vmul.f32 v16, v5  }
0xe8: {  	v12 =	vld [tilespmem:s21+$0x89B0];
	v50 =	vmul.f32 v50, v6;
	v20 =	vmul.f32 v51, v5  }
0xe9: {  	v15 =	vld [tilespmem:s21+$0x89C0];
	v51 =	vmul.f32 v54, v6;
	v52 =	vmul.f32 v56, v7  }
0xea: {  	v18 =	vld [tilespmem:s21+$0x89D0];
	v53 =	vmul.f32 v57, v8;
	v54 =	vmul.f32 v55, v5  }
0xeb: {  	v22 =	vld [tilespmem:s21+$0x89E0];
	v56 =	vmul.f32 v58, v6;
	v57 =	vmul.f32 v59, v7  }
0xec: {  	v26 =	vld [tilespmem:s21+$0x8A10];
	v58 =	vmul.f32 v60, v8;
	v59 =	vmul.f32 v61, v7  }
0xed: {  	v19 =	vld [tilespmem:s21+$0x89F0];
	v60 =	vmul.f32 v62, v8;
	v28 =	vmul.f32 v28, v5  }
0xee: {  	v23 =	vld [tilespmem:s21+$0x8A00];
	v62 =	vmul.f32 v31, v6;
	v32 =	vmul.f32 v32, v5  }
0xef: {  	v25 =	vld [tilespmem:s21+$0x8A30];
	v42 =	vmul.f32 v35, v6;
	v11 =	vmul.f32 v11, v7  }
0xf0: {  	v27 =	vld [tilespmem:s21+$0x8A40];
	v12 =	vmul.f32 v12, v6;
	v18 =	vmul.f32 v18, v7  }
0xf1: {  	v55 =	vld [tilespmem:s21+$0x8A20];
	v22 =	vmul.f32 v22, v8;
	v26 =	vmul.f32 v26, v7  }
0xf2: {  	v61 =	vld [tilespmem:s21+$0x8A50];
	v19 =	vmul.f32 v19, v6;
	v9 =	vadd.f32 v10, v9;
	v13 =	vadd.f32 v14, v13  }
0xf3: {  	v43 =	vld [tilespmem:s21+$0x8A70];
	v31 =	vmul.f32 v23, v5;
	v10 =	vadd.f32 v47, v46;
	v14 =	vadd.f32 v49, v48  }
0xf4: {  	v17 =	vadd.f32 v53, v52;
	v24 =	vadd.f32 v60, v59;
	v46 =	vld [tilespmem:s21+$0x8A80];
	v47 =	vmul.f32 v36, v5  }
0xf5: {  	v48 =	vld [tilespmem:s21+$0x8A90];
	v49 =	vmul.f32 v39, v6;
	v53 =	vmul.f32 v40, v5;
	v9 =	vadd.f32 v63, v9  }
0xf6: {  	v52 =	vld [tilespmem:s21+$0x8AB0];
	v59 =	vmul.f32 v25, v6;
	v13 =	vadd.f32 v45, v13;
	v10 =	vadd.f32 v50, v10  }
0xf7: {  	v60 =	vld [tilespmem:s21+$0x8B00];
	v39 =	vmul.f32 v27, v5;
	v14 =	vadd.f32 v51, v14;
	v17 =	vadd.f32 v56, v17  }
0xf8: {  	v63 =	vld [tilespmem:s21+$0x8A60];
	v45 =	vmul.f32 v38, v8;
	v24 =	vadd.f32 v42, v24;
	v51 =	vmul.f32 v41, v8  }
0xf9: {  	v50 =	vld [tilespmem:s21+$0x8AA0];
	v56 =	vmul.f32 v15, v5;
	v9 =	vadd.f32 v44, v9;
	v13 =	vadd.f32 v16, v13  }
0xfa: {  	v38 =	vld [tilespmem:s21+$0x8B20];
	v21 =	vmul.f32 v55, v8;
	v20 =	vadd.f32 v20, v10;
	v10 =	vadd.f32 v54, v14  }
0xfb: {  	v41 =	vld [tilespmem:s21+$0x8B50];
	v61 =	vmul.f32 v61, v7;
	v14 =	vadd.f32 v58, v57;
	v17 =	vadd.f32 v28, v17  }
0xfc: {  	v55 =	vld [tilespmem:s21+$0x8AE0];
	v40 =	vmul.f32 v43, v6;
	v24 =	vadd.f32 v47, v24;
	v11 =	vadd.f32 v51, v11  }
0xfd: {  	v44 =	vmul.f32 v37, v7;
	v37 =	vld [tilespmem:s21+$0x8AC0];
	v57 =	vadd.f32 v22, v18;
	v21 =	vadd.f32 v21, v26  }
0xfe: {  	v54 =	vld [tilespmem:s21+$0x8AD0];
	v42 =	vmul.f32 v48, v7;
	v47 =	vmul.f32 v52, v6;
	v14 =	vadd.f32 v62, v14  }
0xff: {  	v58 =	vld [tilespmem:s21+$0x8AF0];
	v25 =	vmul.f32 v60, v5;
	v16 =	vadd.f32 v45, v44;
	v11 =	vadd.f32 v12, v11  }
0x100: {  	v48 =	vld [tilespmem:s21+$0x8B70];
	v15 =	vadd.f32 v19, v57;
	v45 =	vmul.f32 v46, v5;
	v62 =	vmul.f32 v63, v8  }
0x101: {  	v52 =	vld [tilespmem:s21+$0x8B80];
	v21 =	vadd.f32 v59, v21;
	v43 =	vmul.f32 v50, v8;
	v22 =	vmul.f32 v38, v8  }
0x102: {  	v27 =	vmul.f32 v41, v7;
	v14 =	vadd.f32 v32, v14;
	v16 =	vadd.f32 v49, v16  }
0x103: {  	v44 =	vld [tilespmem:s21+$0x8B60];
	v11 =	vadd.f32 v56, v11;
	v15 =	vadd.f32 v31, v15;
	v49 =	vmul.f32 v55, v8  }
0x104: {  	v46 =	vld [tilespmem:s21+$0x8B30];
	v12 =	vadd.f32 v62, v61;
	v21 =	vadd.f32 v39, v21;
	v28 =	vmul.f32 v54, v7  }
0x105: {  	v63 =	vld [tilespmem:s21+$0x8B10];
	v19 =	vadd.f32 v43, v42;
	v18 =	vmul.f32 v58, v6;
	v54 =	vmul.f32 v37, v5  }
0x106: {  	v50 =	vld [tilespmem:s21+$0x8B40];
	v16 =	vadd.f32 v53, v16;
	v56 =	vmul.f32 v48, v6;
	v58 =	vmul.f32 v52, v5  }
0x107: {  	v59 =	vsel vm2, v11, v9;
	v9 =	vsel vm2, v9, v11;
	v12 =	vadd.f32 v40, v12  }
0x108: {  	v19 =	vadd.f32 v47, v19;
	v23 =	vadd.f32 v49, v28;
	v53 =	vmul.f32 v44, v8  }
0x109: {  	v26 =	vmul.f32 v46, v6;
	v61 =	vsel vm2, v21, v20;
	v28 =	vsel vm2, v15, v13  }
0x10a: {  	v13 =	vsel vm2, v13, v15;
	v51 =	vmul.f32 v63, v7;
	v18 =	vadd.f32 v18, v23  }
0x10b: {  	v57 =	vmul.f32 v50, v5;
	v55 =	vadd.f32 v53, v27;
	v19 =	vadd.f32 v54, v19  }
0x10c: {  	v63 =	vperm.xlane v61, v0;
	v12 =	vadd.f32 v45, v12;
	v22 =	vadd.f32 v22, v51  }
0x10d: {  	v23 =	vadd.f32 v56, v55;
	v18 =	vadd.f32 v25, v18;
	v60 =	vsel vm2, v19, v17  }
0x10e: {  	v25 =	vperm.xlane v59, v0;
	v62 =	vsel vm2, v17, v19;
	v31 =	vsel vm2, v12, v10  }
0x10f: {  	v10 =	vsel vm2, v10, v12;
	v22 =	vadd.f32 v26, v22;
	v26 =	vperm.xlane v60, v0  }
0x110: {  	v15 =	vperm.xlane v31, v0;
	v23 =	vadd.f32 v58, v23;
	v9 =	vadd.f32 v25, v9  }
0x111: {  	v29 =	vsel vm2, v18, v14;
	v14 =	vsel vm2, v14, v18;
	v22 =	vadd.f32 v57, v22  }
0x112: {  	v11 =	vadd.f32 v26, v62;
	v26 =	vsel vm2, v20, v21;
	v20 =	vperm.xlane v28, v0  }
0x113: {  	v30 =	vperm.xlane v29, v0;
	v10 =	vadd.f32 v15, v10;
	v17 =	vadd.f32 v63, v26  }
0x114: {  	v32 =	vsel vm2, v23, v16;
	v34 =	vsel vm2, v16, v23;
	v27 =	vsel vm2, v22, v24  }
0x115: {  	v22 =	vsel vm2, v24, v22;
	v18 =	vperm.xlane v32, v0;
	v19 =	vperm.xlane v27, v0  }
0x116: {  	v13 =	vadd.f32 v20, v13;
	v14 =	vadd.f32 v30, v14;
	v33 =	vsel vm0, v11, v9  }
0x117: {  	v9 =	vsel vm0, v9, v11;
	v12 =	vadd.f32 v18, v34;
	v19 =	vadd.f32 v19, v22  }
0x118: {  	v35 =	vperm.xlane v33, v1;
	v37 =	vsel vm0, v14, v13;
	v13 =	vsel vm0, v13, v14  }
0x119: {  	v15 =	vperm.xlane v37, v1;
	v38 =	vsel vm0, v12, v10;
	v36 =	vsel vm0, v19, v17  }
0x11a: {  	v9 =	vadd.f32 v35, v9;
	v16 =	vperm.xlane v38, v1;
	v11 =	vperm.xlane v36, v1  }
0x11b: {  	v10 =	vsel vm0, v10, v12;
	v17 =	vsel vm0, v17, v19;
	v39 =	vadd.f32 v15, v13  }
0x11c: {  	v10 =	vadd.f32 v16, v10;
	v11 =	vadd.f32 v11, v17;
	_ =	sdelay $0x1  }
0x11d: {  	v41 =	vsel vm1, v10, v39;
	v40 =	vsel vm1, v11, v9  }
0x11e: {  	v14 =	vperm.xlane v41, v2;
	v13 =	vperm.xlane v40, v2  }
0x11f: {  	v10 =	vsel vm1, v39, v10;
	v9 =	vsel vm1, v9, v11  }
0x120: {  	v10 =	vadd.f32 v14, v10;
	v9 =	vadd.f32 v13, v9;
	_ =	sdelay $0x1  }
0x121: {  	v42 =	vsel vm3, v10, v9  }
0x122: {  	v11 =	vperm.xlane v42, v3  }
0x123: {  	v9 =	vsel vm3, v9, v10  }
0x124: {  	v9 =	vadd.f32 v9, v11;
	_ =	sdelay $0x1  }
0x125: {  	[tilespmem:s16+$0xEBA0] =	vst v9  }
0x126: {  	v9 =	vld [tilespmem:s21+$0x8B90]  }
0x127: {  	v43 =	vld [tilespmem:s21+$0x8BA0]  }
0x128: {  	v63 =	vld [tilespmem:s21+$0x8BB0]  }
0x129: {  	v44 =	vld [tilespmem:s21+$0x8BC0]  }
0x12a: {  	v45 =	vld [tilespmem:s21+$0x8BD0]  }
0x12b: {  	v46 =	vld [tilespmem:s21+$0x8BE0]  }
0x12c: {  	v47 =	vld [tilespmem:s21+$0x8BF0]  }
0x12d: {  	v16 =	vld [tilespmem:s21+$0x8C00]  }
0x12e: {  	v48 =	vld [tilespmem:s21+$0x8C10]  }
0x12f: {  	v49 =	vld [tilespmem:s21+$0x8C20]  }
0x130: {  	v50 =	vld [tilespmem:s21+$0x8C30]  }
0x131: {  	v51 =	vld [tilespmem:s21+$0x8C40]  }
0x132: {  	v52 =	vld [tilespmem:s21+$0x8C50]  }
0x133: {  	v53 =	vld [tilespmem:s21+$0x8C60]  }
0x134: {  	v54 =	vld [tilespmem:s21+$0x8C70]  }
0x135: {  	v55 =	vld [tilespmem:s21+$0x8C80]  }
0x136: {  	v56 =	vld [tilespmem:s21+$0x8C90]  }
0x137: {  	v57 =	vld [tilespmem:s21+$0x8CA0]  }
0x138: {  	v58 =	vld [tilespmem:s21+$0x8CB0]  }
0x139: {  	v28 =	vld [tilespmem:s21+$0x8CC0]  }
0x13a: {  	v59 =	vld [tilespmem:s21+$0x8CD0]  }
0x13b: {  	v60 =	vld [tilespmem:s21+$0x8CE0]  }
0x13c: {  	v31 =	vld [tilespmem:s21+$0x8CF0]  }
0x13d: {  	v32 =	vld [tilespmem:s21+$0x8D00]  }
0x13e: {  	v61 =	vld [tilespmem:s21+$0x8D10]  }
0x13f: {  	v62 =	vld [tilespmem:s21+$0x8D20]  }
0x140: {  	v35 =	vld [tilespmem:s21+$0x8D30]  }
0x141: {  	v36 =	vld [tilespmem:s21+$0x8D40]  }
0x142: {  	v37 =	vld [tilespmem:s21+$0x8D50];
	v9 =	vmul.f32 v9, v7;
	v10 =	vmul.f32 v43, v8  }
0x143: {  	v38 =	vld [tilespmem:s21+$0x8D60];
	v63 =	vmul.f32 v63, v6;
	v13 =	vmul.f32 v45, v7  }
0x144: {  	v39 =	vld [tilespmem:s21+$0x8D70];
	v14 =	vmul.f32 v46, v8;
	v44 =	vmul.f32 v44, v5  }
0x145: {  	v40 =	vld [tilespmem:s21+$0x8D80];
	v45 =	vmul.f32 v47, v6;
	v46 =	vmul.f32 v48, v7  }
0x146: {  	v11 =	vld [tilespmem:s21+$0x8D90];
	v47 =	vmul.f32 v49, v8;
	v48 =	vmul.f32 v52, v7  }
0x147: {  	v41 =	vld [tilespmem:s21+$0x8DA0];
	v49 =	vmul.f32 v53, v8;
	v16 =	vmul.f32 v16, v5  }
0x148: {  	v12 =	vld [tilespmem:s21+$0x8DB0];
	v50 =	vmul.f32 v50, v6;
	v20 =	vmul.f32 v51, v5  }
0x149: {  	v15 =	vld [tilespmem:s21+$0x8DC0];
	v51 =	vmul.f32 v54, v6;
	v52 =	vmul.f32 v56, v7  }
0x14a: {  	v18 =	vld [tilespmem:s21+$0x8DD0];
	v53 =	vmul.f32 v57, v8;
	v54 =	vmul.f32 v55, v5  }
0x14b: {  	v22 =	vld [tilespmem:s21+$0x8DE0];
	v56 =	vmul.f32 v58, v6;
	v57 =	vmul.f32 v59, v7  }
0x14c: {  	v26 =	vld [tilespmem:s21+$0x8E10];
	v58 =	vmul.f32 v60, v8;
	v59 =	vmul.f32 v61, v7  }
0x14d: {  	v19 =	vld [tilespmem:s21+$0x8DF0];
	v60 =	vmul.f32 v62, v8;
	v28 =	vmul.f32 v28, v5  }
0x14e: {  	v23 =	vld [tilespmem:s21+$0x8E00];
	v62 =	vmul.f32 v31, v6;
	v32 =	vmul.f32 v32, v5  }
0x14f: {  	v25 =	vld [tilespmem:s21+$0x8E30];
	v42 =	vmul.f32 v35, v6;
	v11 =	vmul.f32 v11, v7  }
0x150: {  	v27 =	vld [tilespmem:s21+$0x8E40];
	v12 =	vmul.f32 v12, v6;
	v18 =	vmul.f32 v18, v7  }
0x151: {  	v55 =	vld [tilespmem:s21+$0x8E20];
	v22 =	vmul.f32 v22, v8;
	v26 =	vmul.f32 v26, v7  }
0x152: {  	v61 =	vld [tilespmem:s21+$0x8E50];
	v19 =	vmul.f32 v19, v6;
	v9 =	vadd.f32 v10, v9;
	v13 =	vadd.f32 v14, v13  }
0x153: {  	v43 =	vld [tilespmem:s21+$0x8E70];
	v31 =	vmul.f32 v23, v5;
	v10 =	vadd.f32 v47, v46;
	v14 =	vadd.f32 v49, v48  }
0x154: {  	v17 =	vadd.f32 v53, v52;
	v24 =	vadd.f32 v60, v59;
	v46 =	vld [tilespmem:s21+$0x8E80];
	v47 =	vmul.f32 v36, v5  }
0x155: {  	v48 =	vld [tilespmem:s21+$0x8E90];
	v49 =	vmul.f32 v39, v6;
	v53 =	vmul.f32 v40, v5;
	v9 =	vadd.f32 v63, v9  }
0x156: {  	v52 =	vld [tilespmem:s21+$0x8EB0];
	v59 =	vmul.f32 v25, v6;
	v13 =	vadd.f32 v45, v13;
	v10 =	vadd.f32 v50, v10  }
0x157: {  	v60 =	vld [tilespmem:s21+$0x8F00];
	v39 =	vmul.f32 v27, v5;
	v14 =	vadd.f32 v51, v14;
	v17 =	vadd.f32 v56, v17  }
0x158: {  	v63 =	vld [tilespmem:s21+$0x8E60];
	v45 =	vmul.f32 v38, v8;
	v24 =	vadd.f32 v42, v24;
	v51 =	vmul.f32 v41, v8  }
0x159: {  	v50 =	vld [tilespmem:s21+$0x8EA0];
	v56 =	vmul.f32 v15, v5;
	v9 =	vadd.f32 v44, v9;
	v13 =	vadd.f32 v16, v13  }
0x15a: {  	v38 =	vld [tilespmem:s21+$0x8F20];
	v21 =	vmul.f32 v55, v8;
	v20 =	vadd.f32 v20, v10;
	v10 =	vadd.f32 v54, v14  }
0x15b: {  	v41 =	vld [tilespmem:s21+$0x8F50];
	v61 =	vmul.f32 v61, v7;
	v14 =	vadd.f32 v58, v57;
	v17 =	vadd.f32 v28, v17  }
0x15c: {  	v55 =	vld [tilespmem:s21+$0x8EE0];
	v40 =	vmul.f32 v43, v6;
	v24 =	vadd.f32 v47, v24;
	v11 =	vadd.f32 v51, v11  }
0x15d: {  	v44 =	vmul.f32 v37, v7;
	v37 =	vld [tilespmem:s21+$0x8EC0];
	v57 =	vadd.f32 v22, v18;
	v21 =	vadd.f32 v21, v26  }
0x15e: {  	v54 =	vld [tilespmem:s21+$0x8ED0];
	v42 =	vmul.f32 v48, v7;
	v47 =	vmul.f32 v52, v6;
	v14 =	vadd.f32 v62, v14  }
0x15f: {  	v58 =	vld [tilespmem:s21+$0x8EF0];
	v25 =	vmul.f32 v60, v5;
	v16 =	vadd.f32 v45, v44;
	v11 =	vadd.f32 v12, v11  }
0x160: {  	v48 =	vld [tilespmem:s21+$0x8F70];
	v15 =	vadd.f32 v19, v57;
	v45 =	vmul.f32 v46, v5;
	v62 =	vmul.f32 v63, v8  }
0x161: {  	v52 =	vld [tilespmem:s21+$0x8F80];
	v21 =	vadd.f32 v59, v21;
	v43 =	vmul.f32 v50, v8;
	v22 =	vmul.f32 v38, v8  }
0x162: {  	v44 =	vld [tilespmem:s21+$0x8F60];
	v27 =	vmul.f32 v41, v7;
	v14 =	vadd.f32 v32, v14;
	v16 =	vadd.f32 v49, v16  }
0x163: {  	v46 =	vld [tilespmem:s21+$0x8F30];
	v11 =	vadd.f32 v56, v11;
	v15 =	vadd.f32 v31, v15;
	v49 =	vmul.f32 v55, v8  }
0x164: {  	v63 =	vld [tilespmem:s21+$0x8F10];
	v12 =	vadd.f32 v62, v61;
	v21 =	vadd.f32 v39, v21;
	v28 =	vmul.f32 v54, v7  }
0x165: {  	v50 =	vld [tilespmem:s21+$0x8F40];
	v19 =	vadd.f32 v43, v42;
	v18 =	vmul.f32 v58, v6;
	v54 =	vmul.f32 v37, v5  }
0x166: {  	v16 =	vadd.f32 v53, v16;
	v56 =	vmul.f32 v48, v6;
	v58 =	vmul.f32 v52, v5  }
0x167: {  	v59 =	vsel vm2, v11, v9;
	v9 =	vsel vm2, v9, v11;
	v29 =	vsel vm2, v15, v13  }
0x168: {  	v13 =	vsel vm2, v13, v15;
	v12 =	vadd.f32 v40, v12;
	v19 =	vadd.f32 v47, v19  }
0x169: {  	v23 =	vadd.f32 v49, v28;
	v53 =	vmul.f32 v44, v8;
	v26 =	vmul.f32 v46, v6  }
0x16a: {  	v61 =	vsel vm2, v21, v20;
	v51 =	vmul.f32 v63, v7;
	v57 =	vmul.f32 v50, v5  }
0x16b: {  	v63 =	vperm.xlane v61, v0;
	v12 =	vadd.f32 v45, v12;
	v55 =	vadd.f32 v53, v27  }
0x16c: {  	v18 =	vadd.f32 v18, v23;
	v19 =	vadd.f32 v54, v19;
	v27 =	vsel vm2, v20, v21  }
0x16d: {  	v20 =	vperm.xlane v29, v0;
	v22 =	vadd.f32 v22, v51;
	v23 =	vadd.f32 v56, v55  }
0x16e: {  	v18 =	vadd.f32 v25, v18;
	v60 =	vsel vm2, v19, v17;
	v25 =	vperm.xlane v59, v0  }
0x16f: {  	v62 =	vsel vm2, v17, v19;
	v17 =	vadd.f32 v63, v27;
	v13 =	vadd.f32 v20, v13  }
0x170: {  	v32 =	vsel vm2, v12, v10;
	v10 =	vsel vm2, v10, v12;
	v22 =	vadd.f32 v26, v22  }
0x171: {  	v26 =	vperm.xlane v60, v0;
	v15 =	vperm.xlane v32, v0;
	v23 =	vadd.f32 v58, v23  }
0x172: {  	v9 =	vadd.f32 v25, v9;
	v30 =	vsel vm2, v18, v14;
	v22 =	vadd.f32 v57, v22  }
0x173: {  	v14 =	vsel vm2, v14, v18;
	v11 =	vadd.f32 v26, v62;
	v31 =	vperm.xlane v30, v0  }
0x174: {  	v10 =	vadd.f32 v15, v10;
	v33 =	vsel vm2, v23, v16;
	v28 =	vsel vm2, v22, v24  }
0x175: {  	v35 =	vsel vm2, v16, v23;
	v18 =	vperm.xlane v33, v0;
	v19 =	vperm.xlane v28, v0  }
0x176: {  	v22 =	vsel vm2, v24, v22;
	v14 =	vadd.f32 v31, v14;
	v34 =	vsel vm0, v11, v9  }
0x177: {  	v9 =	vsel vm0, v9, v11;
	v12 =	vadd.f32 v18, v35;
	v19 =	vadd.f32 v19, v22  }
0x178: {  	v36 =	vperm.xlane v34, v1;
	v38 =	vsel vm0, v14, v13;
	v13 =	vsel vm0, v13, v14  }
0x179: {  	v15 =	vperm.xlane v38, v1;
	v39 =	vsel vm0, v12, v10;
	v37 =	vsel vm0, v19, v17  }
0x17a: {  	v9 =	vadd.f32 v36, v9;
	v16 =	vperm.xlane v39, v1;
	v11 =	vperm.xlane v37, v1  }
0x17b: {  	v10 =	vsel vm0, v10, v12;
	v17 =	vsel vm0, v17, v19;
	v40 =	vadd.f32 v15, v13  }
0x17c: {  	v10 =	vadd.f32 v16, v10;
	v11 =	vadd.f32 v11, v17;
	_ =	sdelay $0x1  }
0x17d: {  	v42 =	vsel vm1, v10, v40;
	v41 =	vsel vm1, v11, v9  }
0x17e: {  	v14 =	vperm.xlane v42, v2;
	v13 =	vperm.xlane v41, v2  }
0x17f: {  	v10 =	vsel vm1, v40, v10;
	v9 =	vsel vm1, v9, v11  }
0x180: {  	v10 =	vadd.f32 v14, v10;
	v9 =	vadd.f32 v13, v9;
	_ =	sdelay $0x1  }
0x181: {  	v43 =	vsel vm3, v10, v9  }
0x182: {  	v11 =	vperm.xlane v43, v3  }
0x183: {  	v9 =	vsel vm3, v9, v10  }
0x184: {  	v9 =	vadd.f32 v9, v11;
	_ =	sdelay $0x1  }
0x185: {  	[tilespmem:s16+$0xEBB0] =	vst v9  }
0x186: {  	v9 =	vld [tilespmem:s21+$0x8D90]  }
0x187: {  	v44 =	vld [tilespmem:s21+$0x8DA0]  }
0x188: {  	v51 =	vld [tilespmem:s21+$0x8DB0]  }
0x189: {  	v52 =	vld [tilespmem:s21+$0x8DC0]  }
0x18a: {  	v53 =	vld [tilespmem:s21+$0x8DD0]  }
0x18b: {  	v54 =	vld [tilespmem:s21+$0x8DE0]  }
0x18c: {  	v55 =	vld [tilespmem:s21+$0x8DF0]  }
0x18d: {  	v56 =	vld [tilespmem:s21+$0x8E00]  }
0x18e: {  	v57 =	vld [tilespmem:s21+$0x8E10]  }
0x18f: {  	v58 =	vld [tilespmem:s21+$0x8E20]  }
0x190: {  	v59 =	vld [tilespmem:s21+$0x8E30]  }
0x191: {  	v20 =	vld [tilespmem:s21+$0x8E40]  }
0x192: {  	v60 =	vld [tilespmem:s21+$0x8E50]  }
0x193: {  	v61 =	vld [tilespmem:s21+$0x8E60]  }
0x194: {  	v62 =	vld [tilespmem:s21+$0x8E70]  }
0x195: {  	v24 =	vld [tilespmem:s21+$0x8E80]  }
0x196: {  	v63 =	vld [tilespmem:s21+$0x8E90]  }
0x197: {  	v45 =	vld [tilespmem:s21+$0x8EA0]  }
0x198: {  	v46 =	vld [tilespmem:s21+$0x8EB0]  }
0x199: {  	v28 =	vld [tilespmem:s21+$0x8EC0]  }
0x19a: {  	v47 =	vld [tilespmem:s21+$0x8ED0]  }
0x19b: {  	v48 =	vld [tilespmem:s21+$0x8EE0]  }
0x19c: {  	v49 =	vld [tilespmem:s21+$0x8EF0]  }
0x19d: {  	v50 =	vld [tilespmem:s21+$0x8F00]  }
0x19e: {  	v33 =	vld [tilespmem:s21+$0x8F10]  }
0x19f: {  	v34 =	vld [tilespmem:s21+$0x8F20]  }
0x1a0: {  	v35 =	vld [tilespmem:s21+$0x8F30]  }
0x1a1: {  	v36 =	vld [tilespmem:s21+$0x8F40]  }
0x1a2: {  	v37 =	vld [tilespmem:s21+$0x8F50];
	v9 =	vmul.f32 v9, v7  }
0x1a3: {  	v38 =	vld [tilespmem:s21+$0x8F60];
	v10 =	vmul.f32 v44, v8;
	v13 =	vmul.f32 v53, v7  }
0x1a4: {  	v39 =	vld [tilespmem:s21+$0x8F70];
	v14 =	vmul.f32 v54, v8;
	v51 =	vmul.f32 v51, v6  }
0x1a5: {  	v40 =	vld [tilespmem:s21+$0x8F80];
	v52 =	vmul.f32 v52, v5;
	v53 =	vmul.f32 v55, v6  }
0x1a6: {  	v41 =	vld [tilespmem:s21+$0x8F90];
	v54 =	vmul.f32 v56, v5;
	v55 =	vmul.f32 v57, v7  }
0x1a7: {  	v12 =	vld [tilespmem:s21+$0x8FB0];
	v56 =	vmul.f32 v58, v8;
	v57 =	vmul.f32 v60, v7  }
0x1a8: {  	v18 =	vld [tilespmem:s21+$0x8FD0];
	v58 =	vmul.f32 v61, v8;
	v59 =	vmul.f32 v59, v6  }
0x1a9: {  	v22 =	vld [tilespmem:s21+$0x8FE0];
	v61 =	vmul.f32 v62, v6;
	v62 =	vmul.f32 v63, v7  }
0x1aa: {  	v19 =	vld [tilespmem:s21+$0x8FF0];
	v63 =	vmul.f32 v45, v8;
	v43 =	vmul.f32 v47, v7  }
0x1ab: {  	v23 =	vld [tilespmem:s21+$0x9010];
	v44 =	vmul.f32 v48, v8;
	v20 =	vmul.f32 v20, v5  }
0x1ac: {  	v16 =	vld [tilespmem:s21+$0x8FC0];
	v46 =	vmul.f32 v46, v6;
	v24 =	vmul.f32 v24, v5  }
0x1ad: {  	v15 =	vld [tilespmem:s21+$0x9000];
	v47 =	vmul.f32 v49, v6;
	v48 =	vmul.f32 v28, v5  }
0x1ae: {  	v42 =	vld [tilespmem:s21+$0x8FA0];
	v50 =	vmul.f32 v50, v5;
	v18 =	vmul.f32 v18, v7  }
0x1af: {  	v27 =	vld [tilespmem:s21+$0x9030];
	v22 =	vmul.f32 v22, v8;
	v12 =	vmul.f32 v12, v6  }
0x1b0: {  	v29 =	vld [tilespmem:s21+$0x9040];
	v19 =	vmul.f32 v19, v6;
	v23 =	vmul.f32 v23, v7  }
0x1b1: {  	v31 =	vld [tilespmem:s21+$0x90C0];
	v16 =	vmul.f32 v16, v5;
	v9 =	vadd.f32 v10, v9;
	v13 =	vadd.f32 v14, v13  }
0x1b2: {  	v45 =	vld [tilespmem:s21+$0x9020];
	v15 =	vmul.f32 v15, v5;
	v10 =	vadd.f32 v56, v55;
	v60 =	vadd.f32 v58, v57  }
0x1b3: {  	v49 =	vld [tilespmem:s21+$0x9050];
	v17 =	vadd.f32 v63, v62;
	v55 =	vmul.f32 v37, v7;
	v56 =	vmul.f32 v38, v8  }
0x1b4: {  	v14 =	vadd.f32 v44, v43;
	v57 =	vld [tilespmem:s21+$0x9080];
	v58 =	vmul.f32 v35, v6;
	v62 =	vmul.f32 v40, v5  }
0x1b5: {  	v63 =	vld [tilespmem:s21+$0x90A0];
	v40 =	vmul.f32 v41, v7;
	v18 =	vadd.f32 v22, v18;
	v9 =	vadd.f32 v51, v9  }
0x1b6: {  	v41 =	vmul.f32 v42, v8;
	v42 =	vld [tilespmem:s21+$0x90B0];
	v13 =	vadd.f32 v53, v13;
	v10 =	vadd.f32 v59, v10  }
0x1b7: {  	v44 =	vld [tilespmem:s21+$0x90E0];
	v17 =	vadd.f32 v46, v17;
	v14 =	vadd.f32 v47, v14;
	v53 =	vmul.f32 v34, v8  }
0x1b8: {  	v37 =	vld [tilespmem:s21+$0x9140];
	v59 =	vmul.f32 v36, v5;
	v28 =	vadd.f32 v41, v40;
	v18 =	vadd.f32 v19, v18  }
0x1b9: {  	v51 =	vld [tilespmem:s21+$0x9060];
	v26 =	vmul.f32 v45, v8;
	v46 =	vmul.f32 v49, v7;
	v11 =	vadd.f32 v52, v9  }
0x1ba: {  	v45 =	vld [tilespmem:s21+$0x90F0];
	v49 =	vmul.f32 v27, v6;
	v9 =	vadd.f32 v54, v13;
	v13 =	vadd.f32 v61, v60  }
0x1bb: {  	v10 =	vadd.f32 v20, v10;
	v17 =	vadd.f32 v48, v17;
	v52 =	vmul.f32 v33, v7;
	v54 =	vld [tilespmem:s21+$0x9070]  }
0x1bc: {  	v14 =	vadd.f32 v50, v14;
	v60 =	vld [tilespmem:s21+$0x9090];
	v61 =	vmul.f32 v39, v6;
	v12 =	vadd.f32 v12, v28  }
0x1bd: {  	v50 =	vld [tilespmem:s21+$0x9110];
	v15 =	vadd.f32 v15, v18;
	v23 =	vadd.f32 v26, v23;
	v57 =	vmul.f32 v57, v5  }
0x1be: {  	v48 =	vld [tilespmem:s21+$0x9100];
	v22 =	vmul.f32 v44, v8;
	v36 =	vmul.f32 v42, v6;
	v20 =	vadd.f32 v53, v52  }
0x1bf: {  	v43 =	vld [tilespmem:s21+$0x90D0];
	v13 =	vadd.f32 v24, v13;
	v24 =	vadd.f32 v56, v55;
	v47 =	vmul.f32 v51, v8  }
0x1c0: {  	v40 =	vld [tilespmem:s21+$0x9180];
	v53 =	vadd.f32 v49, v23;
	v20 =	vadd.f32 v58, v20;
	v28 =	vmul.f32 v45, v6  }
0x1c1: {  	v52 =	vld [tilespmem:s21+$0x9120];
	v24 =	vadd.f32 v61, v24;
	v45 =	vmul.f32 v37, v5;
	v51 =	vmul.f32 v54, v6  }
0x1c2: {  	v55 =	vld [tilespmem:s21+$0x9150];
	v19 =	vadd.f32 v47, v46;
	v54 =	vmul.f32 v29, v5;
	v38 =	vmul.f32 v50, v7  }
0x1c3: {  	v58 =	vld [tilespmem:s21+$0x9160];
	v44 =	vmul.f32 v48, v5;
	v20 =	vadd.f32 v59, v20;
	v59 =	vmul.f32 v60, v7  }
0x1c4: {  	v61 =	vld [tilespmem:s21+$0x9130];
	v24 =	vadd.f32 v62, v24;
	v60 =	vmul.f32 v63, v8;
	v62 =	vmul.f32 v43, v7  }
0x1c5: {  	v12 =	vadd.f32 v16, v12;
	v43 =	vmul.f32 v31, v5;
	v5 =	vmul.f32 v40, v5  }
0x1c6: {  	v63 =	vld [tilespmem:s21+$0x9170];
	v56 =	vadd.f32 v51, v19;
	v16 =	vadd.f32 v54, v53;
	v39 =	vmul.f32 v52, v8  }
0x1c7: {  	v7 =	vmul.f32 v55, v7;
	v51 =	vsel vm2, v15, v9;
	v23 =	vadd.f32 v60, v59  }
0x1c8: {  	v9 =	vsel vm2, v9, v15;
	v19 =	vadd.f32 v22, v62;
	v18 =	vadd.f32 v57, v56  }
0x1c9: {  	v8 =	vmul.f32 v58, v8;
	v41 =	vadd.f32 v39, v38;
	v42 =	vmul.f32 v61, v6  }
0x1ca: {  	v48 =	vsel vm2, v16, v10;
	v23 =	vadd.f32 v36, v23;
	v19 =	vadd.f32 v28, v19  }
0x1cb: {  	v49 =	vperm.xlane v48, v0;
	v7 =	vadd.f32 v8, v7;
	v6 =	vmul.f32 v63, v6  }
0x1cc: {  	v10 =	vsel vm2, v10, v16;
	v21 =	vadd.f32 v42, v41;
	v8 =	vadd.f32 v43, v23  }
0x1cd: {  	v55 =	vsel vm2, v18, v13;
	v10 =	vadd.f32 v49, v10;
	v6 =	vadd.f32 v6, v7  }
0x1ce: {  	v13 =	vsel vm2, v13, v18;
	v7 =	vadd.f32 v44, v19;
	v46 =	vadd.f32 v45, v21  }
0x1cf: {  	v47 =	vsel vm2, v8, v17;
	v8 =	vsel vm2, v17, v8;
	v5 =	vadd.f32 v5, v6  }
0x1d0: {  	v6 =	vsel vm2, v12, v11;
	v21 =	vperm.xlane v47, v0;
	v11 =	vsel vm2, v11, v12  }
0x1d1: {  	v50 =	vsel vm2, v46, v20;
	v12 =	vperm.xlane v51, v0;
	v52 =	vsel vm2, v7, v14  }
0x1d2: {  	v53 =	vsel vm2, v20, v46;
	v7 =	vsel vm2, v14, v7;
	v6 =	vperm.xlane v6, v0  }
0x1d3: {  	v54 =	vperm.xlane v52, v0;
	v9 =	vadd.f32 v12, v9;
	v56 =	vsel vm2, v5, v24  }
0x1d4: {  	v12 =	vperm.xlane v55, v0;
	v6 =	vadd.f32 v6, v11;
	v11 =	vperm.xlane v50, v0  }
0x1d5: {  	v8 =	vadd.f32 v21, v8;
	v7 =	vadd.f32 v54, v7;
	v14 =	vperm.xlane v56, v0  }
0x1d6: {  	v5 =	vsel vm2, v24, v5;
	v12 =	vadd.f32 v12, v13;
	v11 =	vadd.f32 v11, v53  }
0x1d7: {  	v57 =	vsel vm0, v8, v6;
	v5 =	vadd.f32 v14, v5;
	v6 =	vsel vm0, v6, v8  }
0x1d8: {  	v59 =	vsel vm0, v7, v9;
	v7 =	vsel vm0, v9, v7;
	v15 =	vperm.xlane v57, v1  }
0x1d9: {  	v60 =	vperm.xlane v59, v1;
	v58 =	vsel vm0, v11, v10;
	v14 =	vsel vm0, v5, v12  }
0x1da: {  	v10 =	vsel vm0, v10, v11;
	v8 =	vperm.xlane v58, v1;
	v61 =	vperm.xlane v14, v1  }
0x1db: {  	v5 =	vsel vm0, v12, v5;
	v6 =	vadd.f32 v15, v6;
	v7 =	vadd.f32 v60, v7  }
0x1dc: {  	v8 =	vadd.f32 v8, v10;
	v5 =	vadd.f32 v61, v5;
	_ =	sdelay $0x1  }
0x1dd: {  	v62 =	vsel vm1, v8, v6;
	v63 =	vsel vm1, v5, v7  }
0x1de: {  	v9 =	vperm.xlane v62, v2;
	v10 =	vperm.xlane v63, v2  }
0x1df: {  	v6 =	vsel vm1, v6, v8;
	v5 =	vsel vm1, v7, v5  }
0x1e0: {  	v6 =	vadd.f32 v9, v6;
	v5 =	vadd.f32 v10, v5;
	_ =	sdelay $0x1  }
0x1e1: {  	p0 =	sne.s32 s20, $0x7;
	v7 =	vsel vm3, v5, v6  }
.Ltmp0:
0x1e2: {  	v7 =	vperm.xlane v7, v3;
	(pc) =	sbr.rel @p0 .LBB2_3-.Ltmp0, $3  }
0x1e3: {  	v5 =	vsel vm3, v6, v5  }
0x1e4: {  	v5 =	vadd.f32 v5, v7;
	_ =	sdelay $0x1  }
0x1e5: {  	s20 =	sadd.s32 $0x1, s20;
	[tilespmem:s16+$0xEBB8] =	vst v5  }
0x1e6: {  	s16 =	sshll.u32 s19, $0x3  }
0x1e7: {  	s16 =	sadd.s32 s8, s16  }
0x1e8: {  	s19 =	sadd.s32 $0x1, s19;
	s16 =	smul.u32 $0x7, s16  }
0x1e9: {  	p0 =	sne.s32 s19, $0x40  }
.Ltmp1:
0x1ea: {  	s16 =	sadd.s32 s6, s16;
	(pc) =	sbr.rel @p0 .LBB2_2-.Ltmp1, $4  }
0x1eb: {  	[hbm4b:s16+s2] =	stream.linear.scatter [tilespmem:s3], [sflag:$0x2], $0x1C0, $0x38;
	[tilespmem:$0xED50] =	vst v63  }
0x1ec: {  	_ =	swait.ge [sflag:s14], $0x1C0  }
0x1ed: {  	[sflag:s14] =	ssyncset.done $0x0  }
0x1ee: {  	[sflag:s14] =	ssyncadd.s32 $0xFFFFFE40  }
0x1ef: {  	s18 =	sadd.s32 $0x1, s18  }
0x1f0: {  	p0 =	sne.s32 s18, s13  }
.Ltmp2:
0x1f1: {  	_ = 	snop;
	(pc) =	sbr.rel @p0 .LBB2_1-.Ltmp2, $1  }
0x1f2: {  	_ =	sdelay $0x3  }
0x1f3: {  	_ =	sfence.sel $0x180000  }
0x1f4: {  	[bflag:$0x0] =	sbarrier.arrive $0xFFFF  }
0x1f5: {  	_ =	strace $0x90000047  }
0x1f6: {  	s0 =	stileid.u32;
	[bflag:$0x2] =	sbarrier.arrive $0xFFFF  }
0x1f7: {  	p0 =	sne.s32 s0, $0x0;
	s0 =	rddreg [dreg:$0x3]  }
0x1f8: {  	s0 =	sadd.s32 @!p0 $0x100000, s0  }
0x1f9: {  	[sflag:s0] =	ssyncadd.tile.s32 @!p0 $0x1;
	_ =	shalt  }
.Lfunc_end2:
_tile_overlayer_lowered:
.L_overlay_start_2:
0x1fa: {  	(tag) =	ssettag $0x2  }
0x1fb: {  	s0 =	rddreg [dreg:$0x0];
	s2 =	stileid.u32  }
0x1fc: {  	s1 =	rddreg [dreg:$0x1];
	p0 =	sne.s32 s2, $0x0  }
0x1fd: {  	s3 =	rddreg [dreg:$0x2];
	[bflag:$0x3] =	sbarrier.arrive $0xFFFF;
	s2 =	simm.s32 @!p0 $0x1C02  }
0x1fe: {  	[timem:s3], [sflag:s2] =	dma.local @!p0 [hbm:s0], s1  }
0x1ff: {  	s0 =	simm.s32 @!p0 $0x2  }
0x200: {  	_ =	swait.ge @!p0 [sflag:s0], s1  }
0x201: {  	s1 =	ssub.s32 @!p0 $0x0, s1;
	[sflag:s0] =	ssyncset.done @!p0 $0x0  }
0x202: {  	[sflag:s0] =	ssyncadd.s32 @!p0 s1  }
0x203: {  	[bflag:$0x3] =	sbarrier.arrive $0xFFFF  }
0x204: {  	_ =	shalt  }

</sc_bundles>
